<compile_context>
chip_gen: v7x
topology: tpu7x:2x2x1
jax: 0.10.2.dev20260603
libtpu: 0.0.44.dev20260713+nightly
codegen_flags: <defaults>
</compile_context>

<pallas_src>
import functools

import jax
import jax.numpy as jnp
from jax import lax
from jax.experimental import pallas as pl
from jax.experimental.pallas import tpu as pltpu
from jax.experimental.pallas import tpu_sc as plsc

N = 10000
E = 320000
G = 64
D = 128
BN_EPS = 1e-4
SLOPE = 0.01

NC = 2
NS = 16
NW = NC * NS
EPT = E // NW
CH = 128
NCHUNK = -(-EPT // CH)
EPP = NCHUNK * CH
JR = N
HCH = CH // 2
NP = 10240
RPT = NP // NS
ZR = 128

R_BLK = 2000


def _mesh():
    return plsc.VectorSubcoreMesh(core_axis_name="c", subcore_axis_name="s")



@functools.partial(
    pl.kernel,
    out_type=jax.ShapeDtypeStruct((NC, NP, D), jnp.float32),
    mesh=_mesh(),
    scratch_types=[
        pltpu.VMEM((NCHUNK, CH), jnp.int32),
        pltpu.VMEM((CH, D), jnp.float32),
        pltpu.VMEM_SHARED((NP, D), jnp.float32),
    ],
)
def _sc_degree(dst_hbm, ones_hbm, zeros_hbm, out_hbm, di_v, ones_v, acc_sh):
    cid = lax.axis_index("c")
    sid = lax.axis_index("s")
    wid = sid * NC + cid
    row0 = sid * RPT

    for k in range(RPT // ZR):
        pltpu.sync_copy(zeros_hbm, acc_sh.at[pl.ds(row0 + k * ZR, ZR)])
    pltpu.sync_copy(ones_hbm, ones_v)
    pltpu.sync_copy(dst_hbm.at[wid], di_v)

    plsc.subcore_barrier()

    def _edges(j, c):
        pltpu.sync_copy(ones_v, acc_sh.at[di_v.at[j]], add=True)
        return c

    lax.fori_loop(0, NCHUNK, _edges, 0)

    plsc.subcore_barrier()

    for k in range(RPT // ZR):
        r = row0 + k * ZR
        pltpu.sync_copy(acc_sh.at[pl.ds(r, ZR)], out_hbm.at[cid, pl.ds(r, ZR)])


@functools.partial(
    pl.kernel,
    out_type=jax.ShapeDtypeStruct((NC, NP, D), jnp.float32),
    mesh=_mesh(),
    scratch_types=[
        pltpu.VMEM((NCHUNK, CH), jnp.int32),
        pltpu.VMEM((NCHUNK, CH), jnp.int32),
        pltpu.VMEM((CH, D), jnp.float32),
        pltpu.VMEM_SHARED((NP, D), jnp.float32),
        pltpu.SemaphoreType.DMA,
    ],
)
def _sc_scatter(src_hbm, dst_hbm, hp_hbm, zeros_hbm, out_hbm,
                si_v, di_v, buf, acc_sh, sem):
    cid = lax.axis_index("c")
    sid = lax.axis_index("s")
    wid = sid * NC + cid
    row0 = sid * RPT

    for k in range(RPT // ZR):
        pltpu.sync_copy(zeros_hbm, acc_sh.at[pl.ds(row0 + k * ZR, ZR)])
    pltpu.sync_copy(src_hbm.at[wid], si_v)
    pltpu.sync_copy(dst_hbm.at[wid], di_v)

    plsc.subcore_barrier()

    def _edges(j, c):
        pltpu.async_copy(hp_hbm.at[si_v.at[j]], buf, sem).wait()
        pltpu.sync_copy(buf, acc_sh.at[di_v.at[j]], add=True)
        return c

    lax.fori_loop(0, NCHUNK, _edges, 0)

    plsc.subcore_barrier()

    for k in range(RPT // ZR):
        r = row0 + k * ZR
        pltpu.sync_copy(acc_sh.at[pl.ds(r, ZR)], out_hbm.at[cid, pl.ds(r, ZR)])



def _tc_dis(cnt):
    def body(cnt_ref, dis_ref):
        deg = cnt_ref[0, :, 0:1] + cnt_ref[1, :, 0:1] + 1.0
        dis_ref[...] = lax.rsqrt(deg)

    return pl.pallas_call(
        body,
        out_shape=jax.ShapeDtypeStruct((NP, 1), jnp.float32),
    )(cnt)


def _tc_matmul(inp, W, dis_col, s, t):
    def body(x_ref, w_ref, d_ref, s_ref, t_ref, o_ref):
        xb = (x_ref[...] * s_ref[...] + t_ref[...]) * d_ref[...]
        o_ref[...] = jnp.dot(xb, w_ref[...], preferred_element_type=jnp.float32)

    return pl.pallas_call(
        body,
        grid=(N // R_BLK,),
        in_specs=[
            pl.BlockSpec((R_BLK, D), lambda i: (i, 0)),
            pl.BlockSpec((D, D), lambda i: (0, 0)),
            pl.BlockSpec((R_BLK, 1), lambda i: (i, 0)),
            pl.BlockSpec((1, D), lambda i: (0, 0)),
            pl.BlockSpec((1, D), lambda i: (0, 0)),
        ],
        out_specs=pl.BlockSpec((R_BLK, D), lambda i: (i, 0)),
        out_shape=jax.ShapeDtypeStruct((N, D), jnp.float32),
    )(inp, W, dis_col, s, t)


def _tc_post(p, hp, dis_col, b, batch_col):
    def body(p_ref, h_ref, d_ref, b_ref, bt_ref, a_ref, st_ref, seg_ref, c_ref):
        i = pl.program_id(0)
        tot = p_ref[0] + p_ref[1] + h_ref[...]
        conv = tot * d_ref[...] + b_ref[...]
        a = jnp.where(conv >= 0, conv, SLOPE * conv)
        a_ref[...] = a
        ssum = jnp.sum(a, axis=0, keepdims=True)
        ssq = jnp.sum(a * a, axis=0, keepdims=True)
        st = jnp.concatenate([ssum, ssq], axis=0)
        oh = (bt_ref[...] == lax.broadcasted_iota(jnp.int32, (R_BLK, G), 1)
              ).astype(jnp.float32)
        seg = lax.dot_general(oh, a, (((0,), (0,)), ((), ())),
                              preferred_element_type=jnp.float32)
        cnt = jnp.sum(oh, axis=0, keepdims=True)

        @pl.when(i == 0)
        def _():
            st_ref[...] = st
            seg_ref[...] = seg
            c_ref[...] = cnt

        @pl.when(i != 0)
        def _():
            st_ref[...] += st
            seg_ref[...] += seg
            c_ref[...] += cnt

    return pl.pallas_call(
        body,
        grid=(N // R_BLK,),
        in_specs=[
            pl.BlockSpec((NC, R_BLK, D), lambda i: (0, i, 0)),
            pl.BlockSpec((R_BLK, D), lambda i: (i, 0)),
            pl.BlockSpec((R_BLK, 1), lambda i: (i, 0)),
            pl.BlockSpec((1, D), lambda i: (0, 0)),
            pl.BlockSpec((R_BLK, 1), lambda i: (i, 0)),
        ],
        out_specs=[
            pl.BlockSpec((R_BLK, D), lambda i: (i, 0)),
            pl.BlockSpec((2, D), lambda i: (0, 0)),
            pl.BlockSpec((G, D), lambda i: (0, 0)),
            pl.BlockSpec((1, G), lambda i: (0, 0)),
        ],
        out_shape=[
            jax.ShapeDtypeStruct((N, D), jnp.float32),
            jax.ShapeDtypeStruct((2, D), jnp.float32),
            jax.ShapeDtypeStruct((G, D), jnp.float32),
            jax.ShapeDtypeStruct((1, G), jnp.float32),
        ],
    )(p, hp, dis_col, b, batch_col)


def _tc_affine(st, gamma, beta):
    def body(st_ref, g_ref, be_ref, s_ref, t_ref):
        mean = st_ref[0:1, :] * (1.0 / N)
        var = st_ref[1:2, :] * (1.0 / N) - mean * mean
        s = g_ref[...] * lax.rsqrt(var + BN_EPS)
        s_ref[...] = s
        t_ref[...] = be_ref[...] - mean * s

    return pl.pallas_call(
        body,
        out_shape=[
            jax.ShapeDtypeStruct((1, D), jnp.float32),
            jax.ShapeDtypeStruct((1, D), jnp.float32),
        ],
    )(st, gamma, beta)


def _tc_pool(seg0, seg1, seg2, s0, t0, s1, t1, s2, t2, cnt_col):
    def body(g0, g1, g2, s0r, t0r, s1r, t1r, s2r, t2r, c_ref, o_ref):
        c = c_ref[...]
        cm = jnp.maximum(c, 1.0)
        for l, (gr, sr, tr) in enumerate(((g0, s0r, t0r), (g1, s1r, t1r),
                                          (g2, s2r, t2r))):
            pool = gr[...] / cm
            val = jnp.where(c > 0, pool * sr[...] + tr[...], 0.0)
            o_ref[:, l * D:(l + 1) * D] = val

    return pl.pallas_call(
        body,
        out_shape=jax.ShapeDtypeStruct((G, 3 * D), jnp.float32),
    )(seg0, seg1, seg2, s0, t0, s1, t1, s2, t2, cnt_col)


def _tc_bn(a, s, t):
    def body(a_ref, s_ref, t_ref, o_ref):
        o_ref[...] = a_ref[...] * s_ref[...] + t_ref[...]

    return pl.pallas_call(
        body,
        grid=(N // R_BLK,),
        in_specs=[
            pl.BlockSpec((R_BLK, D), lambda i: (i, 0)),
            pl.BlockSpec((1, D), lambda i: (0, 0)),
            pl.BlockSpec((1, D), lambda i: (0, 0)),
        ],
        out_specs=pl.BlockSpec((R_BLK, D), lambda i: (i, 0)),
        out_shape=jax.ShapeDtypeStruct((N, D), jnp.float32),
    )(a, s, t)



def kernel(x, edge_index, batch,
           W0, b0, gamma0, beta0,
           W1, b1, gamma1, beta1,
           W2, b2, gamma2, beta2):
    pad = NW * EPP - E
    src_r = jnp.concatenate(
        [edge_index[0], jnp.zeros((pad,), jnp.int32)]).reshape(NW, NCHUNK, CH)
    dst_r = jnp.concatenate(
        [edge_index[1], jnp.full((pad,), JR, jnp.int32)]).reshape(NW, NCHUNK, CH)
    ones_cd = jnp.ones((CH, D), jnp.float32)
    zeros_d = jnp.zeros((ZR, D), jnp.float32)

    cnt = _sc_degree(dst_r, ones_cd, zeros_d)
    dis_col = _tc_dis(cnt)
    batch_col = batch.reshape(N, 1)

    ones = jnp.ones((1, D), jnp.float32)
    zeros = jnp.zeros((1, D), jnp.float32)
    params = [(W0, b0, gamma0, beta0), (W1, b1, gamma1, beta1),
              (W2, b2, gamma2, beta2)]

    inp = x
    s_prev, t_prev = ones, zeros
    segs, ss, ts = [], [], []
    cnt_g = None
    for (W, b, g, be) in params:
        hp = _tc_matmul(inp, W, dis_col, s_prev, t_prev)
        p = _sc_scatter(src_r, dst_r, hp, zeros_d)
        a, st, seg, c = _tc_post(p, hp, dis_col, b.reshape(1, D), batch_col)
        s_l, t_l = _tc_affine(st, g.reshape(1, D), be.reshape(1, D))
        segs.append(seg)
        ss.append(s_l)
        ts.append(t_l)
        cnt_g = c
        inp = a
        s_prev, t_prev = s_l, t_l

    xpool = _tc_pool(segs[0], segs[1], segs[2],
                     ss[0], ts[0], ss[1], ts[1], ss[2], ts[2],
                     cnt_g.reshape(G, 1))
    bn2 = _tc_bn(inp, ss[2], ts[2])
    return (xpool, bn2)

# --- scband reference (transcript-rebuilt; emitter-appended) ---
"""Pipeline reference for scband-encoder-multi-25752623907307 (READ-ONLY COPY).

The authoritative reference and input builder live on the scoring server;
editing this copy changes nothing except your own understanding.
"""

import jax, jax.numpy as jnp
import numpy as np

NUM_NODES = 10000
NUM_EDGES = 320000
NUM_GRAPHS = 64
DIM = 128
NUM_LAYERS = 3
BN_EPS = 1e-4
LEAKY_SLOPE = 0.01


def setup_inputs(seed: int = 0) -> dict:
    key = jax.random.key(seed)
    ks = jax.random.split(key, 3 + NUM_LAYERS)
    x = jax.random.normal(ks[0], (NUM_NODES, DIM), dtype=jnp.float32)
    edge_index = jax.random.randint(ks[1], (2, NUM_EDGES), 0, NUM_NODES, dtype=jnp.int32)
    batch = jnp.sort(jax.random.randint(ks[2], (NUM_NODES,), 0, NUM_GRAPHS, dtype=jnp.int32))
    inp = {"x": x, "edge_index": edge_index, "batch": batch}
    scale = 1.0 / np.sqrt(DIM)
    for i in range(NUM_LAYERS):
        inp[f"W{i}"] = jax.random.normal(ks[3 + i], (DIM, DIM), dtype=jnp.float32) * scale
        inp[f"b{i}"] = jnp.zeros((DIM,), dtype=jnp.float32)
        inp[f"gamma{i}"] = jnp.ones((DIM,), dtype=jnp.float32)
        inp[f"beta{i}"] = jnp.zeros((DIM,), dtype=jnp.float32)
    return inp


def gcn_conv(x, edge_index, W, b):
    # PyG GCNConv: linear transform, add self-loops, symmetric normalization, scatter-add to dst, add bias
    n = x.shape[0]
    loop = jnp.arange(n, dtype=edge_index.dtype)
    src = jnp.concatenate([edge_index[0], loop])
    dst = jnp.concatenate([edge_index[1], loop])
    deg = jnp.zeros((n,), dtype=x.dtype).at[dst].add(1.0)
    deg_safe = jnp.where(deg > 0, deg, 1.0)
    dis = jax.lax.rsqrt(deg_safe)
    dis = jnp.where(deg > 0, dis, 0.0)
    norm = dis[src] * dis[dst]
    h = x @ W
    msg = h[src] * norm[:, None]
    out = jnp.zeros_like(h).at[dst].add(msg)
    return out + b


def batch_norm(x, gamma, beta):
    # BatchNorm1d in training mode: batch statistics (biased variance), eps=1e-4
    mean = jnp.mean(x, axis=0)
    var = jnp.var(x, axis=0)
    return (x - mean) * jax.lax.rsqrt(var + BN_EPS) * gamma + beta


def global_mean_pool(x, batch, num_graphs):
    s = jax.ops.segment_sum(x, batch, num_segments=num_graphs)
    c = jax.ops.segment_sum(jnp.ones((x.shape[0],), dtype=x.dtype), batch, num_segments=num_graphs)
    return s / jnp.maximum(c, 1.0)[:, None]


def reference(x, edge_index, batch, W0, b0, gamma0, beta0, W1, b1, gamma1, beta1, W2, b2, gamma2, beta2):
    params = [(W0, b0, gamma0, beta0), (W1, b1, gamma1, beta1), (W2, b2, gamma2, beta2)]
    xs = []
    h = x
    for (W, b, g, be) in params:
        h = gcn_conv(h, edge_index, W, b)
        h = jax.nn.leaky_relu(h, LEAKY_SLOPE)
        h = batch_norm(h, g, be)
        xs.append(h)
    pools = [global_mean_pool(hh, batch, NUM_GRAPHS) for hh in xs]
    xpool = jnp.concatenate(pools, axis=1)
    return (xpool, xs[-1])

if __name__ == "__main__":
    import jax
    _d = setup_inputs()
    print(jax.jit(kernel)(*tuple(_d.values())))

</pallas_src>

<mosaic_0001>
#map = affine_map<(d0, d1) -> (0, 0, 0)>
#map1 = affine_map<(d0, d1) -> (0, 0)>
module attributes {stable_mosaic.version = 14 : i64} {
  func.func @_sc_degree(%arg0: i32, %arg1: i32, %arg2: memref<32x79x128xi32, #tpu.memory_space<hbm>>, %arg3: memref<128x128xf32, #tpu.memory_space<hbm>>, %arg4: memref<128x128xf32, #tpu.memory_space<hbm>>, %arg5: memref<2x10240x128xf32, #tpu.memory_space<hbm>>, %arg6: memref<79x128xi32, #tpu.memory_space<vmem>>, %arg7: memref<128x128xf32, #tpu.memory_space<vmem>>, %arg8: memref<10240x128xf32, #tpu.memory_space<vmem_shared>>) attributes {dimension_semantics = [#tpu.dimension_semantics<core_parallel>, #tpu.dimension_semantics<subcore_parallel>], iteration_bounds = array<i64: 2, 16>, scalar_prefetch = 0 : i64, scratch_operands = 3 : i64, tpu.core_type = #tpu.core_type<sc_vector_subcore>, window_params = [{transform_indices = #map}, {transform_indices = #map1}, {transform_indices = #map1}, {transform_indices = #map}]} {
    %mul3A = arith.constant 2 : i32
    %mul3A_0 = arith.muli %arg1, %mul3A : i32
    %add3A = arith.addi %mul3A_0, %arg0 : i32
    %mul3A_1 = arith.constant 640 : i32
    %mul3A_2 = arith.muli %arg1, %mul3A_1 : i32
    %add3A_3 = arith.constant 0 : i32
    %add3A_4 = arith.addi %mul3A_2, %add3A_3 : i32
    "tpu.region"() ({
      %run_scoped3A = tpu.sem_alloc : memref<!tpu.dma_semaphore, #tpu.memory_space<semaphore_mem>>
      %dma_start3A = arith.constant 0 : i32
      %dma_start3A_29 = tpu.memref_slice %arg8[%add3A_4, %dma_start3A] : memref<10240x128xf32, #tpu.memory_space<vmem_shared>> -> memref<128x128xf32, #tpu.memory_space<vmem_shared>>
      tpu.enqueue_dma source(%arg4 : memref<128x128xf32, #tpu.memory_space<hbm>>) target(%dma_start3A_29 : memref<128x128xf32, #tpu.memory_space<vmem_shared>>) target_semaphore(%run_scoped3A : memref<!tpu.dma_semaphore, #tpu.memory_space<semaphore_mem>>)
      %dma_wait3A = arith.constant 0 : i32
      %dma_wait3A_30 = tpu.memref_slice %arg8[%add3A_4, %dma_wait3A] : memref<10240x128xf32, #tpu.memory_space<vmem_shared>> -> memref<128x128xf32, #tpu.memory_space<vmem_shared>>
      tpu.wait_dma2 semaphore(%run_scoped3A : memref<!tpu.dma_semaphore, #tpu.memory_space<semaphore_mem>>) src(%arg4 : memref<128x128xf32, #tpu.memory_space<hbm>>) dst(%dma_wait3A_30 : memref<128x128xf32, #tpu.memory_space<vmem_shared>>)
      tpu.yield
    }) : () -> ()
    %add3A_5 = arith.constant 128 : i32
    %add3A_6 = arith.addi %mul3A_2, %add3A_5 : i32
    "tpu.region"() ({
      %run_scoped3A = tpu.sem_alloc : memref<!tpu.dma_semaphore, #tpu.memory_space<semaphore_mem>>
      %dma_start3A = arith.constant 0 : i32
      %dma_start3A_29 = tpu.memref_slice %arg8[%add3A_6, %dma_start3A] : memref<10240x128xf32, #tpu.memory_space<vmem_shared>> -> memref<128x128xf32, #tpu.memory_space<vmem_shared>>
      tpu.enqueue_dma source(%arg4 : memref<128x128xf32, #tpu.memory_space<hbm>>) target(%dma_start3A_29 : memref<128x128xf32, #tpu.memory_space<vmem_shared>>) target_semaphore(%run_scoped3A : memref<!tpu.dma_semaphore, #tpu.memory_space<semaphore_mem>>)
      %dma_wait3A = arith.constant 0 : i32
      %dma_wait3A_30 = tpu.memref_slice %arg8[%add3A_6, %dma_wait3A] : memref<10240x128xf32, #tpu.memory_space<vmem_shared>> -> memref<128x128xf32, #tpu.memory_space<vmem_shared>>
      tpu.wait_dma2 semaphore(%run_scoped3A : memref<!tpu.dma_semaphore, #tpu.memory_space<semaphore_mem>>) src(%arg4 : memref<128x128xf32, #tpu.memory_space<hbm>>) dst(%dma_wait3A_30 : memref<128x128xf32, #tpu.memory_space<vmem_shared>>)
      tpu.yield
    }) : () -> ()
    %add3A_7 = arith.constant 256 : i32
    %add3A_8 = arith.addi %mul3A_2, %add3A_7 : i32
    "tpu.region"() ({
      %run_scoped3A = tpu.sem_alloc : memref<!tpu.dma_semaphore, #tpu.memory_space<semaphore_mem>>
      %dma_start3A = arith.constant 0 : i32
      %dma_start3A_29 = tpu.memref_slice %arg8[%add3A_8, %dma_start3A] : memref<10240x128xf32, #tpu.memory_space<vmem_shared>> -> memref<128x128xf32, #tpu.memory_space<vmem_shared>>
      tpu.enqueue_dma source(%arg4 : memref<128x128xf32, #tpu.memory_space<hbm>>) target(%dma_start3A_29 : memref<128x128xf32, #tpu.memory_space<vmem_shared>>) target_semaphore(%run_scoped3A : memref<!tpu.dma_semaphore, #tpu.memory_space<semaphore_mem>>)
      %dma_wait3A = arith.constant 0 : i32
      %dma_wait3A_30 = tpu.memref_slice %arg8[%add3A_8, %dma_wait3A] : memref<10240x128xf32, #tpu.memory_space<vmem_shared>> -> memref<128x128xf32, #tpu.memory_space<vmem_shared>>
      tpu.wait_dma2 semaphore(%run_scoped3A : memref<!tpu.dma_semaphore, #tpu.memory_space<semaphore_mem>>) src(%arg4 : memref<128x128xf32, #tpu.memory_space<hbm>>) dst(%dma_wait3A_30 : memref<128x128xf32, #tpu.memory_space<vmem_shared>>)
      tpu.yield
    }) : () -> ()
    %add3A_9 = arith.constant 384 : i32
    %add3A_10 = arith.addi %mul3A_2, %add3A_9 : i32
    "tpu.region"() ({
      %run_scoped3A = tpu.sem_alloc : memref<!tpu.dma_semaphore, #tpu.memory_space<semaphore_mem>>
      %dma_start3A = arith.constant 0 : i32
      %dma_start3A_29 = tpu.memref_slice %arg8[%add3A_10, %dma_start3A] : memref<10240x128xf32, #tpu.memory_space<vmem_shared>> -> memref<128x128xf32, #tpu.memory_space<vmem_shared>>
      tpu.enqueue_dma source(%arg4 : memref<128x128xf32, #tpu.memory_space<hbm>>) target(%dma_start3A_29 : memref<128x128xf32, #tpu.memory_space<vmem_shared>>) target_semaphore(%run_scoped3A : memref<!tpu.dma_semaphore, #tpu.memory_space<semaphore_mem>>)
      %dma_wait3A = arith.constant 0 : i32
      %dma_wait3A_30 = tpu.memref_slice %arg8[%add3A_10, %dma_wait3A] : memref<10240x128xf32, #tpu.memory_space<vmem_shared>> -> memref<128x128xf32, #tpu.memory_space<vmem_shared>>
      tpu.wait_dma2 semaphore(%run_scoped3A : memref<!tpu.dma_semaphore, #tpu.memory_space<semaphore_mem>>) src(%arg4 : memref<128x128xf32, #tpu.memory_space<hbm>>) dst(%dma_wait3A_30 : memref<128x128xf32, #tpu.memory_space<vmem_shared>>)
      tpu.yield
    }) : () -> ()
    %add3A_11 = arith.constant 512 : i32
    %add3A_12 = arith.addi %mul3A_2, %add3A_11 : i32
    "tpu.region"() ({
      %run_scoped3A = tpu.sem_alloc : memref<!tpu.dma_semaphore, #tpu.memory_space<semaphore_mem>>
      %dma_start3A = arith.constant 0 : i32
      %dma_start3A_29 = tpu.memref_slice %arg8[%add3A_12, %dma_start3A] : memref<10240x128xf32, #tpu.memory_space<vmem_shared>> -> memref<128x128xf32, #tpu.memory_space<vmem_shared>>
      tpu.enqueue_dma source(%arg4 : memref<128x128xf32, #tpu.memory_space<hbm>>) target(%dma_start3A_29 : memref<128x128xf32, #tpu.memory_space<vmem_shared>>) target_semaphore(%run_scoped3A : memref<!tpu.dma_semaphore, #tpu.memory_space<semaphore_mem>>)
      %dma_wait3A = arith.constant 0 : i32
      %dma_wait3A_30 = tpu.memref_slice %arg8[%add3A_12, %dma_wait3A] : memref<10240x128xf32, #tpu.memory_space<vmem_shared>> -> memref<128x128xf32, #tpu.memory_space<vmem_shared>>
      tpu.wait_dma2 semaphore(%run_scoped3A : memref<!tpu.dma_semaphore, #tpu.memory_space<semaphore_mem>>) src(%arg4 : memref<128x128xf32, #tpu.memory_space<hbm>>) dst(%dma_wait3A_30 : memref<128x128xf32, #tpu.memory_space<vmem_shared>>)
      tpu.yield
    }) : () -> ()
    "tpu.region"() ({
      %run_scoped3A = tpu.sem_alloc : memref<!tpu.dma_semaphore, #tpu.memory_space<semaphore_mem>>
      tpu.enqueue_dma source(%arg3 : memref<128x128xf32, #tpu.memory_space<hbm>>) target(%arg7 : memref<128x128xf32, #tpu.memory_space<vmem>>) target_semaphore(%run_scoped3A : memref<!tpu.dma_semaphore, #tpu.memory_space<semaphore_mem>>)
      tpu.wait_dma2 semaphore(%run_scoped3A : memref<!tpu.dma_semaphore, #tpu.memory_space<semaphore_mem>>) src(%arg3 : memref<128x128xf32, #tpu.memory_space<hbm>>) dst(%arg7 : memref<128x128xf32, #tpu.memory_space<vmem>>)
      tpu.yield
    }) : () -> ()
    "tpu.region"() ({
      %run_scoped3A = tpu.sem_alloc : memref<!tpu.dma_semaphore, #tpu.memory_space<semaphore_mem>>
      %dma_start3A = arith.constant 0 : i32
      %dma_start3A_29 = arith.constant 0 : i32
      %dma_start3A_30 = tpu.memref_slice %arg2[%add3A, %dma_start3A, %dma_start3A_29] : memref<32x79x128xi32, #tpu.memory_space<hbm>> -> memref<1x79x128xi32, #tpu.memory_space<hbm>>
      %dma_start3A_31 = tpu.memref_squeeze %dma_start3A_30 : memref<1x79x128xi32, #tpu.memory_space<hbm>> -> memref<79x128xi32, #tpu.memory_space<hbm>>
      %dma_start3A_32 = arith.constant 0 : i32
      %dma_start3A_33 = arith.constant 0 : i32
      %dma_start3A_34 = tpu.memref_slice %arg2[%add3A, %dma_start3A_32, %dma_start3A_33] : memref<32x79x128xi32, #tpu.memory_space<hbm>> -> memref<1x79x128xi32, #tpu.memory_space<hbm>>
      %dma_start3A_35 = tpu.memref_squeeze %dma_start3A_34 : memref<1x79x128xi32, #tpu.memory_space<hbm>> -> memref<79x128xi32, #tpu.memory_space<hbm>>
      tpu.enqueue_dma source(%dma_start3A_35 : memref<79x128xi32, #tpu.memory_space<hbm>>) target(%arg6 : memref<79x128xi32, #tpu.memory_space<vmem>>) target_semaphore(%run_scoped3A : memref<!tpu.dma_semaphore, #tpu.memory_space<semaphore_mem>>)
      %dma_wait3A = arith.constant 0 : i32
      %dma_wait3A_36 = arith.constant 0 : i32
      %dma_wait3A_37 = tpu.memref_slice %arg2[%add3A, %dma_wait3A, %dma_wait3A_36] : memref<32x79x128xi32, #tpu.memory_space<hbm>> -> memref<1x79x128xi32, #tpu.memory_space<hbm>>
      %dma_wait3A_38 = tpu.memref_squeeze %dma_wait3A_37 : memref<1x79x128xi32, #tpu.memory_space<hbm>> -> memref<79x128xi32, #tpu.memory_space<hbm>>
      %dma_wait3A_39 = arith.constant 0 : i32
      %dma_wait3A_40 = arith.constant 0 : i32
      %dma_wait3A_41 = tpu.memref_slice %arg2[%add3A, %dma_wait3A_39, %dma_wait3A_40] : memref<32x79x128xi32, #tpu.memory_space<hbm>> -> memref<1x79x128xi32, #tpu.memory_space<hbm>>
      %dma_wait3A_42 = tpu.memref_squeeze %dma_wait3A_41 : memref<1x79x128xi32, #tpu.memory_space<hbm>> -> memref<79x128xi32, #tpu.memory_space<hbm>>
      tpu.wait_dma2 semaphore(%run_scoped3A : memref<!tpu.dma_semaphore, #tpu.memory_space<semaphore_mem>>) src(%dma_wait3A_42 : memref<79x128xi32, #tpu.memory_space<hbm>>) dst(%arg6 : memref<79x128xi32, #tpu.memory_space<vmem>>)
      tpu.yield
    }) : () -> ()
    %barrier3A = arith.constant 0 : index
    tpu.barrier barrier_id(%barrier3A)
    %scan3A = arith.constant 0 : i32
    %scan3A_13 = arith.constant 0 : i32
    %scan3A_14 = arith.constant 79 : i32
    %scan3A_15 = arith.addi %scan3A_13, %scan3A_14 : i32
    %scan3A_16 = arith.constant 1 : i32
    scf.for %scan3A_29 = %scan3A_13 to %scan3A_15 step %scan3A_16  : i32 {
      "tpu.region"() ({
        %run_scoped3A = tpu.sem_alloc : memref<!tpu.dma_semaphore, #tpu.memory_space<semaphore_mem>>
        %dma_start3A = arith.constant 0 : i32
        %dma_start3A_30 = tpu.memref_slice %arg6[%scan3A_29, %dma_start3A] : memref<79x128xi32, #tpu.memory_space<vmem>> -> memref<1x128xi32, #tpu.memory_space<vmem>>
        %dma_start3A_31 = tpu.memref_squeeze %dma_start3A_30 : memref<1x128xi32, #tpu.memory_space<vmem>> -> memref<128xi32, #tpu.memory_space<vmem>>
        %dma_start3A_32 = arith.constant 0 : i32
        %dma_start3A_33 = arith.constant 0 : i32
        %dma_start3A_34 = tpu.memref_slice %arg8[%dma_start3A_32, %dma_start3A_33] : memref<10240x128xf32, #tpu.memory_space<vmem_shared>> -> memref<10240x128xf32, #tpu.memory_space<vmem_shared>>
        tpu.enqueue_indirect_dma source(%arg7 : memref<128x128xf32, #tpu.memory_space<vmem>>) target(%dma_start3A_34 : memref<10240x128xf32, #tpu.memory_space<vmem_shared>>) offsets(%dma_start3A_31 : memref<128xi32, #tpu.memory_space<vmem>>) semaphore(%run_scoped3A : memref<!tpu.dma_semaphore, #tpu.memory_space<semaphore_mem>>) {add = true}
        %dma_wait3A = arith.constant 0 : i32
        %dma_wait3A_35 = tpu.memref_slice %arg6[%scan3A_29, %dma_wait3A] : memref<79x128xi32, #tpu.memory_space<vmem>> -> memref<1x128xi32, #tpu.memory_space<vmem>>
        %dma_wait3A_36 = tpu.memref_squeeze %dma_wait3A_35 : memref<1x128xi32, #tpu.memory_space<vmem>> -> memref<128xi32, #tpu.memory_space<vmem>>
        %dma_wait3A_37 = arith.constant 0 : i32
        %dma_wait3A_38 = arith.constant 0 : i32
        %dma_wait3A_39 = tpu.memref_slice %arg8[%dma_wait3A_37, %dma_wait3A_38] : memref<10240x128xf32, #tpu.memory_space<vmem_shared>> -> memref<10240x128xf32, #tpu.memory_space<vmem_shared>>
        tpu.wait_indirect_dma semaphore(%run_scoped3A : memref<!tpu.dma_semaphore, #tpu.memory_space<semaphore_mem>>) src(%arg7 : memref<128x128xf32, #tpu.memory_space<vmem>>) dst(%dma_wait3A_39 : memref<10240x128xf32, #tpu.memory_space<vmem_shared>>)
        tpu.yield
      }) : () -> ()
    }
    %scan3A_17 = arith.constant 79 : i32
    %barrier3A_18 = arith.constant 0 : index
    tpu.barrier barrier_id(%barrier3A_18)
    %add3A_19 = arith.constant 0 : i32
    %add3A_20 = arith.addi %mul3A_2, %add3A_19 : i32
    "tpu.region"() ({
      %run_scoped3A = tpu.sem_alloc : memref<!tpu.dma_semaphore, #tpu.memory_space<semaphore_mem>>
      %dma_start3A = arith.constant 0 : i32
      %dma_start3A_29 = tpu.memref_slice %arg5[%arg0, %add3A_20, %dma_start3A] : memref<2x10240x128xf32, #tpu.memory_space<hbm>> -> memref<1x128x128xf32, #tpu.memory_space<hbm>>
      %dma_start3A_30 = tpu.memref_squeeze %dma_start3A_29 : memref<1x128x128xf32, #tpu.memory_space<hbm>> -> memref<128x128xf32, #tpu.memory_space<hbm>>
      %dma_start3A_31 = arith.constant 0 : i32
      %dma_start3A_32 = tpu.memref_slice %arg8[%add3A_20, %dma_start3A_31] : memref<10240x128xf32, #tpu.memory_space<vmem_shared>> -> memref<128x128xf32, #tpu.memory_space<vmem_shared>>
      tpu.enqueue_dma source(%dma_start3A_32 : memref<128x128xf32, #tpu.memory_space<vmem_shared>>) target(%dma_start3A_30 : memref<128x128xf32, #tpu.memory_space<hbm>>) target_semaphore(%run_scoped3A : memref<!tpu.dma_semaphore, #tpu.memory_space<semaphore_mem>>)
      %dma_wait3A = arith.constant 0 : i32
      %dma_wait3A_33 = tpu.memref_slice %arg5[%arg0, %add3A_20, %dma_wait3A] : memref<2x10240x128xf32, #tpu.memory_space<hbm>> -> memref<1x128x128xf32, #tpu.memory_space<hbm>>
      %dma_wait3A_34 = tpu.memref_squeeze %dma_wait3A_33 : memref<1x128x128xf32, #tpu.memory_space<hbm>> -> memref<128x128xf32, #tpu.memory_space<hbm>>
      %dma_wait3A_35 = arith.constant 0 : i32
      %dma_wait3A_36 = tpu.memref_slice %arg8[%add3A_20, %dma_wait3A_35] : memref<10240x128xf32, #tpu.memory_space<vmem_shared>> -> memref<128x128xf32, #tpu.memory_space<vmem_shared>>
      tpu.wait_dma2 semaphore(%run_scoped3A : memref<!tpu.dma_semaphore, #tpu.memory_space<semaphore_mem>>) src(%dma_wait3A_36 : memref<128x128xf32, #tpu.memory_space<vmem_shared>>) dst(%dma_wait3A_34 : memref<128x128xf32, #tpu.memory_space<hbm>>)
      tpu.yield
    }) : () -> ()
    %add3A_21 = arith.constant 128 : i32
    %add3A_22 = arith.addi %mul3A_2, %add3A_21 : i32
    "tpu.region"() ({
      %run_scoped3A = tpu.sem_alloc : memref<!tpu.dma_semaphore, #tpu.memory_space<semaphore_mem>>
      %dma_start3A = arith.constant 0 : i32
      %dma_start3A_29 = tpu.memref_slice %arg5[%arg0, %add3A_22, %dma_start3A] : memref<2x10240x128xf32, #tpu.memory_space<hbm>> -> memref<1x128x128xf32, #tpu.memory_space<hbm>>
      %dma_start3A_30 = tpu.memref_squeeze %dma_start3A_29 : memref<1x128x128xf32, #tpu.memory_space<hbm>> -> memref<128x128xf32, #tpu.memory_space<hbm>>
      %dma_start3A_31 = arith.constant 0 : i32
      %dma_start3A_32 = tpu.memref_slice %arg8[%add3A_22, %dma_start3A_31] : memref<10240x128xf32, #tpu.memory_space<vmem_shared>> -> memref<128x128xf32, #tpu.memory_space<vmem_shared>>
      tpu.enqueue_dma source(%dma_start3A_32 : memref<128x128xf32, #tpu.memory_space<vmem_shared>>) target(%dma_start3A_30 : memref<128x128xf32, #tpu.memory_space<hbm>>) target_semaphore(%run_scoped3A : memref<!tpu.dma_semaphore, #tpu.memory_space<semaphore_mem>>)
      %dma_wait3A = arith.constant 0 : i32
      %dma_wait3A_33 = tpu.memref_slice %arg5[%arg0, %add3A_22, %dma_wait3A] : memref<2x10240x128xf32, #tpu.memory_space<hbm>> -> memref<1x128x128xf32, #tpu.memory_space<hbm>>
      %dma_wait3A_34 = tpu.memref_squeeze %dma_wait3A_33 : memref<1x128x128xf32, #tpu.memory_space<hbm>> -> memref<128x128xf32, #tpu.memory_space<hbm>>
      %dma_wait3A_35 = arith.constant 0 : i32
      %dma_wait3A_36 = tpu.memref_slice %arg8[%add3A_22, %dma_wait3A_35] : memref<10240x128xf32, #tpu.memory_space<vmem_shared>> -> memref<128x128xf32, #tpu.memory_space<vmem_shared>>
      tpu.wait_dma2 semaphore(%run_scoped3A : memref<!tpu.dma_semaphore, #tpu.memory_space<semaphore_mem>>) src(%dma_wait3A_36 : memref<128x128xf32, #tpu.memory_space<vmem_shared>>) dst(%dma_wait3A_34 : memref<128x128xf32, #tpu.memory_space<hbm>>)
      tpu.yield
    }) : () -> ()
    %add3A_23 = arith.constant 256 : i32
    %add3A_24 = arith.addi %mul3A_2, %add3A_23 : i32
    "tpu.region"() ({
      %run_scoped3A = tpu.sem_alloc : memref<!tpu.dma_semaphore, #tpu.memory_space<semaphore_mem>>
      %dma_start3A = arith.constant 0 : i32
      %dma_start3A_29 = tpu.memref_slice %arg5[%arg0, %add3A_24, %dma_start3A] : memref<2x10240x128xf32, #tpu.memory_space<hbm>> -> memref<1x128x128xf32, #tpu.memory_space<hbm>>
      %dma_start3A_30 = tpu.memref_squeeze %dma_start3A_29 : memref<1x128x128xf32, #tpu.memory_space<hbm>> -> memref<128x128xf32, #tpu.memory_space<hbm>>
      %dma_start3A_31 = arith.constant 0 : i32
      %dma_start3A_32 = tpu.memref_slice %arg8[%add3A_24, %dma_start3A_31] : memref<10240x128xf32, #tpu.memory_space<vmem_shared>> -> memref<128x128xf32, #tpu.memory_space<vmem_shared>>
      tpu.enqueue_dma source(%dma_start3A_32 : memref<128x128xf32, #tpu.memory_space<vmem_shared>>) target(%dma_start3A_30 : memref<128x128xf32, #tpu.memory_space<hbm>>) target_semaphore(%run_scoped3A : memref<!tpu.dma_semaphore, #tpu.memory_space<semaphore_mem>>)
      %dma_wait3A = arith.constant 0 : i32
      %dma_wait3A_33 = tpu.memref_slice %arg5[%arg0, %add3A_24, %dma_wait3A] : memref<2x10240x128xf32, #tpu.memory_space<hbm>> -> memref<1x128x128xf32, #tpu.memory_space<hbm>>
      %dma_wait3A_34 = tpu.memref_squeeze %dma_wait3A_33 : memref<1x128x128xf32, #tpu.memory_space<hbm>> -> memref<128x128xf32, #tpu.memory_space<hbm>>
      %dma_wait3A_35 = arith.constant 0 : i32
      %dma_wait3A_36 = tpu.memref_slice %arg8[%add3A_24, %dma_wait3A_35] : memref<10240x128xf32, #tpu.memory_space<vmem_shared>> -> memref<128x128xf32, #tpu.memory_space<vmem_shared>>
      tpu.wait_dma2 semaphore(%run_scoped3A : memref<!tpu.dma_semaphore, #tpu.memory_space<semaphore_mem>>) src(%dma_wait3A_36 : memref<128x128xf32, #tpu.memory_space<vmem_shared>>) dst(%dma_wait3A_34 : memref<128x128xf32, #tpu.memory_space<hbm>>)
      tpu.yield
    }) : () -> ()
    %add3A_25 = arith.constant 384 : i32
    %add3A_26 = arith.addi %mul3A_2, %add3A_25 : i32
    "tpu.region"() ({
      %run_scoped3A = tpu.sem_alloc : memref<!tpu.dma_semaphore, #tpu.memory_space<semaphore_mem>>
      %dma_start3A = arith.constant 0 : i32
      %dma_start3A_29 = tpu.memref_slice %arg5[%arg0, %add3A_26, %dma_start3A] : memref<2x10240x128xf32, #tpu.memory_space<hbm>> -> memref<1x128x128xf32, #tpu.memory_space<hbm>>
      %dma_start3A_30 = tpu.memref_squeeze %dma_start3A_29 : memref<1x128x128xf32, #tpu.memory_space<hbm>> -> memref<128x128xf32, #tpu.memory_space<hbm>>
      %dma_start3A_31 = arith.constant 0 : i32
      %dma_start3A_32 = tpu.memref_slice %arg8[%add3A_26, %dma_start3A_31] : memref<10240x128xf32, #tpu.memory_space<vmem_shared>> -> memref<128x128xf32, #tpu.memory_space<vmem_shared>>
      tpu.enqueue_dma source(%dma_start3A_32 : memref<128x128xf32, #tpu.memory_space<vmem_shared>>) target(%dma_start3A_30 : memref<128x128xf32, #tpu.memory_space<hbm>>) target_semaphore(%run_scoped3A : memref<!tpu.dma_semaphore, #tpu.memory_space<semaphore_mem>>)
      %dma_wait3A = arith.constant 0 : i32
      %dma_wait3A_33 = tpu.memref_slice %arg5[%arg0, %add3A_26, %dma_wait3A] : memref<2x10240x128xf32, #tpu.memory_space<hbm>> -> memref<1x128x128xf32, #tpu.memory_space<hbm>>
      %dma_wait3A_34 = tpu.memref_squeeze %dma_wait3A_33 : memref<1x128x128xf32, #tpu.memory_space<hbm>> -> memref<128x128xf32, #tpu.memory_space<hbm>>
      %dma_wait3A_35 = arith.constant 0 : i32
      %dma_wait3A_36 = tpu.memref_slice %arg8[%add3A_26, %dma_wait3A_35] : memref<10240x128xf32, #tpu.memory_space<vmem_shared>> -> memref<128x128xf32, #tpu.memory_space<vmem_shared>>
      tpu.wait_dma2 semaphore(%run_scoped3A : memref<!tpu.dma_semaphore, #tpu.memory_space<semaphore_mem>>) src(%dma_wait3A_36 : memref<128x128xf32, #tpu.memory_space<vmem_shared>>) dst(%dma_wait3A_34 : memref<128x128xf32, #tpu.memory_space<hbm>>)
      tpu.yield
    }) : () -> ()
    %add3A_27 = arith.constant 512 : i32
    %add3A_28 = arith.addi %mul3A_2, %add3A_27 : i32
    "tpu.region"() ({
      %run_scoped3A = tpu.sem_alloc : memref<!tpu.dma_semaphore, #tpu.memory_space<semaphore_mem>>
      %dma_start3A = arith.constant 0 : i32
      %dma_start3A_29 = tpu.memref_slice %arg5[%arg0, %add3A_28, %dma_start3A] : memref<2x10240x128xf32, #tpu.memory_space<hbm>> -> memref<1x128x128xf32, #tpu.memory_space<hbm>>
      %dma_start3A_30 = tpu.memref_squeeze %dma_start3A_29 : memref<1x128x128xf32, #tpu.memory_space<hbm>> -> memref<128x128xf32, #tpu.memory_space<hbm>>
      %dma_start3A_31 = arith.constant 0 : i32
      %dma_start3A_32 = tpu.memref_slice %arg8[%add3A_28, %dma_start3A_31] : memref<10240x128xf32, #tpu.memory_space<vmem_shared>> -> memref<128x128xf32, #tpu.memory_space<vmem_shared>>
      tpu.enqueue_dma source(%dma_start3A_32 : memref<128x128xf32, #tpu.memory_space<vmem_shared>>) target(%dma_start3A_30 : memref<128x128xf32, #tpu.memory_space<hbm>>) target_semaphore(%run_scoped3A : memref<!tpu.dma_semaphore, #tpu.memory_space<semaphore_mem>>)
      %dma_wait3A = arith.constant 0 : i32
      %dma_wait3A_33 = tpu.memref_slice %arg5[%arg0, %add3A_28, %dma_wait3A] : memref<2x10240x128xf32, #tpu.memory_space<hbm>> -> memref<1x128x128xf32, #tpu.memory_space<hbm>>
      %dma_wait3A_34 = tpu.memref_squeeze %dma_wait3A_33 : memref<1x128x128xf32, #tpu.memory_space<hbm>> -> memref<128x128xf32, #tpu.memory_space<hbm>>
      %dma_wait3A_35 = arith.constant 0 : i32
      %dma_wait3A_36 = tpu.memref_slice %arg8[%add3A_28, %dma_wait3A_35] : memref<10240x128xf32, #tpu.memory_space<vmem_shared>> -> memref<128x128xf32, #tpu.memory_space<vmem_shared>>
      tpu.wait_dma2 semaphore(%run_scoped3A : memref<!tpu.dma_semaphore, #tpu.memory_space<semaphore_mem>>) src(%dma_wait3A_36 : memref<128x128xf32, #tpu.memory_space<vmem_shared>>) dst(%dma_wait3A_34 : memref<128x128xf32, #tpu.memory_space<hbm>>)
      tpu.yield
    }) : () -> ()
    return
  }
}

#map = affine_map<(d0, d1) -> (0, 0, 0)>
#map1 = affine_map<(d0, d1) -> (0, 0)>
module attributes {stable_mosaic.version = 14 : i64} {
  func.func @_sc_scatter(%arg0: i32, %arg1: i32, %arg2: memref<32x79x128xi32, #tpu.memory_space<hbm>>, %arg3: memref<32x79x128xi32, #tpu.memory_space<hbm>>, %arg4: memref<10000x128xf32, #tpu.memory_space<hbm>>, %arg5: memref<128x128xf32, #tpu.memory_space<hbm>>, %arg6: memref<2x10240x128xf32, #tpu.memory_space<hbm>>, %arg7: memref<79x128xi32, #tpu.memory_space<vmem>>, %arg8: memref<79x128xi32, #tpu.memory_space<vmem>>, %arg9: memref<128x128xf32, #tpu.memory_space<vmem>>, %arg10: memref<10240x128xf32, #tpu.memory_space<vmem_shared>>, %arg11: memref<!tpu.dma_semaphore, #tpu.memory_space<semaphore_mem>>) attributes {dimension_semantics = [#tpu.dimension_semantics<core_parallel>, #tpu.dimension_semantics<subcore_parallel>], iteration_bounds = array<i64: 2, 16>, scalar_prefetch = 0 : i64, scratch_operands = 5 : i64, tpu.core_type = #tpu.core_type<sc_vector_subcore>, window_params = [{transform_indices = #map}, {transform_indices = #map}, {transform_indices = #map1}, {transform_indices = #map1}, {transform_indices = #map}]} {
    %mul3A = arith.constant 2 : i32
    %mul3A_0 = arith.muli %arg1, %mul3A : i32
    %add3A = arith.addi %mul3A_0, %arg0 : i32
    %mul3A_1 = arith.constant 640 : i32
    %mul3A_2 = arith.muli %arg1, %mul3A_1 : i32
    %add3A_3 = arith.constant 0 : i32
    %add3A_4 = arith.addi %mul3A_2, %add3A_3 : i32
    "tpu.region"() ({
      %run_scoped3A = tpu.sem_alloc : memref<!tpu.dma_semaphore, #tpu.memory_space<semaphore_mem>>
      %dma_start3A = arith.constant 0 : i32
      %dma_start3A_29 = tpu.memref_slice %arg10[%add3A_4, %dma_start3A] : memref<10240x128xf32, #tpu.memory_space<vmem_shared>> -> memref<128x128xf32, #tpu.memory_space<vmem_shared>>
      tpu.enqueue_dma source(%arg5 : memref<128x128xf32, #tpu.memory_space<hbm>>) target(%dma_start3A_29 : memref<128x128xf32, #tpu.memory_space<vmem_shared>>) target_semaphore(%run_scoped3A : memref<!tpu.dma_semaphore, #tpu.memory_space<semaphore_mem>>)
      %dma_wait3A = arith.constant 0 : i32
      %dma_wait3A_30 = tpu.memref_slice %arg10[%add3A_4, %dma_wait3A] : memref<10240x128xf32, #tpu.memory_space<vmem_shared>> -> memref<128x128xf32, #tpu.memory_space<vmem_shared>>
      tpu.wait_dma2 semaphore(%run_scoped3A : memref<!tpu.dma_semaphore, #tpu.memory_space<semaphore_mem>>) src(%arg5 : memref<128x128xf32, #tpu.memory_space<hbm>>) dst(%dma_wait3A_30 : memref<128x128xf32, #tpu.memory_space<vmem_shared>>)
      tpu.yield
    }) : () -> ()
    %add3A_5 = arith.constant 128 : i32
    %add3A_6 = arith.addi %mul3A_2, %add3A_5 : i32
    "tpu.region"() ({
      %run_scoped3A = tpu.sem_alloc : memref<!tpu.dma_semaphore, #tpu.memory_space<semaphore_mem>>
      %dma_start3A = arith.constant 0 : i32
      %dma_start3A_29 = tpu.memref_slice %arg10[%add3A_6, %dma_start3A] : memref<10240x128xf32, #tpu.memory_space<vmem_shared>> -> memref<128x128xf32, #tpu.memory_space<vmem_shared>>
      tpu.enqueue_dma source(%arg5 : memref<128x128xf32, #tpu.memory_space<hbm>>) target(%dma_start3A_29 : memref<128x128xf32, #tpu.memory_space<vmem_shared>>) target_semaphore(%run_scoped3A : memref<!tpu.dma_semaphore, #tpu.memory_space<semaphore_mem>>)
      %dma_wait3A = arith.constant 0 : i32
      %dma_wait3A_30 = tpu.memref_slice %arg10[%add3A_6, %dma_wait3A] : memref<10240x128xf32, #tpu.memory_space<vmem_shared>> -> memref<128x128xf32, #tpu.memory_space<vmem_shared>>
      tpu.wait_dma2 semaphore(%run_scoped3A : memref<!tpu.dma_semaphore, #tpu.memory_space<semaphore_mem>>) src(%arg5 : memref<128x128xf32, #tpu.memory_space<hbm>>) dst(%dma_wait3A_30 : memref<128x128xf32, #tpu.memory_space<vmem_shared>>)
      tpu.yield
    }) : () -> ()
    %add3A_7 = arith.constant 256 : i32
    %add3A_8 = arith.addi %mul3A_2, %add3A_7 : i32
    "tpu.region"() ({
      %run_scoped3A = tpu.sem_alloc : memref<!tpu.dma_semaphore, #tpu.memory_space<semaphore_mem>>
      %dma_start3A = arith.constant 0 : i32
      %dma_start3A_29 = tpu.memref_slice %arg10[%add3A_8, %dma_start3A] : memref<10240x128xf32, #tpu.memory_space<vmem_shared>> -> memref<128x128xf32, #tpu.memory_space<vmem_shared>>
      tpu.enqueue_dma source(%arg5 : memref<128x128xf32, #tpu.memory_space<hbm>>) target(%dma_start3A_29 : memref<128x128xf32, #tpu.memory_space<vmem_shared>>) target_semaphore(%run_scoped3A : memref<!tpu.dma_semaphore, #tpu.memory_space<semaphore_mem>>)
      %dma_wait3A = arith.constant 0 : i32
      %dma_wait3A_30 = tpu.memref_slice %arg10[%add3A_8, %dma_wait3A] : memref<10240x128xf32, #tpu.memory_space<vmem_shared>> -> memref<128x128xf32, #tpu.memory_space<vmem_shared>>
      tpu.wait_dma2 semaphore(%run_scoped3A : memref<!tpu.dma_semaphore, #tpu.memory_space<semaphore_mem>>) src(%arg5 : memref<128x128xf32, #tpu.memory_space<hbm>>) dst(%dma_wait3A_30 : memref<128x128xf32, #tpu.memory_space<vmem_shared>>)
      tpu.yield
    }) : () -> ()
    %add3A_9 = arith.constant 384 : i32
    %add3A_10 = arith.addi %mul3A_2, %add3A_9 : i32
    "tpu.region"() ({
      %run_scoped3A = tpu.sem_alloc : memref<!tpu.dma_semaphore, #tpu.memory_space<semaphore_mem>>
      %dma_start3A = arith.constant 0 : i32
      %dma_start3A_29 = tpu.memref_slice %arg10[%add3A_10, %dma_start3A] : memref<10240x128xf32, #tpu.memory_space<vmem_shared>> -> memref<128x128xf32, #tpu.memory_space<vmem_shared>>
      tpu.enqueue_dma source(%arg5 : memref<128x128xf32, #tpu.memory_space<hbm>>) target(%dma_start3A_29 : memref<128x128xf32, #tpu.memory_space<vmem_shared>>) target_semaphore(%run_scoped3A : memref<!tpu.dma_semaphore, #tpu.memory_space<semaphore_mem>>)
      %dma_wait3A = arith.constant 0 : i32
      %dma_wait3A_30 = tpu.memref_slice %arg10[%add3A_10, %dma_wait3A] : memref<10240x128xf32, #tpu.memory_space<vmem_shared>> -> memref<128x128xf32, #tpu.memory_space<vmem_shared>>
      tpu.wait_dma2 semaphore(%run_scoped3A : memref<!tpu.dma_semaphore, #tpu.memory_space<semaphore_mem>>) src(%arg5 : memref<128x128xf32, #tpu.memory_space<hbm>>) dst(%dma_wait3A_30 : memref<128x128xf32, #tpu.memory_space<vmem_shared>>)
      tpu.yield
    }) : () -> ()
    %add3A_11 = arith.constant 512 : i32
    %add3A_12 = arith.addi %mul3A_2, %add3A_11 : i32
    "tpu.region"() ({
      %run_scoped3A = tpu.sem_alloc : memref<!tpu.dma_semaphore, #tpu.memory_space<semaphore_mem>>
      %dma_start3A = arith.constant 0 : i32
      %dma_start3A_29 = tpu.memref_slice %arg10[%add3A_12, %dma_start3A] : memref<10240x128xf32, #tpu.memory_space<vmem_shared>> -> memref<128x128xf32, #tpu.memory_space<vmem_shared>>
      tpu.enqueue_dma source(%arg5 : memref<128x128xf32, #tpu.memory_space<hbm>>) target(%dma_start3A_29 : memref<128x128xf32, #tpu.memory_space<vmem_shared>>) target_semaphore(%run_scoped3A : memref<!tpu.dma_semaphore, #tpu.memory_space<semaphore_mem>>)
      %dma_wait3A = arith.constant 0 : i32
      %dma_wait3A_30 = tpu.memref_slice %arg10[%add3A_12, %dma_wait3A] : memref<10240x128xf32, #tpu.memory_space<vmem_shared>> -> memref<128x128xf32, #tpu.memory_space<vmem_shared>>
      tpu.wait_dma2 semaphore(%run_scoped3A : memref<!tpu.dma_semaphore, #tpu.memory_space<semaphore_mem>>) src(%arg5 : memref<128x128xf32, #tpu.memory_space<hbm>>) dst(%dma_wait3A_30 : memref<128x128xf32, #tpu.memory_space<vmem_shared>>)
      tpu.yield
    }) : () -> ()
    "tpu.region"() ({
      %run_scoped3A = tpu.sem_alloc : memref<!tpu.dma_semaphore, #tpu.memory_space<semaphore_mem>>
      %dma_start3A = arith.constant 0 : i32
      %dma_start3A_29 = arith.constant 0 : i32
      %dma_start3A_30 = tpu.memref_slice %arg2[%add3A, %dma_start3A, %dma_start3A_29] : memref<32x79x128xi32, #tpu.memory_space<hbm>> -> memref<1x79x128xi32, #tpu.memory_space<hbm>>
      %dma_start3A_31 = tpu.memref_squeeze %dma_start3A_30 : memref<1x79x128xi32, #tpu.memory_space<hbm>> -> memref<79x128xi32, #tpu.memory_space<hbm>>
      %dma_start3A_32 = arith.constant 0 : i32
      %dma_start3A_33 = arith.constant 0 : i32
      %dma_start3A_34 = tpu.memref_slice %arg2[%add3A, %dma_start3A_32, %dma_start3A_33] : memref<32x79x128xi32, #tpu.memory_space<hbm>> -> memref<1x79x128xi32, #tpu.memory_space<hbm>>
      %dma_start3A_35 = tpu.memref_squeeze %dma_start3A_34 : memref<1x79x128xi32, #tpu.memory_space<hbm>> -> memref<79x128xi32, #tpu.memory_space<hbm>>
      tpu.enqueue_dma source(%dma_start3A_35 : memref<79x128xi32, #tpu.memory_space<hbm>>) target(%arg7 : memref<79x128xi32, #tpu.memory_space<vmem>>) target_semaphore(%run_scoped3A : memref<!tpu.dma_semaphore, #tpu.memory_space<semaphore_mem>>)
      %dma_wait3A = arith.constant 0 : i32
      %dma_wait3A_36 = arith.constant 0 : i32
      %dma_wait3A_37 = tpu.memref_slice %arg2[%add3A, %dma_wait3A, %dma_wait3A_36] : memref<32x79x128xi32, #tpu.memory_space<hbm>> -> memref<1x79x128xi32, #tpu.memory_space<hbm>>
      %dma_wait3A_38 = tpu.memref_squeeze %dma_wait3A_37 : memref<1x79x128xi32, #tpu.memory_space<hbm>> -> memref<79x128xi32, #tpu.memory_space<hbm>>
      %dma_wait3A_39 = arith.constant 0 : i32
      %dma_wait3A_40 = arith.constant 0 : i32
      %dma_wait3A_41 = tpu.memref_slice %arg2[%add3A, %dma_wait3A_39, %dma_wait3A_40] : memref<32x79x128xi32, #tpu.memory_space<hbm>> -> memref<1x79x128xi32, #tpu.memory_space<hbm>>
      %dma_wait3A_42 = tpu.memref_squeeze %dma_wait3A_41 : memref<1x79x128xi32, #tpu.memory_space<hbm>> -> memref<79x128xi32, #tpu.memory_space<hbm>>
      tpu.wait_dma2 semaphore(%run_scoped3A : memref<!tpu.dma_semaphore, #tpu.memory_space<semaphore_mem>>) src(%dma_wait3A_42 : memref<79x128xi32, #tpu.memory_space<hbm>>) dst(%arg7 : memref<79x128xi32, #tpu.memory_space<vmem>>)
      tpu.yield
    }) : () -> ()
    "tpu.region"() ({
      %run_scoped3A = tpu.sem_alloc : memref<!tpu.dma_semaphore, #tpu.memory_space<semaphore_mem>>
      %dma_start3A = arith.constant 0 : i32
      %dma_start3A_29 = arith.constant 0 : i32
      %dma_start3A_30 = tpu.memref_slice %arg3[%add3A, %dma_start3A, %dma_start3A_29] : memref<32x79x128xi32, #tpu.memory_space<hbm>> -> memref<1x79x128xi32, #tpu.memory_space<hbm>>
      %dma_start3A_31 = tpu.memref_squeeze %dma_start3A_30 : memref<1x79x128xi32, #tpu.memory_space<hbm>> -> memref<79x128xi32, #tpu.memory_space<hbm>>
      %dma_start3A_32 = arith.constant 0 : i32
      %dma_start3A_33 = arith.constant 0 : i32
      %dma_start3A_34 = tpu.memref_slice %arg3[%add3A, %dma_start3A_32, %dma_start3A_33] : memref<32x79x128xi32, #tpu.memory_space<hbm>> -> memref<1x79x128xi32, #tpu.memory_space<hbm>>
      %dma_start3A_35 = tpu.memref_squeeze %dma_start3A_34 : memref<1x79x128xi32, #tpu.memory_space<hbm>> -> memref<79x128xi32, #tpu.memory_space<hbm>>
      tpu.enqueue_dma source(%dma_start3A_35 : memref<79x128xi32, #tpu.memory_space<hbm>>) target(%arg8 : memref<79x128xi32, #tpu.memory_space<vmem>>) target_semaphore(%run_scoped3A : memref<!tpu.dma_semaphore, #tpu.memory_space<semaphore_mem>>)
      %dma_wait3A = arith.constant 0 : i32
      %dma_wait3A_36 = arith.constant 0 : i32
      %dma_wait3A_37 = tpu.memref_slice %arg3[%add3A, %dma_wait3A, %dma_wait3A_36] : memref<32x79x128xi32, #tpu.memory_space<hbm>> -> memref<1x79x128xi32, #tpu.memory_space<hbm>>
      %dma_wait3A_38 = tpu.memref_squeeze %dma_wait3A_37 : memref<1x79x128xi32, #tpu.memory_space<hbm>> -> memref<79x128xi32, #tpu.memory_space<hbm>>
      %dma_wait3A_39 = arith.constant 0 : i32
      %dma_wait3A_40 = arith.constant 0 : i32
      %dma_wait3A_41 = tpu.memref_slice %arg3[%add3A, %dma_wait3A_39, %dma_wait3A_40] : memref<32x79x128xi32, #tpu.memory_space<hbm>> -> memref<1x79x128xi32, #tpu.memory_space<hbm>>
      %dma_wait3A_42 = tpu.memref_squeeze %dma_wait3A_41 : memref<1x79x128xi32, #tpu.memory_space<hbm>> -> memref<79x128xi32, #tpu.memory_space<hbm>>
      tpu.wait_dma2 semaphore(%run_scoped3A : memref<!tpu.dma_semaphore, #tpu.memory_space<semaphore_mem>>) src(%dma_wait3A_42 : memref<79x128xi32, #tpu.memory_space<hbm>>) dst(%arg8 : memref<79x128xi32, #tpu.memory_space<vmem>>)
      tpu.yield
    }) : () -> ()
    %barrier3A = arith.constant 0 : index
    tpu.barrier barrier_id(%barrier3A)
    %scan3A = arith.constant 0 : i32
    %scan3A_13 = arith.constant 0 : i32
    %scan3A_14 = arith.constant 79 : i32
    %scan3A_15 = arith.addi %scan3A_13, %scan3A_14 : i32
    %scan3A_16 = arith.constant 1 : i32
    scf.for %scan3A_29 = %scan3A_13 to %scan3A_15 step %scan3A_16  : i32 {
      %dma_start3A = arith.constant 0 : i32
      %dma_start3A_30 = tpu.memref_slice %arg7[%scan3A_29, %dma_start3A] : memref<79x128xi32, #tpu.memory_space<vmem>> -> memref<1x128xi32, #tpu.memory_space<vmem>>
      %dma_start3A_31 = tpu.memref_squeeze %dma_start3A_30 : memref<1x128xi32, #tpu.memory_space<vmem>> -> memref<128xi32, #tpu.memory_space<vmem>>
      %dma_start3A_32 = arith.constant 0 : i32
      %dma_start3A_33 = arith.constant 0 : i32
      %dma_start3A_34 = tpu.memref_slice %arg4[%dma_start3A_32, %dma_start3A_33] : memref<10000x128xf32, #tpu.memory_space<hbm>> -> memref<10000x128xf32, #tpu.memory_space<hbm>>
      tpu.enqueue_indirect_dma source(%dma_start3A_34 : memref<10000x128xf32, #tpu.memory_space<hbm>>) target(%arg9 : memref<128x128xf32, #tpu.memory_space<vmem>>) offsets(%dma_start3A_31 : memref<128xi32, #tpu.memory_space<vmem>>) semaphore(%arg11 : memref<!tpu.dma_semaphore, #tpu.memory_space<semaphore_mem>>)
      %dma_wait3A = arith.constant 0 : i32
      %dma_wait3A_35 = tpu.memref_slice %arg7[%scan3A_29, %dma_wait3A] : memref<79x128xi32, #tpu.memory_space<vmem>> -> memref<1x128xi32, #tpu.memory_space<vmem>>
      %dma_wait3A_36 = tpu.memref_squeeze %dma_wait3A_35 : memref<1x128xi32, #tpu.memory_space<vmem>> -> memref<128xi32, #tpu.memory_space<vmem>>
      %dma_wait3A_37 = arith.constant 0 : i32
      %dma_wait3A_38 = arith.constant 0 : i32
      %dma_wait3A_39 = tpu.memref_slice %arg4[%dma_wait3A_37, %dma_wait3A_38] : memref<10000x128xf32, #tpu.memory_space<hbm>> -> memref<10000x128xf32, #tpu.memory_space<hbm>>
      tpu.wait_indirect_dma semaphore(%arg11 : memref<!tpu.dma_semaphore, #tpu.memory_space<semaphore_mem>>) src(%dma_wait3A_39 : memref<10000x128xf32, #tpu.memory_space<hbm>>) dst(%arg9 : memref<128x128xf32, #tpu.memory_space<vmem>>)
      "tpu.region"() ({
        %run_scoped3A = tpu.sem_alloc : memref<!tpu.dma_semaphore, #tpu.memory_space<semaphore_mem>>
        %dma_start3A_40 = arith.constant 0 : i32
        %dma_start3A_41 = tpu.memref_slice %arg8[%scan3A_29, %dma_start3A_40] : memref<79x128xi32, #tpu.memory_space<vmem>> -> memref<1x128xi32, #tpu.memory_space<vmem>>
        %dma_start3A_42 = tpu.memref_squeeze %dma_start3A_41 : memref<1x128xi32, #tpu.memory_space<vmem>> -> memref<128xi32, #tpu.memory_space<vmem>>
        %dma_start3A_43 = arith.constant 0 : i32
        %dma_start3A_44 = arith.constant 0 : i32
        %dma_start3A_45 = tpu.memref_slice %arg10[%dma_start3A_43, %dma_start3A_44] : memref<10240x128xf32, #tpu.memory_space<vmem_shared>> -> memref<10240x128xf32, #tpu.memory_space<vmem_shared>>
        tpu.enqueue_indirect_dma source(%arg9 : memref<128x128xf32, #tpu.memory_space<vmem>>) target(%dma_start3A_45 : memref<10240x128xf32, #tpu.memory_space<vmem_shared>>) offsets(%dma_start3A_42 : memref<128xi32, #tpu.memory_space<vmem>>) semaphore(%run_scoped3A : memref<!tpu.dma_semaphore, #tpu.memory_space<semaphore_mem>>) {add = true}
        %dma_wait3A_46 = arith.constant 0 : i32
        %dma_wait3A_47 = tpu.memref_slice %arg8[%scan3A_29, %dma_wait3A_46] : memref<79x128xi32, #tpu.memory_space<vmem>> -> memref<1x128xi32, #tpu.memory_space<vmem>>
        %dma_wait3A_48 = tpu.memref_squeeze %dma_wait3A_47 : memref<1x128xi32, #tpu.memory_space<vmem>> -> memref<128xi32, #tpu.memory_space<vmem>>
        %dma_wait3A_49 = arith.constant 0 : i32
        %dma_wait3A_50 = arith.constant 0 : i32
        %dma_wait3A_51 = tpu.memref_slice %arg10[%dma_wait3A_49, %dma_wait3A_50] : memref<10240x128xf32, #tpu.memory_space<vmem_shared>> -> memref<10240x128xf32, #tpu.memory_space<vmem_shared>>
        tpu.wait_indirect_dma semaphore(%run_scoped3A : memref<!tpu.dma_semaphore, #tpu.memory_space<semaphore_mem>>) src(%arg9 : memref<128x128xf32, #tpu.memory_space<vmem>>) dst(%dma_wait3A_51 : memref<10240x128xf32, #tpu.memory_space<vmem_shared>>)
        tpu.yield
      }) : () -> ()
    }
    %scan3A_17 = arith.constant 79 : i32
    %barrier3A_18 = arith.constant 0 : index
    tpu.barrier barrier_id(%barrier3A_18)
    %add3A_19 = arith.constant 0 : i32
    %add3A_20 = arith.addi %mul3A_2, %add3A_19 : i32
    "tpu.region"() ({
      %run_scoped3A = tpu.sem_alloc : memref<!tpu.dma_semaphore, #tpu.memory_space<semaphore_mem>>
      %dma_start3A = arith.constant 0 : i32
      %dma_start3A_29 = tpu.memref_slice %arg6[%arg0, %add3A_20, %dma_start3A] : memref<2x10240x128xf32, #tpu.memory_space<hbm>> -> memref<1x128x128xf32, #tpu.memory_space<hbm>>
      %dma_start3A_30 = tpu.memref_squeeze %dma_start3A_29 : memref<1x128x128xf32, #tpu.memory_space<hbm>> -> memref<128x128xf32, #tpu.memory_space<hbm>>
      %dma_start3A_31 = arith.constant 0 : i32
      %dma_start3A_32 = tpu.memref_slice %arg10[%add3A_20, %dma_start3A_31] : memref<10240x128xf32, #tpu.memory_space<vmem_shared>> -> memref<128x128xf32, #tpu.memory_space<vmem_shared>>
      tpu.enqueue_dma source(%dma_start3A_32 : memref<128x128xf32, #tpu.memory_space<vmem_shared>>) target(%dma_start3A_30 : memref<128x128xf32, #tpu.memory_space<hbm>>) target_semaphore(%run_scoped3A : memref<!tpu.dma_semaphore, #tpu.memory_space<semaphore_mem>>)
      %dma_wait3A = arith.constant 0 : i32
      %dma_wait3A_33 = tpu.memref_slice %arg6[%arg0, %add3A_20, %dma_wait3A] : memref<2x10240x128xf32, #tpu.memory_space<hbm>> -> memref<1x128x128xf32, #tpu.memory_space<hbm>>
      %dma_wait3A_34 = tpu.memref_squeeze %dma_wait3A_33 : memref<1x128x128xf32, #tpu.memory_space<hbm>> -> memref<128x128xf32, #tpu.memory_space<hbm>>
      %dma_wait3A_35 = arith.constant 0 : i32
      %dma_wait3A_36 = tpu.memref_slice %arg10[%add3A_20, %dma_wait3A_35] : memref<10240x128xf32, #tpu.memory_space<vmem_shared>> -> memref<128x128xf32, #tpu.memory_space<vmem_shared>>
      tpu.wait_dma2 semaphore(%run_scoped3A : memref<!tpu.dma_semaphore, #tpu.memory_space<semaphore_mem>>) src(%dma_wait3A_36 : memref<128x128xf32, #tpu.memory_space<vmem_shared>>) dst(%dma_wait3A_34 : memref<128x128xf32, #tpu.memory_space<hbm>>)
      tpu.yield
    }) : () -> ()
    %add3A_21 = arith.constant 128 : i32
    %add3A_22 = arith.addi %mul3A_2, %add3A_21 : i32
    "tpu.region"() ({
      %run_scoped3A = tpu.sem_alloc : memref<!tpu.dma_semaphore, #tpu.memory_space<semaphore_mem>>
      %dma_start3A = arith.constant 0 : i32
      %dma_start3A_29 = tpu.memref_slice %arg6[%arg0, %add3A_22, %dma_start3A] : memref<2x10240x128xf32, #tpu.memory_space<hbm>> -> memref<1x128x128xf32, #tpu.memory_space<hbm>>
      %dma_start3A_30 = tpu.memref_squeeze %dma_start3A_29 : memref<1x128x128xf32, #tpu.memory_space<hbm>> -> memref<128x128xf32, #tpu.memory_space<hbm>>
      %dma_start3A_31 = arith.constant 0 : i32
      %dma_start3A_32 = tpu.memref_slice %arg10[%add3A_22, %dma_start3A_31] : memref<10240x128xf32, #tpu.memory_space<vmem_shared>> -> memref<128x128xf32, #tpu.memory_space<vmem_shared>>
      tpu.enqueue_dma source(%dma_start3A_32 : memref<128x128xf32, #tpu.memory_space<vmem_shared>>) target(%dma_start3A_30 : memref<128x128xf32, #tpu.memory_space<hbm>>) target_semaphore(%run_scoped3A : memref<!tpu.dma_semaphore, #tpu.memory_space<semaphore_mem>>)
      %dma_wait3A = arith.constant 0 : i32
      %dma_wait3A_33 = tpu.memref_slice %arg6[%arg0, %add3A_22, %dma_wait3A] : memref<2x10240x128xf32, #tpu.memory_space<hbm>> -> memref<1x128x128xf32, #tpu.memory_space<hbm>>
      %dma_wait3A_34 = tpu.memref_squeeze %dma_wait3A_33 : memref<1x128x128xf32, #tpu.memory_space<hbm>> -> memref<128x128xf32, #tpu.memory_space<hbm>>
      %dma_wait3A_35 = arith.constant 0 : i32
      %dma_wait3A_36 = tpu.memref_slice %arg10[%add3A_22, %dma_wait3A_35] : memref<10240x128xf32, #tpu.memory_space<vmem_shared>> -> memref<128x128xf32, #tpu.memory_space<vmem_shared>>
      tpu.wait_dma2 semaphore(%run_scoped3A : memref<!tpu.dma_semaphore, #tpu.memory_space<semaphore_mem>>) src(%dma_wait3A_36 : memref<128x128xf32, #tpu.memory_space<vmem_shared>>) dst(%dma_wait3A_34 : memref<128x128xf32, #tpu.memory_space<hbm>>)
      tpu.yield
    }) : () -> ()
    %add3A_23 = arith.constant 256 : i32
    %add3A_24 = arith.addi %mul3A_2, %add3A_23 : i32
    "tpu.region"() ({
      %run_scoped3A = tpu.sem_alloc : memref<!tpu.dma_semaphore, #tpu.memory_space<semaphore_mem>>
      %dma_start3A = arith.constant 0 : i32
      %dma_start3A_29 = tpu.memref_slice %arg6[%arg0, %add3A_24, %dma_start3A] : memref<2x10240x128xf32, #tpu.memory_space<hbm>> -> memref<1x128x128xf32, #tpu.memory_space<hbm>>
      %dma_start3A_30 = tpu.memref_squeeze %dma_start3A_29 : memref<1x128x128xf32, #tpu.memory_space<hbm>> -> memref<128x128xf32, #tpu.memory_space<hbm>>
      %dma_start3A_31 = arith.constant 0 : i32
      %dma_start3A_32 = tpu.memref_slice %arg10[%add3A_24, %dma_start3A_31] : memref<10240x128xf32, #tpu.memory_space<vmem_shared>> -> memref<128x128xf32, #tpu.memory_space<vmem_shared>>
      tpu.enqueue_dma source(%dma_start3A_32 : memref<128x128xf32, #tpu.memory_space<vmem_shared>>) target(%dma_start3A_30 : memref<128x128xf32, #tpu.memory_space<hbm>>) target_semaphore(%run_scoped3A : memref<!tpu.dma_semaphore, #tpu.memory_space<semaphore_mem>>)
      %dma_wait3A = arith.constant 0 : i32
      %dma_wait3A_33 = tpu.memref_slice %arg6[%arg0, %add3A_24, %dma_wait3A] : memref<2x10240x128xf32, #tpu.memory_space<hbm>> -> memref<1x128x128xf32, #tpu.memory_space<hbm>>
      %dma_wait3A_34 = tpu.memref_squeeze %dma_wait3A_33 : memref<1x128x128xf32, #tpu.memory_space<hbm>> -> memref<128x128xf32, #tpu.memory_space<hbm>>
      %dma_wait3A_35 = arith.constant 0 : i32
      %dma_wait3A_36 = tpu.memref_slice %arg10[%add3A_24, %dma_wait3A_35] : memref<10240x128xf32, #tpu.memory_space<vmem_shared>> -> memref<128x128xf32, #tpu.memory_space<vmem_shared>>
      tpu.wait_dma2 semaphore(%run_scoped3A : memref<!tpu.dma_semaphore, #tpu.memory_space<semaphore_mem>>) src(%dma_wait3A_36 : memref<128x128xf32, #tpu.memory_space<vmem_shared>>) dst(%dma_wait3A_34 : memref<128x128xf32, #tpu.memory_space<hbm>>)
      tpu.yield
    }) : () -> ()
    %add3A_25 = arith.constant 384 : i32
    %add3A_26 = arith.addi %mul3A_2, %add3A_25 : i32
    "tpu.region"() ({
      %run_scoped3A = tpu.sem_alloc : memref<!tpu.dma_semaphore, #tpu.memory_space<semaphore_mem>>
      %dma_start3A = arith.constant 0 : i32
      %dma_start3A_29 = tpu.memref_slice %arg6[%arg0, %add3A_26, %dma_start3A] : memref<2x10240x128xf32, #tpu.memory_space<hbm>> -> memref<1x128x128xf32, #tpu.memory_space<hbm>>
      %dma_start3A_30 = tpu.memref_squeeze %dma_start3A_29 : memref<1x128x128xf32, #tpu.memory_space<hbm>> -> memref<128x128xf32, #tpu.memory_space<hbm>>
      %dma_start3A_31 = arith.constant 0 : i32
      %dma_start3A_32 = tpu.memref_slice %arg10[%add3A_26, %dma_start3A_31] : memref<10240x128xf32, #tpu.memory_space<vmem_shared>> -> memref<128x128xf32, #tpu.memory_space<vmem_shared>>
      tpu.enqueue_dma source(%dma_start3A_32 : memref<128x128xf32, #tpu.memory_space<vmem_shared>>) target(%dma_start3A_30 : memref<128x128xf32, #tpu.memory_space<hbm>>) target_semaphore(%run_scoped3A : memref<!tpu.dma_semaphore, #tpu.memory_space<semaphore_mem>>)
      %dma_wait3A = arith.constant 0 : i32
      %dma_wait3A_33 = tpu.memref_slice %arg6[%arg0, %add3A_26, %dma_wait3A] : memref<2x10240x128xf32, #tpu.memory_space<hbm>> -> memref<1x128x128xf32, #tpu.memory_space<hbm>>
      %dma_wait3A_34 = tpu.memref_squeeze %dma_wait3A_33 : memref<1x128x128xf32, #tpu.memory_space<hbm>> -> memref<128x128xf32, #tpu.memory_space<hbm>>
      %dma_wait3A_35 = arith.constant 0 : i32
      %dma_wait3A_36 = tpu.memref_slice %arg10[%add3A_26, %dma_wait3A_35] : memref<10240x128xf32, #tpu.memory_space<vmem_shared>> -> memref<128x128xf32, #tpu.memory_space<vmem_shared>>
      tpu.wait_dma2 semaphore(%run_scoped3A : memref<!tpu.dma_semaphore, #tpu.memory_space<semaphore_mem>>) src(%dma_wait3A_36 : memref<128x128xf32, #tpu.memory_space<vmem_shared>>) dst(%dma_wait3A_34 : memref<128x128xf32, #tpu.memory_space<hbm>>)
      tpu.yield
    }) : () -> ()
    %add3A_27 = arith.constant 512 : i32
    %add3A_28 = arith.addi %mul3A_2, %add3A_27 : i32
    "tpu.region"() ({
      %run_scoped3A = tpu.sem_alloc : memref<!tpu.dma_semaphore, #tpu.memory_space<semaphore_mem>>
      %dma_start3A = arith.constant 0 : i32
      %dma_start3A_29 = tpu.memref_slice %arg6[%arg0, %add3A_28, %dma_start3A] : memref<2x10240x128xf32, #tpu.memory_space<hbm>> -> memref<1x128x128xf32, #tpu.memory_space<hbm>>
      %dma_start3A_30 = tpu.memref_squeeze %dma_start3A_29 : memref<1x128x128xf32, #tpu.memory_space<hbm>> -> memref<128x128xf32, #tpu.memory_space<hbm>>
      %dma_start3A_31 = arith.constant 0 : i32
      %dma_start3A_32 = tpu.memref_slice %arg10[%add3A_28, %dma_start3A_31] : memref<10240x128xf32, #tpu.memory_space<vmem_shared>> -> memref<128x128xf32, #tpu.memory_space<vmem_shared>>
      tpu.enqueue_dma source(%dma_start3A_32 : memref<128x128xf32, #tpu.memory_space<vmem_shared>>) target(%dma_start3A_30 : memref<128x128xf32, #tpu.memory_space<hbm>>) target_semaphore(%run_scoped3A : memref<!tpu.dma_semaphore, #tpu.memory_space<semaphore_mem>>)
      %dma_wait3A = arith.constant 0 : i32
      %dma_wait3A_33 = tpu.memref_slice %arg6[%arg0, %add3A_28, %dma_wait3A] : memref<2x10240x128xf32, #tpu.memory_space<hbm>> -> memref<1x128x128xf32, #tpu.memory_space<hbm>>
      %dma_wait3A_34 = tpu.memref_squeeze %dma_wait3A_33 : memref<1x128x128xf32, #tpu.memory_space<hbm>> -> memref<128x128xf32, #tpu.memory_space<hbm>>
      %dma_wait3A_35 = arith.constant 0 : i32
      %dma_wait3A_36 = tpu.memref_slice %arg10[%add3A_28, %dma_wait3A_35] : memref<10240x128xf32, #tpu.memory_space<vmem_shared>> -> memref<128x128xf32, #tpu.memory_space<vmem_shared>>
      tpu.wait_dma2 semaphore(%run_scoped3A : memref<!tpu.dma_semaphore, #tpu.memory_space<semaphore_mem>>) src(%dma_wait3A_36 : memref<128x128xf32, #tpu.memory_space<vmem_shared>>) dst(%dma_wait3A_34 : memref<128x128xf32, #tpu.memory_space<hbm>>)
      tpu.yield
    }) : () -> ()
    return
  }
}

#map = affine_map<(d0, d1) -> (0, 0, 0)>
#map1 = affine_map<(d0, d1) -> (0, 0)>
module attributes {stable_mosaic.version = 14 : i64} {
  func.func @_sc_scatter(%arg0: i32, %arg1: i32, %arg2: memref<32x79x128xi32, #tpu.memory_space<hbm>>, %arg3: memref<32x79x128xi32, #tpu.memory_space<hbm>>, %arg4: memref<10000x128xf32, #tpu.memory_space<hbm>>, %arg5: memref<128x128xf32, #tpu.memory_space<hbm>>, %arg6: memref<2x10240x128xf32, #tpu.memory_space<hbm>>, %arg7: memref<79x128xi32, #tpu.memory_space<vmem>>, %arg8: memref<79x128xi32, #tpu.memory_space<vmem>>, %arg9: memref<128x128xf32, #tpu.memory_space<vmem>>, %arg10: memref<10240x128xf32, #tpu.memory_space<vmem_shared>>, %arg11: memref<!tpu.dma_semaphore, #tpu.memory_space<semaphore_mem>>) attributes {dimension_semantics = [#tpu.dimension_semantics<core_parallel>, #tpu.dimension_semantics<subcore_parallel>], iteration_bounds = array<i64: 2, 16>, scalar_prefetch = 0 : i64, scratch_operands = 5 : i64, tpu.core_type = #tpu.core_type<sc_vector_subcore>, window_params = [{transform_indices = #map}, {transform_indices = #map}, {transform_indices = #map1}, {transform_indices = #map1}, {transform_indices = #map}]} {
    %mul3A = arith.constant 2 : i32
    %mul3A_0 = arith.muli %arg1, %mul3A : i32
    %add3A = arith.addi %mul3A_0, %arg0 : i32
    %mul3A_1 = arith.constant 640 : i32
    %mul3A_2 = arith.muli %arg1, %mul3A_1 : i32
    %add3A_3 = arith.constant 0 : i32
    %add3A_4 = arith.addi %mul3A_2, %add3A_3 : i32
    "tpu.region"() ({
      %run_scoped3A = tpu.sem_alloc : memref<!tpu.dma_semaphore, #tpu.memory_space<semaphore_mem>>
      %dma_start3A = arith.constant 0 : i32
      %dma_start3A_29 = tpu.memref_slice %arg10[%add3A_4, %dma_start3A] : memref<10240x128xf32, #tpu.memory_space<vmem_shared>> -> memref<128x128xf32, #tpu.memory_space<vmem_shared>>
      tpu.enqueue_dma source(%arg5 : memref<128x128xf32, #tpu.memory_space<hbm>>) target(%dma_start3A_29 : memref<128x128xf32, #tpu.memory_space<vmem_shared>>) target_semaphore(%run_scoped3A : memref<!tpu.dma_semaphore, #tpu.memory_space<semaphore_mem>>)
      %dma_wait3A = arith.constant 0 : i32
      %dma_wait3A_30 = tpu.memref_slice %arg10[%add3A_4, %dma_wait3A] : memref<10240x128xf32, #tpu.memory_space<vmem_shared>> -> memref<128x128xf32, #tpu.memory_space<vmem_shared>>
      tpu.wait_dma2 semaphore(%run_scoped3A : memref<!tpu.dma_semaphore, #tpu.memory_space<semaphore_mem>>) src(%arg5 : memref<128x128xf32, #tpu.memory_space<hbm>>) dst(%dma_wait3A_30 : memref<128x128xf32, #tpu.memory_space<vmem_shared>>)
      tpu.yield
    }) : () -> ()
    %add3A_5 = arith.constant 128 : i32
    %add3A_6 = arith.addi %mul3A_2, %add3A_5 : i32
    "tpu.region"() ({
      %run_scoped3A = tpu.sem_alloc : memref<!tpu.dma_semaphore, #tpu.memory_space<semaphore_mem>>
      %dma_start3A = arith.constant 0 : i32
      %dma_start3A_29 = tpu.memref_slice %arg10[%add3A_6, %dma_start3A] : memref<10240x128xf32, #tpu.memory_space<vmem_shared>> -> memref<128x128xf32, #tpu.memory_space<vmem_shared>>
      tpu.enqueue_dma source(%arg5 : memref<128x128xf32, #tpu.memory_space<hbm>>) target(%dma_start3A_29 : memref<128x128xf32, #tpu.memory_space<vmem_shared>>) target_semaphore(%run_scoped3A : memref<!tpu.dma_semaphore, #tpu.memory_space<semaphore_mem>>)
      %dma_wait3A = arith.constant 0 : i32
      %dma_wait3A_30 = tpu.memref_slice %arg10[%add3A_6, %dma_wait3A] : memref<10240x128xf32, #tpu.memory_space<vmem_shared>> -> memref<128x128xf32, #tpu.memory_space<vmem_shared>>
      tpu.wait_dma2 semaphore(%run_scoped3A : memref<!tpu.dma_semaphore, #tpu.memory_space<semaphore_mem>>) src(%arg5 : memref<128x128xf32, #tpu.memory_space<hbm>>) dst(%dma_wait3A_30 : memref<128x128xf32, #tpu.memory_space<vmem_shared>>)
      tpu.yield
    }) : () -> ()
    %add3A_7 = arith.constant 256 : i32
    %add3A_8 = arith.addi %mul3A_2, %add3A_7 : i32
    "tpu.region"() ({
      %run_scoped3A = tpu.sem_alloc : memref<!tpu.dma_semaphore, #tpu.memory_space<semaphore_mem>>
      %dma_start3A = arith.constant 0 : i32
      %dma_start3A_29 = tpu.memref_slice %arg10[%add3A_8, %dma_start3A] : memref<10240x128xf32, #tpu.memory_space<vmem_shared>> -> memref<128x128xf32, #tpu.memory_space<vmem_shared>>
      tpu.enqueue_dma source(%arg5 : memref<128x128xf32, #tpu.memory_space<hbm>>) target(%dma_start3A_29 : memref<128x128xf32, #tpu.memory_space<vmem_shared>>) target_semaphore(%run_scoped3A : memref<!tpu.dma_semaphore, #tpu.memory_space<semaphore_mem>>)
      %dma_wait3A = arith.constant 0 : i32
      %dma_wait3A_30 = tpu.memref_slice %arg10[%add3A_8, %dma_wait3A] : memref<10240x128xf32, #tpu.memory_space<vmem_shared>> -> memref<128x128xf32, #tpu.memory_space<vmem_shared>>
      tpu.wait_dma2 semaphore(%run_scoped3A : memref<!tpu.dma_semaphore, #tpu.memory_space<semaphore_mem>>) src(%arg5 : memref<128x128xf32, #tpu.memory_space<hbm>>) dst(%dma_wait3A_30 : memref<128x128xf32, #tpu.memory_space<vmem_shared>>)
      tpu.yield
    }) : () -> ()
    %add3A_9 = arith.constant 384 : i32
    %add3A_10 = arith.addi %mul3A_2, %add3A_9 : i32
    "tpu.region"() ({
      %run_scoped3A = tpu.sem_alloc : memref<!tpu.dma_semaphore, #tpu.memory_space<semaphore_mem>>
      %dma_start3A = arith.constant 0 : i32
      %dma_start3A_29 = tpu.memref_slice %arg10[%add3A_10, %dma_start3A] : memref<10240x128xf32, #tpu.memory_space<vmem_shared>> -> memref<128x128xf32, #tpu.memory_space<vmem_shared>>
      tpu.enqueue_dma source(%arg5 : memref<128x128xf32, #tpu.memory_space<hbm>>) target(%dma_start3A_29 : memref<128x128xf32, #tpu.memory_space<vmem_shared>>) target_semaphore(%run_scoped3A : memref<!tpu.dma_semaphore, #tpu.memory_space<semaphore_mem>>)
      %dma_wait3A = arith.constant 0 : i32
      %dma_wait3A_30 = tpu.memref_slice %arg10[%add3A_10, %dma_wait3A] : memref<10240x128xf32, #tpu.memory_space<vmem_shared>> -> memref<128x128xf32, #tpu.memory_space<vmem_shared>>
      tpu.wait_dma2 semaphore(%run_scoped3A : memref<!tpu.dma_semaphore, #tpu.memory_space<semaphore_mem>>) src(%arg5 : memref<128x128xf32, #tpu.memory_space<hbm>>) dst(%dma_wait3A_30 : memref<128x128xf32, #tpu.memory_space<vmem_shared>>)
      tpu.yield
    }) : () -> ()
    %add3A_11 = arith.constant 512 : i32
    %add3A_12 = arith.addi %mul3A_2, %add3A_11 : i32
    "tpu.region"() ({
      %run_scoped3A = tpu.sem_alloc : memref<!tpu.dma_semaphore, #tpu.memory_space<semaphore_mem>>
      %dma_start3A = arith.constant 0 : i32
      %dma_start3A_29 = tpu.memref_slice %arg10[%add3A_12, %dma_start3A] : memref<10240x128xf32, #tpu.memory_space<vmem_shared>> -> memref<128x128xf32, #tpu.memory_space<vmem_shared>>
      tpu.enqueue_dma source(%arg5 : memref<128x128xf32, #tpu.memory_space<hbm>>) target(%dma_start3A_29 : memref<128x128xf32, #tpu.memory_space<vmem_shared>>) target_semaphore(%run_scoped3A : memref<!tpu.dma_semaphore, #tpu.memory_space<semaphore_mem>>)
      %dma_wait3A = arith.constant 0 : i32
      %dma_wait3A_30 = tpu.memref_slice %arg10[%add3A_12, %dma_wait3A] : memref<10240x128xf32, #tpu.memory_space<vmem_shared>> -> memref<128x128xf32, #tpu.memory_space<vmem_shared>>
      tpu.wait_dma2 semaphore(%run_scoped3A : memref<!tpu.dma_semaphore, #tpu.memory_space<semaphore_mem>>) src(%arg5 : memref<128x128xf32, #tpu.memory_space<hbm>>) dst(%dma_wait3A_30 : memref<128x128xf32, #tpu.memory_space<vmem_shared>>)
      tpu.yield
    }) : () -> ()
    "tpu.region"() ({
      %run_scoped3A = tpu.sem_alloc : memref<!tpu.dma_semaphore, #tpu.memory_space<semaphore_mem>>
      %dma_start3A = arith.constant 0 : i32
      %dma_start3A_29 = arith.constant 0 : i32
      %dma_start3A_30 = tpu.memref_slice %arg2[%add3A, %dma_start3A, %dma_start3A_29] : memref<32x79x128xi32, #tpu.memory_space<hbm>> -> memref<1x79x128xi32, #tpu.memory_space<hbm>>
      %dma_start3A_31 = tpu.memref_squeeze %dma_start3A_30 : memref<1x79x128xi32, #tpu.memory_space<hbm>> -> memref<79x128xi32, #tpu.memory_space<hbm>>
      %dma_start3A_32 = arith.constant 0 : i32
      %dma_start3A_33 = arith.constant 0 : i32
      %dma_start3A_34 = tpu.memref_slice %arg2[%add3A, %dma_start3A_32, %dma_start3A_33] : memref<32x79x128xi32, #tpu.memory_space<hbm>> -> memref<1x79x128xi32, #tpu.memory_space<hbm>>
      %dma_start3A_35 = tpu.memref_squeeze %dma_start3A_34 : memref<1x79x128xi32, #tpu.memory_space<hbm>> -> memref<79x128xi32, #tpu.memory_space<hbm>>
      tpu.enqueue_dma source(%dma_start3A_35 : memref<79x128xi32, #tpu.memory_space<hbm>>) target(%arg7 : memref<79x128xi32, #tpu.memory_space<vmem>>) target_semaphore(%run_scoped3A : memref<!tpu.dma_semaphore, #tpu.memory_space<semaphore_mem>>)
      %dma_wait3A = arith.constant 0 : i32
      %dma_wait3A_36 = arith.constant 0 : i32
      %dma_wait3A_37 = tpu.memref_slice %arg2[%add3A, %dma_wait3A, %dma_wait3A_36] : memref<32x79x128xi32, #tpu.memory_space<hbm>> -> memref<1x79x128xi32, #tpu.memory_space<hbm>>
      %dma_wait3A_38 = tpu.memref_squeeze %dma_wait3A_37 : memref<1x79x128xi32, #tpu.memory_space<hbm>> -> memref<79x128xi32, #tpu.memory_space<hbm>>
      %dma_wait3A_39 = arith.constant 0 : i32
      %dma_wait3A_40 = arith.constant 0 : i32
      %dma_wait3A_41 = tpu.memref_slice %arg2[%add3A, %dma_wait3A_39, %dma_wait3A_40] : memref<32x79x128xi32, #tpu.memory_space<hbm>> -> memref<1x79x128xi32, #tpu.memory_space<hbm>>
      %dma_wait3A_42 = tpu.memref_squeeze %dma_wait3A_41 : memref<1x79x128xi32, #tpu.memory_space<hbm>> -> memref<79x128xi32, #tpu.memory_space<hbm>>
      tpu.wait_dma2 semaphore(%run_scoped3A : memref<!tpu.dma_semaphore, #tpu.memory_space<semaphore_mem>>) src(%dma_wait3A_42 : memref<79x128xi32, #tpu.memory_space<hbm>>) dst(%arg7 : memref<79x128xi32, #tpu.memory_space<vmem>>)
      tpu.yield
    }) : () -> ()
    "tpu.region"() ({
      %run_scoped3A = tpu.sem_alloc : memref<!tpu.dma_semaphore, #tpu.memory_space<semaphore_mem>>
      %dma_start3A = arith.constant 0 : i32
      %dma_start3A_29 = arith.constant 0 : i32
      %dma_start3A_30 = tpu.memref_slice %arg3[%add3A, %dma_start3A, %dma_start3A_29] : memref<32x79x128xi32, #tpu.memory_space<hbm>> -> memref<1x79x128xi32, #tpu.memory_space<hbm>>
      %dma_start3A_31 = tpu.memref_squeeze %dma_start3A_30 : memref<1x79x128xi32, #tpu.memory_space<hbm>> -> memref<79x128xi32, #tpu.memory_space<hbm>>
      %dma_start3A_32 = arith.constant 0 : i32
      %dma_start3A_33 = arith.constant 0 : i32
      %dma_start3A_34 = tpu.memref_slice %arg3[%add3A, %dma_start3A_32, %dma_start3A_33] : memref<32x79x128xi32, #tpu.memory_space<hbm>> -> memref<1x79x128xi32, #tpu.memory_space<hbm>>
      %dma_start3A_35 = tpu.memref_squeeze %dma_start3A_34 : memref<1x79x128xi32, #tpu.memory_space<hbm>> -> memref<79x128xi32, #tpu.memory_space<hbm>>
      tpu.enqueue_dma source(%dma_start3A_35 : memref<79x128xi32, #tpu.memory_space<hbm>>) target(%arg8 : memref<79x128xi32, #tpu.memory_space<vmem>>) target_semaphore(%run_scoped3A : memref<!tpu.dma_semaphore, #tpu.memory_space<semaphore_mem>>)
      %dma_wait3A = arith.constant 0 : i32
      %dma_wait3A_36 = arith.constant 0 : i32
      %dma_wait3A_37 = tpu.memref_slice %arg3[%add3A, %dma_wait3A, %dma_wait3A_36] : memref<32x79x128xi32, #tpu.memory_space<hbm>> -> memref<1x79x128xi32, #tpu.memory_space<hbm>>
      %dma_wait3A_38 = tpu.memref_squeeze %dma_wait3A_37 : memref<1x79x128xi32, #tpu.memory_space<hbm>> -> memref<79x128xi32, #tpu.memory_space<hbm>>
      %dma_wait3A_39 = arith.constant 0 : i32
      %dma_wait3A_40 = arith.constant 0 : i32
      %dma_wait3A_41 = tpu.memref_slice %arg3[%add3A, %dma_wait3A_39, %dma_wait3A_40] : memref<32x79x128xi32, #tpu.memory_space<hbm>> -> memref<1x79x128xi32, #tpu.memory_space<hbm>>
      %dma_wait3A_42 = tpu.memref_squeeze %dma_wait3A_41 : memref<1x79x128xi32, #tpu.memory_space<hbm>> -> memref<79x128xi32, #tpu.memory_space<hbm>>
      tpu.wait_dma2 semaphore(%run_scoped3A : memref<!tpu.dma_semaphore, #tpu.memory_space<semaphore_mem>>) src(%dma_wait3A_42 : memref<79x128xi32, #tpu.memory_space<hbm>>) dst(%arg8 : memref<79x128xi32, #tpu.memory_space<vmem>>)
      tpu.yield
    }) : () -> ()
    %barrier3A = arith.constant 0 : index
    tpu.barrier barrier_id(%barrier3A)
    %scan3A = arith.constant 0 : i32
    %scan3A_13 = arith.constant 0 : i32
    %scan3A_14 = arith.constant 79 : i32
    %scan3A_15 = arith.addi %scan3A_13, %scan3A_14 : i32
    %scan3A_16 = arith.constant 1 : i32
    scf.for %scan3A_29 = %scan3A_13 to %scan3A_15 step %scan3A_16  : i32 {
      %dma_start3A = arith.constant 0 : i32
      %dma_start3A_30 = tpu.memref_slice %arg7[%scan3A_29, %dma_start3A] : memref<79x128xi32, #tpu.memory_space<vmem>> -> memref<1x128xi32, #tpu.memory_space<vmem>>
      %dma_start3A_31 = tpu.memref_squeeze %dma_start3A_30 : memref<1x128xi32, #tpu.memory_space<vmem>> -> memref<128xi32, #tpu.memory_space<vmem>>
      %dma_start3A_32 = arith.constant 0 : i32
      %dma_start3A_33 = arith.constant 0 : i32
      %dma_start3A_34 = tpu.memref_slice %arg4[%dma_start3A_32, %dma_start3A_33] : memref<10000x128xf32, #tpu.memory_space<hbm>> -> memref<10000x128xf32, #tpu.memory_space<hbm>>
      tpu.enqueue_indirect_dma source(%dma_start3A_34 : memref<10000x128xf32, #tpu.memory_space<hbm>>) target(%arg9 : memref<128x128xf32, #tpu.memory_space<vmem>>) offsets(%dma_start3A_31 : memref<128xi32, #tpu.memory_space<vmem>>) semaphore(%arg11 : memref<!tpu.dma_semaphore, #tpu.memory_space<semaphore_mem>>)
      %dma_wait3A = arith.constant 0 : i32
      %dma_wait3A_35 = tpu.memref_slice %arg7[%scan3A_29, %dma_wait3A] : memref<79x128xi32, #tpu.memory_space<vmem>> -> memref<1x128xi32, #tpu.memory_space<vmem>>
      %dma_wait3A_36 = tpu.memref_squeeze %dma_wait3A_35 : memref<1x128xi32, #tpu.memory_space<vmem>> -> memref<128xi32, #tpu.memory_space<vmem>>
      %dma_wait3A_37 = arith.constant 0 : i32
      %dma_wait3A_38 = arith.constant 0 : i32
      %dma_wait3A_39 = tpu.memref_slice %arg4[%dma_wait3A_37, %dma_wait3A_38] : memref<10000x128xf32, #tpu.memory_space<hbm>> -> memref<10000x128xf32, #tpu.memory_space<hbm>>
      tpu.wait_indirect_dma semaphore(%arg11 : memref<!tpu.dma_semaphore, #tpu.memory_space<semaphore_mem>>) src(%dma_wait3A_39 : memref<10000x128xf32, #tpu.memory_space<hbm>>) dst(%arg9 : memref<128x128xf32, #tpu.memory_space<vmem>>)
      "tpu.region"() ({
        %run_scoped3A = tpu.sem_alloc : memref<!tpu.dma_semaphore, #tpu.memory_space<semaphore_mem>>
        %dma_start3A_40 = arith.constant 0 : i32
        %dma_start3A_41 = tpu.memref_slice %arg8[%scan3A_29, %dma_start3A_40] : memref<79x128xi32, #tpu.memory_space<vmem>> -> memref<1x128xi32, #tpu.memory_space<vmem>>
        %dma_start3A_42 = tpu.memref_squeeze %dma_start3A_41 : memref<1x128xi32, #tpu.memory_space<vmem>> -> memref<128xi32, #tpu.memory_space<vmem>>
        %dma_start3A_43 = arith.constant 0 : i32
        %dma_start3A_44 = arith.constant 0 : i32
        %dma_start3A_45 = tpu.memref_slice %arg10[%dma_start3A_43, %dma_start3A_44] : memref<10240x128xf32, #tpu.memory_space<vmem_shared>> -> memref<10240x128xf32, #tpu.memory_space<vmem_shared>>
        tpu.enqueue_indirect_dma source(%arg9 : memref<128x128xf32, #tpu.memory_space<vmem>>) target(%dma_start3A_45 : memref<10240x128xf32, #tpu.memory_space<vmem_shared>>) offsets(%dma_start3A_42 : memref<128xi32, #tpu.memory_space<vmem>>) semaphore(%run_scoped3A : memref<!tpu.dma_semaphore, #tpu.memory_space<semaphore_mem>>) {add = true}
        %dma_wait3A_46 = arith.constant 0 : i32
        %dma_wait3A_47 = tpu.memref_slice %arg8[%scan3A_29, %dma_wait3A_46] : memref<79x128xi32, #tpu.memory_space<vmem>> -> memref<1x128xi32, #tpu.memory_space<vmem>>
        %dma_wait3A_48 = tpu.memref_squeeze %dma_wait3A_47 : memref<1x128xi32, #tpu.memory_space<vmem>> -> memref<128xi32, #tpu.memory_space<vmem>>
        %dma_wait3A_49 = arith.constant 0 : i32
        %dma_wait3A_50 = arith.constant 0 : i32
        %dma_wait3A_51 = tpu.memref_slice %arg10[%dma_wait3A_49, %dma_wait3A_50] : memref<10240x128xf32, #tpu.memory_space<vmem_shared>> -> memref<10240x128xf32, #tpu.memory_space<vmem_shared>>
        tpu.wait_indirect_dma semaphore(%run_scoped3A : memref<!tpu.dma_semaphore, #tpu.memory_space<semaphore_mem>>) src(%arg9 : memref<128x128xf32, #tpu.memory_space<vmem>>) dst(%dma_wait3A_51 : memref<10240x128xf32, #tpu.memory_space<vmem_shared>>)
        tpu.yield
      }) : () -> ()
    }
    %scan3A_17 = arith.constant 79 : i32
    %barrier3A_18 = arith.constant 0 : index
    tpu.barrier barrier_id(%barrier3A_18)
    %add3A_19 = arith.constant 0 : i32
    %add3A_20 = arith.addi %mul3A_2, %add3A_19 : i32
    "tpu.region"() ({
      %run_scoped3A = tpu.sem_alloc : memref<!tpu.dma_semaphore, #tpu.memory_space<semaphore_mem>>
      %dma_start3A = arith.constant 0 : i32
      %dma_start3A_29 = tpu.memref_slice %arg6[%arg0, %add3A_20, %dma_start3A] : memref<2x10240x128xf32, #tpu.memory_space<hbm>> -> memref<1x128x128xf32, #tpu.memory_space<hbm>>
      %dma_start3A_30 = tpu.memref_squeeze %dma_start3A_29 : memref<1x128x128xf32, #tpu.memory_space<hbm>> -> memref<128x128xf32, #tpu.memory_space<hbm>>
      %dma_start3A_31 = arith.constant 0 : i32
      %dma_start3A_32 = tpu.memref_slice %arg10[%add3A_20, %dma_start3A_31] : memref<10240x128xf32, #tpu.memory_space<vmem_shared>> -> memref<128x128xf32, #tpu.memory_space<vmem_shared>>
      tpu.enqueue_dma source(%dma_start3A_32 : memref<128x128xf32, #tpu.memory_space<vmem_shared>>) target(%dma_start3A_30 : memref<128x128xf32, #tpu.memory_space<hbm>>) target_semaphore(%run_scoped3A : memref<!tpu.dma_semaphore, #tpu.memory_space<semaphore_mem>>)
      %dma_wait3A = arith.constant 0 : i32
      %dma_wait3A_33 = tpu.memref_slice %arg6[%arg0, %add3A_20, %dma_wait3A] : memref<2x10240x128xf32, #tpu.memory_space<hbm>> -> memref<1x128x128xf32, #tpu.memory_space<hbm>>
      %dma_wait3A_34 = tpu.memref_squeeze %dma_wait3A_33 : memref<1x128x128xf32, #tpu.memory_space<hbm>> -> memref<128x128xf32, #tpu.memory_space<hbm>>
      %dma_wait3A_35 = arith.constant 0 : i32
      %dma_wait3A_36 = tpu.memref_slice %arg10[%add3A_20, %dma_wait3A_35] : memref<10240x128xf32, #tpu.memory_space<vmem_shared>> -> memref<128x128xf32, #tpu.memory_space<vmem_shared>>
      tpu.wait_dma2 semaphore(%run_scoped3A : memref<!tpu.dma_semaphore, #tpu.memory_space<semaphore_mem>>) src(%dma_wait3A_36 : memref<128x128xf32, #tpu.memory_space<vmem_shared>>) dst(%dma_wait3A_34 : memref<128x128xf32, #tpu.memory_space<hbm>>)
      tpu.yield
    }) : () -> ()
    %add3A_21 = arith.constant 128 : i32
    %add3A_22 = arith.addi %mul3A_2, %add3A_21 : i32
    "tpu.region"() ({
      %run_scoped3A = tpu.sem_alloc : memref<!tpu.dma_semaphore, #tpu.memory_space<semaphore_mem>>
      %dma_start3A = arith.constant 0 : i32
      %dma_start3A_29 = tpu.memref_slice %arg6[%arg0, %add3A_22, %dma_start3A] : memref<2x10240x128xf32, #tpu.memory_space<hbm>> -> memref<1x128x128xf32, #tpu.memory_space<hbm>>
      %dma_start3A_30 = tpu.memref_squeeze %dma_start3A_29 : memref<1x128x128xf32, #tpu.memory_space<hbm>> -> memref<128x128xf32, #tpu.memory_space<hbm>>
      %dma_start3A_31 = arith.constant 0 : i32
      %dma_start3A_32 = tpu.memref_slice %arg10[%add3A_22, %dma_start3A_31] : memref<10240x128xf32, #tpu.memory_space<vmem_shared>> -> memref<128x128xf32, #tpu.memory_space<vmem_shared>>
      tpu.enqueue_dma source(%dma_start3A_32 : memref<128x128xf32, #tpu.memory_space<vmem_shared>>) target(%dma_start3A_30 : memref<128x128xf32, #tpu.memory_space<hbm>>) target_semaphore(%run_scoped3A : memref<!tpu.dma_semaphore, #tpu.memory_space<semaphore_mem>>)
      %dma_wait3A = arith.constant 0 : i32
      %dma_wait3A_33 = tpu.memref_slice %arg6[%arg0, %add3A_22, %dma_wait3A] : memref<2x10240x128xf32, #tpu.memory_space<hbm>> -> memref<1x128x128xf32, #tpu.memory_space<hbm>>
      %dma_wait3A_34 = tpu.memref_squeeze %dma_wait3A_33 : memref<1x128x128xf32, #tpu.memory_space<hbm>> -> memref<128x128xf32, #tpu.memory_space<hbm>>
      %dma_wait3A_35 = arith.constant 0 : i32
      %dma_wait3A_36 = tpu.memref_slice %arg10[%add3A_22, %dma_wait3A_35] : memref<10240x128xf32, #tpu.memory_space<vmem_shared>> -> memref<128x128xf32, #tpu.memory_space<vmem_shared>>
      tpu.wait_dma2 semaphore(%run_scoped3A : memref<!tpu.dma_semaphore, #tpu.memory_space<semaphore_mem>>) src(%dma_wait3A_36 : memref<128x128xf32, #tpu.memory_space<vmem_shared>>) dst(%dma_wait3A_34 : memref<128x128xf32, #tpu.memory_space<hbm>>)
      tpu.yield
    }) : () -> ()
    %add3A_23 = arith.constant 256 : i32
    %add3A_24 = arith.addi %mul3A_2, %add3A_23 : i32
    "tpu.region"() ({
      %run_scoped3A = tpu.sem_alloc : memref<!tpu.dma_semaphore, #tpu.memory_space<semaphore_mem>>
      %dma_start3A = arith.constant 0 : i32
      %dma_start3A_29 = tpu.memref_slice %arg6[%arg0, %add3A_24, %dma_start3A] : memref<2x10240x128xf32, #tpu.memory_space<hbm>> -> memref<1x128x128xf32, #tpu.memory_space<hbm>>
      %dma_start3A_30 = tpu.memref_squeeze %dma_start3A_29 : memref<1x128x128xf32, #tpu.memory_space<hbm>> -> memref<128x128xf32, #tpu.memory_space<hbm>>
      %dma_start3A_31 = arith.constant 0 : i32
      %dma_start3A_32 = tpu.memref_slice %arg10[%add3A_24, %dma_start3A_31] : memref<10240x128xf32, #tpu.memory_space<vmem_shared>> -> memref<128x128xf32, #tpu.memory_space<vmem_shared>>
      tpu.enqueue_dma source(%dma_start3A_32 : memref<128x128xf32, #tpu.memory_space<vmem_shared>>) target(%dma_start3A_30 : memref<128x128xf32, #tpu.memory_space<hbm>>) target_semaphore(%run_scoped3A : memref<!tpu.dma_semaphore, #tpu.memory_space<semaphore_mem>>)
      %dma_wait3A = arith.constant 0 : i32
      %dma_wait3A_33 = tpu.memref_slice %arg6[%arg0, %add3A_24, %dma_wait3A] : memref<2x10240x128xf32, #tpu.memory_space<hbm>> -> memref<1x128x128xf32, #tpu.memory_space<hbm>>
      %dma_wait3A_34 = tpu.memref_squeeze %dma_wait3A_33 : memref<1x128x128xf32, #tpu.memory_space<hbm>> -> memref<128x128xf32, #tpu.memory_space<hbm>>
      %dma_wait3A_35 = arith.constant 0 : i32
      %dma_wait3A_36 = tpu.memref_slice %arg10[%add3A_24, %dma_wait3A_35] : memref<10240x128xf32, #tpu.memory_space<vmem_shared>> -> memref<128x128xf32, #tpu.memory_space<vmem_shared>>
      tpu.wait_dma2 semaphore(%run_scoped3A : memref<!tpu.dma_semaphore, #tpu.memory_space<semaphore_mem>>) src(%dma_wait3A_36 : memref<128x128xf32, #tpu.memory_space<vmem_shared>>) dst(%dma_wait3A_34 : memref<128x128xf32, #tpu.memory_space<hbm>>)
      tpu.yield
    }) : () -> ()
    %add3A_25 = arith.constant 384 : i32
    %add3A_26 = arith.addi %mul3A_2, %add3A_25 : i32
    "tpu.region"() ({
      %run_scoped3A = tpu.sem_alloc : memref<!tpu.dma_semaphore, #tpu.memory_space<semaphore_mem>>
      %dma_start3A = arith.constant 0 : i32
      %dma_start3A_29 = tpu.memref_slice %arg6[%arg0, %add3A_26, %dma_start3A] : memref<2x10240x128xf32, #tpu.memory_space<hbm>> -> memref<1x128x128xf32, #tpu.memory_space<hbm>>
      %dma_start3A_30 = tpu.memref_squeeze %dma_start3A_29 : memref<1x128x128xf32, #tpu.memory_space<hbm>> -> memref<128x128xf32, #tpu.memory_space<hbm>>
      %dma_start3A_31 = arith.constant 0 : i32
      %dma_start3A_32 = tpu.memref_slice %arg10[%add3A_26, %dma_start3A_31] : memref<10240x128xf32, #tpu.memory_space<vmem_shared>> -> memref<128x128xf32, #tpu.memory_space<vmem_shared>>
      tpu.enqueue_dma source(%dma_start3A_32 : memref<128x128xf32, #tpu.memory_space<vmem_shared>>) target(%dma_start3A_30 : memref<128x128xf32, #tpu.memory_space<hbm>>) target_semaphore(%run_scoped3A : memref<!tpu.dma_semaphore, #tpu.memory_space<semaphore_mem>>)
      %dma_wait3A = arith.constant 0 : i32
      %dma_wait3A_33 = tpu.memref_slice %arg6[%arg0, %add3A_26, %dma_wait3A] : memref<2x10240x128xf32, #tpu.memory_space<hbm>> -> memref<1x128x128xf32, #tpu.memory_space<hbm>>
      %dma_wait3A_34 = tpu.memref_squeeze %dma_wait3A_33 : memref<1x128x128xf32, #tpu.memory_space<hbm>> -> memref<128x128xf32, #tpu.memory_space<hbm>>
      %dma_wait3A_35 = arith.constant 0 : i32
      %dma_wait3A_36 = tpu.memref_slice %arg10[%add3A_26, %dma_wait3A_35] : memref<10240x128xf32, #tpu.memory_space<vmem_shared>> -> memref<128x128xf32, #tpu.memory_space<vmem_shared>>
      tpu.wait_dma2 semaphore(%run_scoped3A : memref<!tpu.dma_semaphore, #tpu.memory_space<semaphore_mem>>) src(%dma_wait3A_36 : memref<128x128xf32, #tpu.memory_space<vmem_shared>>) dst(%dma_wait3A_34 : memref<128x128xf32, #tpu.memory_space<hbm>>)
      tpu.yield
    }) : () -> ()
    %add3A_27 = arith.constant 512 : i32
    %add3A_28 = arith.addi %mul3A_2, %add3A_27 : i32
    "tpu.region"() ({
      %run_scoped3A = tpu.sem_alloc : memref<!tpu.dma_semaphore, #tpu.memory_space<semaphore_mem>>
      %dma_start3A = arith.constant 0 : i32
      %dma_start3A_29 = tpu.memref_slice %arg6[%arg0, %add3A_28, %dma_start3A] : memref<2x10240x128xf32, #tpu.memory_space<hbm>> -> memref<1x128x128xf32, #tpu.memory_space<hbm>>
      %dma_start3A_30 = tpu.memref_squeeze %dma_start3A_29 : memref<1x128x128xf32, #tpu.memory_space<hbm>> -> memref<128x128xf32, #tpu.memory_space<hbm>>
      %dma_start3A_31 = arith.constant 0 : i32
      %dma_start3A_32 = tpu.memref_slice %arg10[%add3A_28, %dma_start3A_31] : memref<10240x128xf32, #tpu.memory_space<vmem_shared>> -> memref<128x128xf32, #tpu.memory_space<vmem_shared>>
      tpu.enqueue_dma source(%dma_start3A_32 : memref<128x128xf32, #tpu.memory_space<vmem_shared>>) target(%dma_start3A_30 : memref<128x128xf32, #tpu.memory_space<hbm>>) target_semaphore(%run_scoped3A : memref<!tpu.dma_semaphore, #tpu.memory_space<semaphore_mem>>)
      %dma_wait3A = arith.constant 0 : i32
      %dma_wait3A_33 = tpu.memref_slice %arg6[%arg0, %add3A_28, %dma_wait3A] : memref<2x10240x128xf32, #tpu.memory_space<hbm>> -> memref<1x128x128xf32, #tpu.memory_space<hbm>>
      %dma_wait3A_34 = tpu.memref_squeeze %dma_wait3A_33 : memref<1x128x128xf32, #tpu.memory_space<hbm>> -> memref<128x128xf32, #tpu.memory_space<hbm>>
      %dma_wait3A_35 = arith.constant 0 : i32
      %dma_wait3A_36 = tpu.memref_slice %arg10[%add3A_28, %dma_wait3A_35] : memref<10240x128xf32, #tpu.memory_space<vmem_shared>> -> memref<128x128xf32, #tpu.memory_space<vmem_shared>>
      tpu.wait_dma2 semaphore(%run_scoped3A : memref<!tpu.dma_semaphore, #tpu.memory_space<semaphore_mem>>) src(%dma_wait3A_36 : memref<128x128xf32, #tpu.memory_space<vmem_shared>>) dst(%dma_wait3A_34 : memref<128x128xf32, #tpu.memory_space<hbm>>)
      tpu.yield
    }) : () -> ()
    return
  }
}

#map = affine_map<(d0, d1) -> (0, 0, 0)>
#map1 = affine_map<(d0, d1) -> (0, 0)>
module attributes {stable_mosaic.version = 14 : i64} {
  func.func @_sc_scatter(%arg0: i32, %arg1: i32, %arg2: memref<32x79x128xi32, #tpu.memory_space<hbm>>, %arg3: memref<32x79x128xi32, #tpu.memory_space<hbm>>, %arg4: memref<10000x128xf32, #tpu.memory_space<hbm>>, %arg5: memref<128x128xf32, #tpu.memory_space<hbm>>, %arg6: memref<2x10240x128xf32, #tpu.memory_space<hbm>>, %arg7: memref<79x128xi32, #tpu.memory_space<vmem>>, %arg8: memref<79x128xi32, #tpu.memory_space<vmem>>, %arg9: memref<128x128xf32, #tpu.memory_space<vmem>>, %arg10: memref<10240x128xf32, #tpu.memory_space<vmem_shared>>, %arg11: memref<!tpu.dma_semaphore, #tpu.memory_space<semaphore_mem>>) attributes {dimension_semantics = [#tpu.dimension_semantics<core_parallel>, #tpu.dimension_semantics<subcore_parallel>], iteration_bounds = array<i64: 2, 16>, scalar_prefetch = 0 : i64, scratch_operands = 5 : i64, tpu.core_type = #tpu.core_type<sc_vector_subcore>, window_params = [{transform_indices = #map}, {transform_indices = #map}, {transform_indices = #map1}, {transform_indices = #map1}, {transform_indices = #map}]} {
    %mul3A = arith.constant 2 : i32
    %mul3A_0 = arith.muli %arg1, %mul3A : i32
    %add3A = arith.addi %mul3A_0, %arg0 : i32
    %mul3A_1 = arith.constant 640 : i32
    %mul3A_2 = arith.muli %arg1, %mul3A_1 : i32
    %add3A_3 = arith.constant 0 : i32
    %add3A_4 = arith.addi %mul3A_2, %add3A_3 : i32
    "tpu.region"() ({
      %run_scoped3A = tpu.sem_alloc : memref<!tpu.dma_semaphore, #tpu.memory_space<semaphore_mem>>
      %dma_start3A = arith.constant 0 : i32
      %dma_start3A_29 = tpu.memref_slice %arg10[%add3A_4, %dma_start3A] : memref<10240x128xf32, #tpu.memory_space<vmem_shared>> -> memref<128x128xf32, #tpu.memory_space<vmem_shared>>
      tpu.enqueue_dma source(%arg5 : memref<128x128xf32, #tpu.memory_space<hbm>>) target(%dma_start3A_29 : memref<128x128xf32, #tpu.memory_space<vmem_shared>>) target_semaphore(%run_scoped3A : memref<!tpu.dma_semaphore, #tpu.memory_space<semaphore_mem>>)
      %dma_wait3A = arith.constant 0 : i32
      %dma_wait3A_30 = tpu.memref_slice %arg10[%add3A_4, %dma_wait3A] : memref<10240x128xf32, #tpu.memory_space<vmem_shared>> -> memref<128x128xf32, #tpu.memory_space<vmem_shared>>
      tpu.wait_dma2 semaphore(%run_scoped3A : memref<!tpu.dma_semaphore, #tpu.memory_space<semaphore_mem>>) src(%arg5 : memref<128x128xf32, #tpu.memory_space<hbm>>) dst(%dma_wait3A_30 : memref<128x128xf32, #tpu.memory_space<vmem_shared>>)
      tpu.yield
    }) : () -> ()
    %add3A_5 = arith.constant 128 : i32
    %add3A_6 = arith.addi %mul3A_2, %add3A_5 : i32
    "tpu.region"() ({
      %run_scoped3A = tpu.sem_alloc : memref<!tpu.dma_semaphore, #tpu.memory_space<semaphore_mem>>
      %dma_start3A = arith.constant 0 : i32
      %dma_start3A_29 = tpu.memref_slice %arg10[%add3A_6, %dma_start3A] : memref<10240x128xf32, #tpu.memory_space<vmem_shared>> -> memref<128x128xf32, #tpu.memory_space<vmem_shared>>
      tpu.enqueue_dma source(%arg5 : memref<128x128xf32, #tpu.memory_space<hbm>>) target(%dma_start3A_29 : memref<128x128xf32, #tpu.memory_space<vmem_shared>>) target_semaphore(%run_scoped3A : memref<!tpu.dma_semaphore, #tpu.memory_space<semaphore_mem>>)
      %dma_wait3A = arith.constant 0 : i32
      %dma_wait3A_30 = tpu.memref_slice %arg10[%add3A_6, %dma_wait3A] : memref<10240x128xf32, #tpu.memory_space<vmem_shared>> -> memref<128x128xf32, #tpu.memory_space<vmem_shared>>
      tpu.wait_dma2 semaphore(%run_scoped3A : memref<!tpu.dma_semaphore, #tpu.memory_space<semaphore_mem>>) src(%arg5 : memref<128x128xf32, #tpu.memory_space<hbm>>) dst(%dma_wait3A_30 : memref<128x128xf32, #tpu.memory_space<vmem_shared>>)
      tpu.yield
    }) : () -> ()
    %add3A_7 = arith.constant 256 : i32
    %add3A_8 = arith.addi %mul3A_2, %add3A_7 : i32
    "tpu.region"() ({
      %run_scoped3A = tpu.sem_alloc : memref<!tpu.dma_semaphore, #tpu.memory_space<semaphore_mem>>
      %dma_start3A = arith.constant 0 : i32
      %dma_start3A_29 = tpu.memref_slice %arg10[%add3A_8, %dma_start3A] : memref<10240x128xf32, #tpu.memory_space<vmem_shared>> -> memref<128x128xf32, #tpu.memory_space<vmem_shared>>
      tpu.enqueue_dma source(%arg5 : memref<128x128xf32, #tpu.memory_space<hbm>>) target(%dma_start3A_29 : memref<128x128xf32, #tpu.memory_space<vmem_shared>>) target_semaphore(%run_scoped3A : memref<!tpu.dma_semaphore, #tpu.memory_space<semaphore_mem>>)
      %dma_wait3A = arith.constant 0 : i32
      %dma_wait3A_30 = tpu.memref_slice %arg10[%add3A_8, %dma_wait3A] : memref<10240x128xf32, #tpu.memory_space<vmem_shared>> -> memref<128x128xf32, #tpu.memory_space<vmem_shared>>
      tpu.wait_dma2 semaphore(%run_scoped3A : memref<!tpu.dma_semaphore, #tpu.memory_space<semaphore_mem>>) src(%arg5 : memref<128x128xf32, #tpu.memory_space<hbm>>) dst(%dma_wait3A_30 : memref<128x128xf32, #tpu.memory_space<vmem_shared>>)
      tpu.yield
    }) : () -> ()
    %add3A_9 = arith.constant 384 : i32
    %add3A_10 = arith.addi %mul3A_2, %add3A_9 : i32
    "tpu.region"() ({
      %run_scoped3A = tpu.sem_alloc : memref<!tpu.dma_semaphore, #tpu.memory_space<semaphore_mem>>
      %dma_start3A = arith.constant 0 : i32
      %dma_start3A_29 = tpu.memref_slice %arg10[%add3A_10, %dma_start3A] : memref<10240x128xf32, #tpu.memory_space<vmem_shared>> -> memref<128x128xf32, #tpu.memory_space<vmem_shared>>
      tpu.enqueue_dma source(%arg5 : memref<128x128xf32, #tpu.memory_space<hbm>>) target(%dma_start3A_29 : memref<128x128xf32, #tpu.memory_space<vmem_shared>>) target_semaphore(%run_scoped3A : memref<!tpu.dma_semaphore, #tpu.memory_space<semaphore_mem>>)
      %dma_wait3A = arith.constant 0 : i32
      %dma_wait3A_30 = tpu.memref_slice %arg10[%add3A_10, %dma_wait3A] : memref<10240x128xf32, #tpu.memory_space<vmem_shared>> -> memref<128x128xf32, #tpu.memory_space<vmem_shared>>
      tpu.wait_dma2 semaphore(%run_scoped3A : memref<!tpu.dma_semaphore, #tpu.memory_space<semaphore_mem>>) src(%arg5 : memref<128x128xf32, #tpu.memory_space<hbm>>) dst(%dma_wait3A_30 : memref<128x128xf32, #tpu.memory_space<vmem_shared>>)
      tpu.yield
    }) : () -> ()
    %add3A_11 = arith.constant 512 : i32
    %add3A_12 = arith.addi %mul3A_2, %add3A_11 : i32
    "tpu.region"() ({
      %run_scoped3A = tpu.sem_alloc : memref<!tpu.dma_semaphore, #tpu.memory_space<semaphore_mem>>
      %dma_start3A = arith.constant 0 : i32
      %dma_start3A_29 = tpu.memref_slice %arg10[%add3A_12, %dma_start3A] : memref<10240x128xf32, #tpu.memory_space<vmem_shared>> -> memref<128x128xf32, #tpu.memory_space<vmem_shared>>
      tpu.enqueue_dma source(%arg5 : memref<128x128xf32, #tpu.memory_space<hbm>>) target(%dma_start3A_29 : memref<128x128xf32, #tpu.memory_space<vmem_shared>>) target_semaphore(%run_scoped3A : memref<!tpu.dma_semaphore, #tpu.memory_space<semaphore_mem>>)
      %dma_wait3A = arith.constant 0 : i32
      %dma_wait3A_30 = tpu.memref_slice %arg10[%add3A_12, %dma_wait3A] : memref<10240x128xf32, #tpu.memory_space<vmem_shared>> -> memref<128x128xf32, #tpu.memory_space<vmem_shared>>
      tpu.wait_dma2 semaphore(%run_scoped3A : memref<!tpu.dma_semaphore, #tpu.memory_space<semaphore_mem>>) src(%arg5 : memref<128x128xf32, #tpu.memory_space<hbm>>) dst(%dma_wait3A_30 : memref<128x128xf32, #tpu.memory_space<vmem_shared>>)
      tpu.yield
    }) : () -> ()
    "tpu.region"() ({
      %run_scoped3A = tpu.sem_alloc : memref<!tpu.dma_semaphore, #tpu.memory_space<semaphore_mem>>
      %dma_start3A = arith.constant 0 : i32
      %dma_start3A_29 = arith.constant 0 : i32
      %dma_start3A_30 = tpu.memref_slice %arg2[%add3A, %dma_start3A, %dma_start3A_29] : memref<32x79x128xi32, #tpu.memory_space<hbm>> -> memref<1x79x128xi32, #tpu.memory_space<hbm>>
      %dma_start3A_31 = tpu.memref_squeeze %dma_start3A_30 : memref<1x79x128xi32, #tpu.memory_space<hbm>> -> memref<79x128xi32, #tpu.memory_space<hbm>>
      %dma_start3A_32 = arith.constant 0 : i32
      %dma_start3A_33 = arith.constant 0 : i32
      %dma_start3A_34 = tpu.memref_slice %arg2[%add3A, %dma_start3A_32, %dma_start3A_33] : memref<32x79x128xi32, #tpu.memory_space<hbm>> -> memref<1x79x128xi32, #tpu.memory_space<hbm>>
      %dma_start3A_35 = tpu.memref_squeeze %dma_start3A_34 : memref<1x79x128xi32, #tpu.memory_space<hbm>> -> memref<79x128xi32, #tpu.memory_space<hbm>>
      tpu.enqueue_dma source(%dma_start3A_35 : memref<79x128xi32, #tpu.memory_space<hbm>>) target(%arg7 : memref<79x128xi32, #tpu.memory_space<vmem>>) target_semaphore(%run_scoped3A : memref<!tpu.dma_semaphore, #tpu.memory_space<semaphore_mem>>)
      %dma_wait3A = arith.constant 0 : i32
      %dma_wait3A_36 = arith.constant 0 : i32
      %dma_wait3A_37 = tpu.memref_slice %arg2[%add3A, %dma_wait3A, %dma_wait3A_36] : memref<32x79x128xi32, #tpu.memory_space<hbm>> -> memref<1x79x128xi32, #tpu.memory_space<hbm>>
      %dma_wait3A_38 = tpu.memref_squeeze %dma_wait3A_37 : memref<1x79x128xi32, #tpu.memory_space<hbm>> -> memref<79x128xi32, #tpu.memory_space<hbm>>
      %dma_wait3A_39 = arith.constant 0 : i32
      %dma_wait3A_40 = arith.constant 0 : i32
      %dma_wait3A_41 = tpu.memref_slice %arg2[%add3A, %dma_wait3A_39, %dma_wait3A_40] : memref<32x79x128xi32, #tpu.memory_space<hbm>> -> memref<1x79x128xi32, #tpu.memory_space<hbm>>
      %dma_wait3A_42 = tpu.memref_squeeze %dma_wait3A_41 : memref<1x79x128xi32, #tpu.memory_space<hbm>> -> memref<79x128xi32, #tpu.memory_space<hbm>>
      tpu.wait_dma2 semaphore(%run_scoped3A : memref<!tpu.dma_semaphore, #tpu.memory_space<semaphore_mem>>) src(%dma_wait3A_42 : memref<79x128xi32, #tpu.memory_space<hbm>>) dst(%arg7 : memref<79x128xi32, #tpu.memory_space<vmem>>)
      tpu.yield
    }) : () -> ()
    "tpu.region"() ({
      %run_scoped3A = tpu.sem_alloc : memref<!tpu.dma_semaphore, #tpu.memory_space<semaphore_mem>>
      %dma_start3A = arith.constant 0 : i32
      %dma_start3A_29 = arith.constant 0 : i32
      %dma_start3A_30 = tpu.memref_slice %arg3[%add3A, %dma_start3A, %dma_start3A_29] : memref<32x79x128xi32, #tpu.memory_space<hbm>> -> memref<1x79x128xi32, #tpu.memory_space<hbm>>
      %dma_start3A_31 = tpu.memref_squeeze %dma_start3A_30 : memref<1x79x128xi32, #tpu.memory_space<hbm>> -> memref<79x128xi32, #tpu.memory_space<hbm>>
      %dma_start3A_32 = arith.constant 0 : i32
      %dma_start3A_33 = arith.constant 0 : i32
      %dma_start3A_34 = tpu.memref_slice %arg3[%add3A, %dma_start3A_32, %dma_start3A_33] : memref<32x79x128xi32, #tpu.memory_space<hbm>> -> memref<1x79x128xi32, #tpu.memory_space<hbm>>
      %dma_start3A_35 = tpu.memref_squeeze %dma_start3A_34 : memref<1x79x128xi32, #tpu.memory_space<hbm>> -> memref<79x128xi32, #tpu.memory_space<hbm>>
      tpu.enqueue_dma source(%dma_start3A_35 : memref<79x128xi32, #tpu.memory_space<hbm>>) target(%arg8 : memref<79x128xi32, #tpu.memory_space<vmem>>) target_semaphore(%run_scoped3A : memref<!tpu.dma_semaphore, #tpu.memory_space<semaphore_mem>>)
      %dma_wait3A = arith.constant 0 : i32
      %dma_wait3A_36 = arith.constant 0 : i32
      %dma_wait3A_37 = tpu.memref_slice %arg3[%add3A, %dma_wait3A, %dma_wait3A_36] : memref<32x79x128xi32, #tpu.memory_space<hbm>> -> memref<1x79x128xi32, #tpu.memory_space<hbm>>
      %dma_wait3A_38 = tpu.memref_squeeze %dma_wait3A_37 : memref<1x79x128xi32, #tpu.memory_space<hbm>> -> memref<79x128xi32, #tpu.memory_space<hbm>>
      %dma_wait3A_39 = arith.constant 0 : i32
      %dma_wait3A_40 = arith.constant 0 : i32
      %dma_wait3A_41 = tpu.memref_slice %arg3[%add3A, %dma_wait3A_39, %dma_wait3A_40] : memref<32x79x128xi32, #tpu.memory_space<hbm>> -> memref<1x79x128xi32, #tpu.memory_space<hbm>>
      %dma_wait3A_42 = tpu.memref_squeeze %dma_wait3A_41 : memref<1x79x128xi32, #tpu.memory_space<hbm>> -> memref<79x128xi32, #tpu.memory_space<hbm>>
      tpu.wait_dma2 semaphore(%run_scoped3A : memref<!tpu.dma_semaphore, #tpu.memory_space<semaphore_mem>>) src(%dma_wait3A_42 : memref<79x128xi32, #tpu.memory_space<hbm>>) dst(%arg8 : memref<79x128xi32, #tpu.memory_space<vmem>>)
      tpu.yield
    }) : () -> ()
    %barrier3A = arith.constant 0 : index
    tpu.barrier barrier_id(%barrier3A)
    %scan3A = arith.constant 0 : i32
    %scan3A_13 = arith.constant 0 : i32
    %scan3A_14 = arith.constant 79 : i32
    %scan3A_15 = arith.addi %scan3A_13, %scan3A_14 : i32
    %scan3A_16 = arith.constant 1 : i32
    scf.for %scan3A_29 = %scan3A_13 to %scan3A_15 step %scan3A_16  : i32 {
      %dma_start3A = arith.constant 0 : i32
      %dma_start3A_30 = tpu.memref_slice %arg7[%scan3A_29, %dma_start3A] : memref<79x128xi32, #tpu.memory_space<vmem>> -> memref<1x128xi32, #tpu.memory_space<vmem>>
      %dma_start3A_31 = tpu.memref_squeeze %dma_start3A_30 : memref<1x128xi32, #tpu.memory_space<vmem>> -> memref<128xi32, #tpu.memory_space<vmem>>
      %dma_start3A_32 = arith.constant 0 : i32
      %dma_start3A_33 = arith.constant 0 : i32
      %dma_start3A_34 = tpu.memref_slice %arg4[%dma_start3A_32, %dma_start3A_33] : memref<10000x128xf32, #tpu.memory_space<hbm>> -> memref<10000x128xf32, #tpu.memory_space<hbm>>
      tpu.enqueue_indirect_dma source(%dma_start3A_34 : memref<10000x128xf32, #tpu.memory_space<hbm>>) target(%arg9 : memref<128x128xf32, #tpu.memory_space<vmem>>) offsets(%dma_start3A_31 : memref<128xi32, #tpu.memory_space<vmem>>) semaphore(%arg11 : memref<!tpu.dma_semaphore, #tpu.memory_space<semaphore_mem>>)
      %dma_wait3A = arith.constant 0 : i32
      %dma_wait3A_35 = tpu.memref_slice %arg7[%scan3A_29, %dma_wait3A] : memref<79x128xi32, #tpu.memory_space<vmem>> -> memref<1x128xi32, #tpu.memory_space<vmem>>
      %dma_wait3A_36 = tpu.memref_squeeze %dma_wait3A_35 : memref<1x128xi32, #tpu.memory_space<vmem>> -> memref<128xi32, #tpu.memory_space<vmem>>
      %dma_wait3A_37 = arith.constant 0 : i32
      %dma_wait3A_38 = arith.constant 0 : i32
      %dma_wait3A_39 = tpu.memref_slice %arg4[%dma_wait3A_37, %dma_wait3A_38] : memref<10000x128xf32, #tpu.memory_space<hbm>> -> memref<10000x128xf32, #tpu.memory_space<hbm>>
      tpu.wait_indirect_dma semaphore(%arg11 : memref<!tpu.dma_semaphore, #tpu.memory_space<semaphore_mem>>) src(%dma_wait3A_39 : memref<10000x128xf32, #tpu.memory_space<hbm>>) dst(%arg9 : memref<128x128xf32, #tpu.memory_space<vmem>>)
      "tpu.region"() ({
        %run_scoped3A = tpu.sem_alloc : memref<!tpu.dma_semaphore, #tpu.memory_space<semaphore_mem>>
        %dma_start3A_40 = arith.constant 0 : i32
        %dma_start3A_41 = tpu.memref_slice %arg8[%scan3A_29, %dma_start3A_40] : memref<79x128xi32, #tpu.memory_space<vmem>> -> memref<1x128xi32, #tpu.memory_space<vmem>>
        %dma_start3A_42 = tpu.memref_squeeze %dma_start3A_41 : memref<1x128xi32, #tpu.memory_space<vmem>> -> memref<128xi32, #tpu.memory_space<vmem>>
        %dma_start3A_43 = arith.constant 0 : i32
        %dma_start3A_44 = arith.constant 0 : i32
        %dma_start3A_45 = tpu.memref_slice %arg10[%dma_start3A_43, %dma_start3A_44] : memref<10240x128xf32, #tpu.memory_space<vmem_shared>> -> memref<10240x128xf32, #tpu.memory_space<vmem_shared>>
        tpu.enqueue_indirect_dma source(%arg9 : memref<128x128xf32, #tpu.memory_space<vmem>>) target(%dma_start3A_45 : memref<10240x128xf32, #tpu.memory_space<vmem_shared>>) offsets(%dma_start3A_42 : memref<128xi32, #tpu.memory_space<vmem>>) semaphore(%run_scoped3A : memref<!tpu.dma_semaphore, #tpu.memory_space<semaphore_mem>>) {add = true}
        %dma_wait3A_46 = arith.constant 0 : i32
        %dma_wait3A_47 = tpu.memref_slice %arg8[%scan3A_29, %dma_wait3A_46] : memref<79x128xi32, #tpu.memory_space<vmem>> -> memref<1x128xi32, #tpu.memory_space<vmem>>
        %dma_wait3A_48 = tpu.memref_squeeze %dma_wait3A_47 : memref<1x128xi32, #tpu.memory_space<vmem>> -> memref<128xi32, #tpu.memory_space<vmem>>
        %dma_wait3A_49 = arith.constant 0 : i32
        %dma_wait3A_50 = arith.constant 0 : i32
        %dma_wait3A_51 = tpu.memref_slice %arg10[%dma_wait3A_49, %dma_wait3A_50] : memref<10240x128xf32, #tpu.memory_space<vmem_shared>> -> memref<10240x128xf32, #tpu.memory_space<vmem_shared>>
        tpu.wait_indirect_dma semaphore(%run_scoped3A : memref<!tpu.dma_semaphore, #tpu.memory_space<semaphore_mem>>) src(%arg9 : memref<128x128xf32, #tpu.memory_space<vmem>>) dst(%dma_wait3A_51 : memref<10240x128xf32, #tpu.memory_space<vmem_shared>>)
        tpu.yield
      }) : () -> ()
    }
    %scan3A_17 = arith.constant 79 : i32
    %barrier3A_18 = arith.constant 0 : index
    tpu.barrier barrier_id(%barrier3A_18)
    %add3A_19 = arith.constant 0 : i32
    %add3A_20 = arith.addi %mul3A_2, %add3A_19 : i32
    "tpu.region"() ({
      %run_scoped3A = tpu.sem_alloc : memref<!tpu.dma_semaphore, #tpu.memory_space<semaphore_mem>>
      %dma_start3A = arith.constant 0 : i32
      %dma_start3A_29 = tpu.memref_slice %arg6[%arg0, %add3A_20, %dma_start3A] : memref<2x10240x128xf32, #tpu.memory_space<hbm>> -> memref<1x128x128xf32, #tpu.memory_space<hbm>>
      %dma_start3A_30 = tpu.memref_squeeze %dma_start3A_29 : memref<1x128x128xf32, #tpu.memory_space<hbm>> -> memref<128x128xf32, #tpu.memory_space<hbm>>
      %dma_start3A_31 = arith.constant 0 : i32
      %dma_start3A_32 = tpu.memref_slice %arg10[%add3A_20, %dma_start3A_31] : memref<10240x128xf32, #tpu.memory_space<vmem_shared>> -> memref<128x128xf32, #tpu.memory_space<vmem_shared>>
      tpu.enqueue_dma source(%dma_start3A_32 : memref<128x128xf32, #tpu.memory_space<vmem_shared>>) target(%dma_start3A_30 : memref<128x128xf32, #tpu.memory_space<hbm>>) target_semaphore(%run_scoped3A : memref<!tpu.dma_semaphore, #tpu.memory_space<semaphore_mem>>)
      %dma_wait3A = arith.constant 0 : i32
      %dma_wait3A_33 = tpu.memref_slice %arg6[%arg0, %add3A_20, %dma_wait3A] : memref<2x10240x128xf32, #tpu.memory_space<hbm>> -> memref<1x128x128xf32, #tpu.memory_space<hbm>>
      %dma_wait3A_34 = tpu.memref_squeeze %dma_wait3A_33 : memref<1x128x128xf32, #tpu.memory_space<hbm>> -> memref<128x128xf32, #tpu.memory_space<hbm>>
      %dma_wait3A_35 = arith.constant 0 : i32
      %dma_wait3A_36 = tpu.memref_slice %arg10[%add3A_20, %dma_wait3A_35] : memref<10240x128xf32, #tpu.memory_space<vmem_shared>> -> memref<128x128xf32, #tpu.memory_space<vmem_shared>>
      tpu.wait_dma2 semaphore(%run_scoped3A : memref<!tpu.dma_semaphore, #tpu.memory_space<semaphore_mem>>) src(%dma_wait3A_36 : memref<128x128xf32, #tpu.memory_space<vmem_shared>>) dst(%dma_wait3A_34 : memref<128x128xf32, #tpu.memory_space<hbm>>)
      tpu.yield
    }) : () -> ()
    %add3A_21 = arith.constant 128 : i32
    %add3A_22 = arith.addi %mul3A_2, %add3A_21 : i32
    "tpu.region"() ({
      %run_scoped3A = tpu.sem_alloc : memref<!tpu.dma_semaphore, #tpu.memory_space<semaphore_mem>>
      %dma_start3A = arith.constant 0 : i32
      %dma_start3A_29 = tpu.memref_slice %arg6[%arg0, %add3A_22, %dma_start3A] : memref<2x10240x128xf32, #tpu.memory_space<hbm>> -> memref<1x128x128xf32, #tpu.memory_space<hbm>>
      %dma_start3A_30 = tpu.memref_squeeze %dma_start3A_29 : memref<1x128x128xf32, #tpu.memory_space<hbm>> -> memref<128x128xf32, #tpu.memory_space<hbm>>
      %dma_start3A_31 = arith.constant 0 : i32
      %dma_start3A_32 = tpu.memref_slice %arg10[%add3A_22, %dma_start3A_31] : memref<10240x128xf32, #tpu.memory_space<vmem_shared>> -> memref<128x128xf32, #tpu.memory_space<vmem_shared>>
      tpu.enqueue_dma source(%dma_start3A_32 : memref<128x128xf32, #tpu.memory_space<vmem_shared>>) target(%dma_start3A_30 : memref<128x128xf32, #tpu.memory_space<hbm>>) target_semaphore(%run_scoped3A : memref<!tpu.dma_semaphore, #tpu.memory_space<semaphore_mem>>)
      %dma_wait3A = arith.constant 0 : i32
      %dma_wait3A_33 = tpu.memref_slice %arg6[%arg0, %add3A_22, %dma_wait3A] : memref<2x10240x128xf32, #tpu.memory_space<hbm>> -> memref<1x128x128xf32, #tpu.memory_space<hbm>>
      %dma_wait3A_34 = tpu.memref_squeeze %dma_wait3A_33 : memref<1x128x128xf32, #tpu.memory_space<hbm>> -> memref<128x128xf32, #tpu.memory_space<hbm>>
      %dma_wait3A_35 = arith.constant 0 : i32
      %dma_wait3A_36 = tpu.memref_slice %arg10[%add3A_22, %dma_wait3A_35] : memref<10240x128xf32, #tpu.memory_space<vmem_shared>> -> memref<128x128xf32, #tpu.memory_space<vmem_shared>>
      tpu.wait_dma2 semaphore(%run_scoped3A : memref<!tpu.dma_semaphore, #tpu.memory_space<semaphore_mem>>) src(%dma_wait3A_36 : memref<128x128xf32, #tpu.memory_space<vmem_shared>>) dst(%dma_wait3A_34 : memref<128x128xf32, #tpu.memory_space<hbm>>)
      tpu.yield
    }) : () -> ()
    %add3A_23 = arith.constant 256 : i32
    %add3A_24 = arith.addi %mul3A_2, %add3A_23 : i32
    "tpu.region"() ({
      %run_scoped3A = tpu.sem_alloc : memref<!tpu.dma_semaphore, #tpu.memory_space<semaphore_mem>>
      %dma_start3A = arith.constant 0 : i32
      %dma_start3A_29 = tpu.memref_slice %arg6[%arg0, %add3A_24, %dma_start3A] : memref<2x10240x128xf32, #tpu.memory_space<hbm>> -> memref<1x128x128xf32, #tpu.memory_space<hbm>>
      %dma_start3A_30 = tpu.memref_squeeze %dma_start3A_29 : memref<1x128x128xf32, #tpu.memory_space<hbm>> -> memref<128x128xf32, #tpu.memory_space<hbm>>
      %dma_start3A_31 = arith.constant 0 : i32
      %dma_start3A_32 = tpu.memref_slice %arg10[%add3A_24, %dma_start3A_31] : memref<10240x128xf32, #tpu.memory_space<vmem_shared>> -> memref<128x128xf32, #tpu.memory_space<vmem_shared>>
      tpu.enqueue_dma source(%dma_start3A_32 : memref<128x128xf32, #tpu.memory_space<vmem_shared>>) target(%dma_start3A_30 : memref<128x128xf32, #tpu.memory_space<hbm>>) target_semaphore(%run_scoped3A : memref<!tpu.dma_semaphore, #tpu.memory_space<semaphore_mem>>)
      %dma_wait3A = arith.constant 0 : i32
      %dma_wait3A_33 = tpu.memref_slice %arg6[%arg0, %add3A_24, %dma_wait3A] : memref<2x10240x128xf32, #tpu.memory_space<hbm>> -> memref<1x128x128xf32, #tpu.memory_space<hbm>>
      %dma_wait3A_34 = tpu.memref_squeeze %dma_wait3A_33 : memref<1x128x128xf32, #tpu.memory_space<hbm>> -> memref<128x128xf32, #tpu.memory_space<hbm>>
      %dma_wait3A_35 = arith.constant 0 : i32
      %dma_wait3A_36 = tpu.memref_slice %arg10[%add3A_24, %dma_wait3A_35] : memref<10240x128xf32, #tpu.memory_space<vmem_shared>> -> memref<128x128xf32, #tpu.memory_space<vmem_shared>>
      tpu.wait_dma2 semaphore(%run_scoped3A : memref<!tpu.dma_semaphore, #tpu.memory_space<semaphore_mem>>) src(%dma_wait3A_36 : memref<128x128xf32, #tpu.memory_space<vmem_shared>>) dst(%dma_wait3A_34 : memref<128x128xf32, #tpu.memory_space<hbm>>)
      tpu.yield
    }) : () -> ()
    %add3A_25 = arith.constant 384 : i32
    %add3A_26 = arith.addi %mul3A_2, %add3A_25 : i32
    "tpu.region"() ({
      %run_scoped3A = tpu.sem_alloc : memref<!tpu.dma_semaphore, #tpu.memory_space<semaphore_mem>>
      %dma_start3A = arith.constant 0 : i32
      %dma_start3A_29 = tpu.memref_slice %arg6[%arg0, %add3A_26, %dma_start3A] : memref<2x10240x128xf32, #tpu.memory_space<hbm>> -> memref<1x128x128xf32, #tpu.memory_space<hbm>>
      %dma_start3A_30 = tpu.memref_squeeze %dma_start3A_29 : memref<1x128x128xf32, #tpu.memory_space<hbm>> -> memref<128x128xf32, #tpu.memory_space<hbm>>
      %dma_start3A_31 = arith.constant 0 : i32
      %dma_start3A_32 = tpu.memref_slice %arg10[%add3A_26, %dma_start3A_31] : memref<10240x128xf32, #tpu.memory_space<vmem_shared>> -> memref<128x128xf32, #tpu.memory_space<vmem_shared>>
      tpu.enqueue_dma source(%dma_start3A_32 : memref<128x128xf32, #tpu.memory_space<vmem_shared>>) target(%dma_start3A_30 : memref<128x128xf32, #tpu.memory_space<hbm>>) target_semaphore(%run_scoped3A : memref<!tpu.dma_semaphore, #tpu.memory_space<semaphore_mem>>)
      %dma_wait3A = arith.constant 0 : i32
      %dma_wait3A_33 = tpu.memref_slice %arg6[%arg0, %add3A_26, %dma_wait3A] : memref<2x10240x128xf32, #tpu.memory_space<hbm>> -> memref<1x128x128xf32, #tpu.memory_space<hbm>>
      %dma_wait3A_34 = tpu.memref_squeeze %dma_wait3A_33 : memref<1x128x128xf32, #tpu.memory_space<hbm>> -> memref<128x128xf32, #tpu.memory_space<hbm>>
      %dma_wait3A_35 = arith.constant 0 : i32
      %dma_wait3A_36 = tpu.memref_slice %arg10[%add3A_26, %dma_wait3A_35] : memref<10240x128xf32, #tpu.memory_space<vmem_shared>> -> memref<128x128xf32, #tpu.memory_space<vmem_shared>>
      tpu.wait_dma2 semaphore(%run_scoped3A : memref<!tpu.dma_semaphore, #tpu.memory_space<semaphore_mem>>) src(%dma_wait3A_36 : memref<128x128xf32, #tpu.memory_space<vmem_shared>>) dst(%dma_wait3A_34 : memref<128x128xf32, #tpu.memory_space<hbm>>)
      tpu.yield
    }) : () -> ()
    %add3A_27 = arith.constant 512 : i32
    %add3A_28 = arith.addi %mul3A_2, %add3A_27 : i32
    "tpu.region"() ({
      %run_scoped3A = tpu.sem_alloc : memref<!tpu.dma_semaphore, #tpu.memory_space<semaphore_mem>>
      %dma_start3A = arith.constant 0 : i32
      %dma_start3A_29 = tpu.memref_slice %arg6[%arg0, %add3A_28, %dma_start3A] : memref<2x10240x128xf32, #tpu.memory_space<hbm>> -> memref<1x128x128xf32, #tpu.memory_space<hbm>>
      %dma_start3A_30 = tpu.memref_squeeze %dma_start3A_29 : memref<1x128x128xf32, #tpu.memory_space<hbm>> -> memref<128x128xf32, #tpu.memory_space<hbm>>
      %dma_start3A_31 = arith.constant 0 : i32
      %dma_start3A_32 = tpu.memref_slice %arg10[%add3A_28, %dma_start3A_31] : memref<10240x128xf32, #tpu.memory_space<vmem_shared>> -> memref<128x128xf32, #tpu.memory_space<vmem_shared>>
      tpu.enqueue_dma source(%dma_start3A_32 : memref<128x128xf32, #tpu.memory_space<vmem_shared>>) target(%dma_start3A_30 : memref<128x128xf32, #tpu.memory_space<hbm>>) target_semaphore(%run_scoped3A : memref<!tpu.dma_semaphore, #tpu.memory_space<semaphore_mem>>)
      %dma_wait3A = arith.constant 0 : i32
      %dma_wait3A_33 = tpu.memref_slice %arg6[%arg0, %add3A_28, %dma_wait3A] : memref<2x10240x128xf32, #tpu.memory_space<hbm>> -> memref<1x128x128xf32, #tpu.memory_space<hbm>>
      %dma_wait3A_34 = tpu.memref_squeeze %dma_wait3A_33 : memref<1x128x128xf32, #tpu.memory_space<hbm>> -> memref<128x128xf32, #tpu.memory_space<hbm>>
      %dma_wait3A_35 = arith.constant 0 : i32
      %dma_wait3A_36 = tpu.memref_slice %arg10[%add3A_28, %dma_wait3A_35] : memref<10240x128xf32, #tpu.memory_space<vmem_shared>> -> memref<128x128xf32, #tpu.memory_space<vmem_shared>>
      tpu.wait_dma2 semaphore(%run_scoped3A : memref<!tpu.dma_semaphore, #tpu.memory_space<semaphore_mem>>) src(%dma_wait3A_36 : memref<128x128xf32, #tpu.memory_space<vmem_shared>>) dst(%dma_wait3A_34 : memref<128x128xf32, #tpu.memory_space<hbm>>)
      tpu.yield
    }) : () -> ()
    return
  }
}

module attributes {stable_mosaic.version = 14 : i64} {
  func.func @body(%arg0: memref<2x10240x128xf32, #tpu.memory_space<vmem>>, %arg1: memref<10240x1xf32, #tpu.memory_space<vmem>>) attributes {dimension_semantics = [], scalar_prefetch = 0 : i64, scratch_operands = 0 : i64, tpu.core_type = #tpu.core_type<tc>} {
    %get3A = arith.constant 0 : index
    %get3A_0 = arith.constant 0 : index
    %get3A_1 = arith.constant 0 : index
    %get3A_2 = vector.load %arg0[%get3A, %get3A_0, %get3A_1] : memref<2x10240x128xf32, #tpu.memory_space<vmem>>, vector<1x10240x1xf32>
    %get3A_3 = vector.shape_cast %get3A_2 : vector<1x10240x1xf32> to vector<10240x1xf32>
    %get3A_4 = arith.constant 1 : index
    %get3A_5 = arith.constant 0 : index
    %get3A_6 = arith.constant 0 : index
    %get3A_7 = vector.load %arg0[%get3A_4, %get3A_5, %get3A_6] : memref<2x10240x128xf32, #tpu.memory_space<vmem>>, vector<1x10240x1xf32>
    %get3A_8 = vector.shape_cast %get3A_7 : vector<1x10240x1xf32> to vector<10240x1xf32>
    %add3A = arith.addf %get3A_3, %get3A_8 : vector<10240x1xf32>
    %add3A_9 = arith.constant 1.000000e+00 : f32
    %add3A_10 = vector.broadcast %add3A_9 : f32 to vector<10240x1xf32>
    %add3A_11 = arith.addf %add3A, %add3A_10 : vector<10240x1xf32>
    %rsqrt3A = math.rsqrt %add3A_11 : vector<10240x1xf32>
    %swap3A = arith.constant 0 : index
    %swap3A_12 = arith.constant 0 : index
    %swap3A_13 = vector.load %arg1[%swap3A, %swap3A_12] : memref<10240x1xf32, #tpu.memory_space<vmem>>, vector<10240x1xf32>
    tpu.vector_store %arg1[%swap3A, %swap3A_12], %rsqrt3A {strides = array<i32>} : memref<10240x1xf32, #tpu.memory_space<vmem>>, vector<10240x1xf32>,
    return
  }
}

module attributes {stable_mosaic.version = 14 : i64} {
  func.func @body(%arg0: i32, %arg1: memref<2000x128xf32, #tpu.memory_space<vmem>>, %arg2: memref<128x128xf32, #tpu.memory_space<vmem>>, %arg3: memref<2000x1xf32, #tpu.memory_space<vmem>>, %arg4: memref<1x128xf32, #tpu.memory_space<vmem>>, %arg5: memref<1x128xf32, #tpu.memory_space<vmem>>, %arg6: memref<2000x128xf32, #tpu.memory_space<vmem>>) attributes {dimension_semantics = [#tpu.dimension_semantics<arbitrary>], iteration_bounds = array<i64: 5>, scalar_prefetch = 0 : i64, scratch_operands = 0 : i64, tpu.core_type = #tpu.core_type<tc>, window_params = [{transform_indices = @transform_0, window_bounds = array<i64: 2000, 128>}, {pipeline_mode = #tpu.pipeline_mode<synchronous>, transform_indices = @transform_1, window_bounds = array<i64: 128, 128>}, {transform_indices = @transform_2, window_bounds = array<i64: 2000, 1>}, {pipeline_mode = #tpu.pipeline_mode<synchronous>, transform_indices = @transform_3, window_bounds = array<i64: 1, 128>}, {pipeline_mode = #tpu.pipeline_mode<synchronous>, transform_indices = @transform_4, window_bounds = array<i64: 1, 128>}, {transform_indices = @transform_5, window_bounds = array<i64: 2000, 128>}]} {
    %get3A = arith.constant 0 : index
    %get3A_0 = arith.constant 0 : index
    %get3A_1 = vector.load %arg1[%get3A, %get3A_0] : memref<2000x128xf32, #tpu.memory_space<vmem>>, vector<2000x128xf32>
    %get3A_2 = arith.constant 0 : index
    %get3A_3 = arith.constant 0 : index
    %get3A_4 = vector.load %arg4[%get3A_2, %get3A_3] : memref<1x128xf32, #tpu.memory_space<vmem>>, vector<1x128xf32>
    %mul3A = vector.broadcast %get3A_4 : vector<1x128xf32> to vector<2000x128xf32>
    %mul3A_5 = arith.mulf %get3A_1, %mul3A : vector<2000x128xf32>
    %get3A_6 = arith.constant 0 : index
    %get3A_7 = arith.constant 0 : index
    %get3A_8 = vector.load %arg5[%get3A_6, %get3A_7] : memref<1x128xf32, #tpu.memory_space<vmem>>, vector<1x128xf32>
    %add3A = vector.broadcast %get3A_8 : vector<1x128xf32> to vector<2000x128xf32>
    %add3A_9 = arith.addf %mul3A_5, %add3A : vector<2000x128xf32>
    %get3A_10 = arith.constant 0 : index
    %get3A_11 = arith.constant 0 : index
    %get3A_12 = vector.load %arg3[%get3A_10, %get3A_11] : memref<2000x1xf32, #tpu.memory_space<vmem>>, vector<2000x1xf32>
    %mul3A_13 = vector.broadcast %get3A_12 : vector<2000x1xf32> to vector<2000x128xf32>
    %mul3A_14 = arith.mulf %add3A_9, %mul3A_13 : vector<2000x128xf32>
    %get3A_15 = arith.constant 0 : index
    %get3A_16 = arith.constant 0 : index
    %get3A_17 = vector.load %arg2[%get3A_15, %get3A_16] : memref<128x128xf32, #tpu.memory_space<vmem>>, vector<128x128xf32>
    %dot_general3A = arith.constant dense<0.000000e+00> : vector<2000x128xf32>
    %dot_general3A_18 = tpu.matmul %mul3A_14, %get3A_17, %dot_general3A {dimension_numbers = #tpu.dot_dimension_numbers<[1], [0], [0], [1], [0, 0, 1, 1], [], []>, transpose_lhs_hint = false} : vector<2000x128xf32>, vector<128x128xf32>, vector<2000x128xf32> -> vector<2000x128xf32>
    %swap3A = arith.constant 0 : index
    %swap3A_19 = arith.constant 0 : index
    %swap3A_20 = vector.load %arg6[%swap3A, %swap3A_19] : memref<2000x128xf32, #tpu.memory_space<vmem>>, vector<2000x128xf32>
    tpu.vector_store %arg6[%swap3A, %swap3A_19], %dot_general3A_18 {strides = array<i32>} : memref<2000x128xf32, #tpu.memory_space<vmem>>, vector<2000x128xf32>,
    return
  }
  func.func @transform_0(%arg0: i32) -> (i32, i32) {
    %c0_i32 = arith.constant 0 : i32
    %c0_i32_0 = arith.constant 0 : i32
    return %arg0, %c0_i32 : i32, i32
  }
  func.func @transform_1(%arg0: i32) -> (i32, i32) {
    %c0_i32 = arith.constant 0 : i32
    %c0_i32_0 = arith.constant 0 : i32
    %c0_i32_1 = arith.constant 0 : i32
    return %c0_i32, %c0_i32_0 : i32, i32
  }
  func.func @transform_2(%arg0: i32) -> (i32, i32) {
    %c0_i32 = arith.constant 0 : i32
    %c0_i32_0 = arith.constant 0 : i32
    return %arg0, %c0_i32 : i32, i32
  }
  func.func @transform_3(%arg0: i32) -> (i32, i32) {
    %c0_i32 = arith.constant 0 : i32
    %c0_i32_0 = arith.constant 0 : i32
    %c0_i32_1 = arith.constant 0 : i32
    return %c0_i32, %c0_i32_0 : i32, i32
  }
  func.func @transform_4(%arg0: i32) -> (i32, i32) {
    %c0_i32 = arith.constant 0 : i32
    %c0_i32_0 = arith.constant 0 : i32
    %c0_i32_1 = arith.constant 0 : i32
    return %c0_i32, %c0_i32_0 : i32, i32
  }
  func.func @transform_5(%arg0: i32) -> (i32, i32) {
    %c0_i32 = arith.constant 0 : i32
    %c0_i32_0 = arith.constant 0 : i32
    return %arg0, %c0_i32 : i32, i32
  }
}

module attributes {stable_mosaic.version = 14 : i64} {
  func.func @body(%arg0: i32, %arg1: memref<2x2000x128xf32, #tpu.memory_space<vmem>>, %arg2: memref<2000x128xf32, #tpu.memory_space<vmem>>, %arg3: memref<2000x1xf32, #tpu.memory_space<vmem>>, %arg4: memref<1x128xf32, #tpu.memory_space<vmem>>, %arg5: memref<2000x1xi32, #tpu.memory_space<vmem>>, %arg6: memref<2000x128xf32, #tpu.memory_space<vmem>>, %arg7: memref<2x128xf32, #tpu.memory_space<vmem>>, %arg8: memref<64x128xf32, #tpu.memory_space<vmem>>, %arg9: memref<1x64xf32, #tpu.memory_space<vmem>>) attributes {dimension_semantics = [#tpu.dimension_semantics<arbitrary>], iteration_bounds = array<i64: 5>, scalar_prefetch = 0 : i64, scratch_operands = 0 : i64, tpu.core_type = #tpu.core_type<tc>, window_params = [{transform_indices = @transform_0, window_bounds = array<i64: 2, 2000, 128>}, {transform_indices = @transform_1, window_bounds = array<i64: 2000, 128>}, {transform_indices = @transform_2, window_bounds = array<i64: 2000, 1>}, {pipeline_mode = #tpu.pipeline_mode<synchronous>, transform_indices = @transform_3, window_bounds = array<i64: 1, 128>}, {transform_indices = @transform_4, window_bounds = array<i64: 2000, 1>}, {transform_indices = @transform_5, window_bounds = array<i64: 2000, 128>}, {pipeline_mode = #tpu.pipeline_mode<synchronous>, transform_indices = @transform_6, window_bounds = array<i64: 2, 128>}, {pipeline_mode = #tpu.pipeline_mode<synchronous>, transform_indices = @transform_7, window_bounds = array<i64: 64, 128>}, {pipeline_mode = #tpu.pipeline_mode<synchronous>, transform_indices = @transform_8, window_bounds = array<i64: 1, 64>}]} {
    %get3A = arith.constant 0 : index
    %get3A_0 = arith.constant 0 : index
    %get3A_1 = arith.constant 0 : index
    %get3A_2 = vector.load %arg1[%get3A, %get3A_0, %get3A_1] : memref<2x2000x128xf32, #tpu.memory_space<vmem>>, vector<1x2000x128xf32>
    %get3A_3 = vector.shape_cast %get3A_2 : vector<1x2000x128xf32> to vector<2000x128xf32>
    %get3A_4 = arith.constant 1 : index
    %get3A_5 = arith.constant 0 : index
    %get3A_6 = arith.constant 0 : index
    %get3A_7 = vector.load %arg1[%get3A_4, %get3A_5, %get3A_6] : memref<2x2000x128xf32, #tpu.memory_space<vmem>>, vector<1x2000x128xf32>
    %get3A_8 = vector.shape_cast %get3A_7 : vector<1x2000x128xf32> to vector<2000x128xf32>
    %add3A = arith.addf %get3A_3, %get3A_8 : vector<2000x128xf32>
    %get3A_9 = arith.constant 0 : index
    %get3A_10 = arith.constant 0 : index
    %get3A_11 = vector.load %arg2[%get3A_9, %get3A_10] : memref<2000x128xf32, #tpu.memory_space<vmem>>, vector<2000x128xf32>
    %add3A_12 = arith.addf %add3A, %get3A_11 : vector<2000x128xf32>
    %get3A_13 = arith.constant 0 : index
    %get3A_14 = arith.constant 0 : index
    %get3A_15 = vector.load %arg3[%get3A_13, %get3A_14] : memref<2000x1xf32, #tpu.memory_space<vmem>>, vector<2000x1xf32>
    %mul3A = vector.broadcast %get3A_15 : vector<2000x1xf32> to vector<2000x128xf32>
    %mul3A_16 = arith.mulf %add3A_12, %mul3A : vector<2000x128xf32>
    %get3A_17 = arith.constant 0 : index
    %get3A_18 = arith.constant 0 : index
    %get3A_19 = vector.load %arg4[%get3A_17, %get3A_18] : memref<1x128xf32, #tpu.memory_space<vmem>>, vector<1x128xf32>
    %add3A_20 = vector.broadcast %get3A_19 : vector<1x128xf32> to vector<2000x128xf32>
    %add3A_21 = arith.addf %mul3A_16, %add3A_20 : vector<2000x128xf32>
    %ge3A = arith.constant 0.000000e+00 : f32
    %ge3A_22 = vector.broadcast %ge3A : f32 to vector<2000x128xf32>
    %ge3A_23 = arith.cmpf oge, %add3A_21, %ge3A_22 : vector<2000x128xf32>
    %mul3A_24 = arith.constant 0.00999999977 : f32
    %mul3A_25 = vector.broadcast %mul3A_24 : f32 to vector<2000x128xf32>
    %mul3A_26 = arith.mulf %mul3A_25, %add3A_21 : vector<2000x128xf32>
    %select_n3A = arith.select %ge3A_23, %add3A_21, %mul3A_26 : vector<2000x128xi1>, vector<2000x128xf32>
    %swap3A = arith.constant 0 : index
    %swap3A_27 = arith.constant 0 : index
    %swap3A_28 = vector.load %arg6[%swap3A, %swap3A_27] : memref<2000x128xf32, #tpu.memory_space<vmem>>, vector<2000x128xf32>
    tpu.vector_store %arg6[%swap3A, %swap3A_27], %select_n3A {strides = array<i32>} : memref<2000x128xf32, #tpu.memory_space<vmem>>, vector<2000x128xf32>,
    %reduce_sum3A = arith.constant dense<0.000000e+00> : vector<128xf32>
    %reduce_sum3A_29 = vector.multi_reduction <add>, %select_n3A, %reduce_sum3A [0] : vector<2000x128xf32> to vector<128xf32>
    %broadcast_in_dim3A = vector.shape_cast %reduce_sum3A_29 : vector<128xf32> to vector<1x128xf32>
    %mul3A_30 = arith.mulf %select_n3A, %select_n3A : vector<2000x128xf32>
    %reduce_sum3A_31 = arith.constant dense<0.000000e+00> : vector<128xf32>
    %reduce_sum3A_32 = vector.multi_reduction <add>, %mul3A_30, %reduce_sum3A_31 [0] : vector<2000x128xf32> to vector<128xf32>
    %broadcast_in_dim3A_33 = vector.shape_cast %reduce_sum3A_32 : vector<128xf32> to vector<1x128xf32>
    %concatenate3A = tpu.concatenate %broadcast_in_dim3A, %broadcast_in_dim3A_33 in 0 : vector<1x128xf32>, vector<1x128xf32> -> vector<2x128xf32>
    %get3A_34 = arith.constant 0 : index
    %get3A_35 = arith.constant 0 : index
    %get3A_36 = vector.load %arg5[%get3A_34, %get3A_35] : memref<2000x1xi32, #tpu.memory_space<vmem>>, vector<2000x1xi32>
    %iota3A = tpu.iota {dimensions = array<i32: 1>} : vector<2000x64xi32>
    %eq3A = vector.broadcast %get3A_36 : vector<2000x1xi32> to vector<2000x64xi32>
    %eq3A_37 = arith.cmpi eq, %eq3A, %iota3A : vector<2000x64xi32>
    %convert_element_type3A = arith.extui %eq3A_37 : vector<2000x64xi1> to vector<2000x64xi32>
    %convert_element_type3A_38 = arith.sitofp %convert_element_type3A : vector<2000x64xi32> to vector<2000x64xf32>
    %dot_general3A = arith.constant dense<0.000000e+00> : vector<64x128xf32>
    %dot_general3A_39 = tpu.matmul %convert_element_type3A_38, %select_n3A, %dot_general3A {dimension_numbers = #tpu.dot_dimension_numbers<[0], [0], [1], [1], [0, 1, 1, 1], [], []>, transpose_lhs_hint = false} : vector<2000x64xf32>, vector<2000x128xf32>, vector<64x128xf32> -> vector<64x128xf32>
    %reduce_sum3A_40 = arith.constant dense<0.000000e+00> : vector<64xf32>
    %reduce_sum3A_41 = vector.multi_reduction <add>, %convert_element_type3A_38, %reduce_sum3A_40 [0] : vector<2000x64xf32> to vector<64xf32>
    %broadcast_in_dim3A_42 = vector.shape_cast %reduce_sum3A_41 : vector<64xf32> to vector<1x64xf32>
    %eq3A_43 = arith.constant 0 : i32
    %eq3A_44 = arith.cmpi eq, %arg0, %eq3A_43 : i32
    %convert_element_type3A_45 = arith.extui %eq3A_44 : i1 to i32
    %cond3A = arith.constant 0 : i32
    %cond3A_46 = arith.cmpi ne, %convert_element_type3A_45, %cond3A : i32
    scf.if %cond3A_46 {
      %swap3A_51 = arith.constant 0 : index
      %swap3A_52 = arith.constant 0 : index
      %swap3A_53 = vector.load %arg7[%swap3A_51, %swap3A_52] : memref<2x128xf32, #tpu.memory_space<vmem>>, vector<2x128xf32>
      tpu.vector_store %arg7[%swap3A_51, %swap3A_52], %concatenate3A {strides = array<i32>} : memref<2x128xf32, #tpu.memory_space<vmem>>, vector<2x128xf32>,
      %swap3A_54 = arith.constant 0 : index
      %swap3A_55 = arith.constant 0 : index
      %swap3A_56 = vector.load %arg8[%swap3A_54, %swap3A_55] : memref<64x128xf32, #tpu.memory_space<vmem>>, vector<64x128xf32>
      tpu.vector_store %arg8[%swap3A_54, %swap3A_55], %dot_general3A_39 {strides = array<i32>} : memref<64x128xf32, #tpu.memory_space<vmem>>, vector<64x128xf32>,
      %swap3A_57 = arith.constant 0 : index
      %swap3A_58 = arith.constant 0 : index
      %swap3A_59 = vector.load %arg9[%swap3A_57, %swap3A_58] : memref<1x64xf32, #tpu.memory_space<vmem>>, vector<1x64xf32>
      tpu.vector_store %arg9[%swap3A_57, %swap3A_58], %broadcast_in_dim3A_42 {strides = array<i32>} : memref<1x64xf32, #tpu.memory_space<vmem>>, vector<1x64xf32>,
    } else {
    }
    %ne3A = arith.constant 0 : i32
    %ne3A_47 = arith.cmpi ne, %arg0, %ne3A : i32
    %convert_element_type3A_48 = arith.extui %ne3A_47 : i1 to i32
    %cond3A_49 = arith.constant 0 : i32
    %cond3A_50 = arith.cmpi ne, %convert_element_type3A_48, %cond3A_49 : i32
    scf.if %cond3A_50 {
      %get3A_51 = arith.constant 0 : index
      %get3A_52 = arith.constant 0 : index
      %get3A_53 = vector.load %arg7[%get3A_51, %get3A_52] : memref<2x128xf32, #tpu.memory_space<vmem>>, vector<2x128xf32>
      %add3A_54 = arith.addf %get3A_53, %concatenate3A : vector<2x128xf32>
      %swap3A_55 = arith.constant 0 : index
      %swap3A_56 = arith.constant 0 : index
      %swap3A_57 = vector.load %arg7[%swap3A_55, %swap3A_56] : memref<2x128xf32, #tpu.memory_space<vmem>>, vector<2x128xf32>
      tpu.vector_store %arg7[%swap3A_55, %swap3A_56], %add3A_54 {strides = array<i32>} : memref<2x128xf32, #tpu.memory_space<vmem>>, vector<2x128xf32>,
      %get3A_58 = arith.constant 0 : index
      %get3A_59 = arith.constant 0 : index
      %get3A_60 = vector.load %arg8[%get3A_58, %get3A_59] : memref<64x128xf32, #tpu.memory_space<vmem>>, vector<64x128xf32>
      %add3A_61 = arith.addf %get3A_60, %dot_general3A_39 : vector<64x128xf32>
      %swap3A_62 = arith.constant 0 : index
      %swap3A_63 = arith.constant 0 : index
      %swap3A_64 = vector.load %arg8[%swap3A_62, %swap3A_63] : memref<64x128xf32, #tpu.memory_space<vmem>>, vector<64x128xf32>
      tpu.vector_store %arg8[%swap3A_62, %swap3A_63], %add3A_61 {strides = array<i32>} : memref<64x128xf32, #tpu.memory_space<vmem>>, vector<64x128xf32>,
      %get3A_65 = arith.constant 0 : index
      %get3A_66 = arith.constant 0 : index
      %get3A_67 = vector.load %arg9[%get3A_65, %get3A_66] : memref<1x64xf32, #tpu.memory_space<vmem>>, vector<1x64xf32>
      %add3A_68 = arith.addf %get3A_67, %broadcast_in_dim3A_42 : vector<1x64xf32>
      %swap3A_69 = arith.constant 0 : index
      %swap3A_70 = arith.constant 0 : index
      %swap3A_71 = vector.load %arg9[%swap3A_69, %swap3A_70] : memref<1x64xf32, #tpu.memory_space<vmem>>, vector<1x64xf32>
      tpu.vector_store %arg9[%swap3A_69, %swap3A_70], %add3A_68 {strides = array<i32>} : memref<1x64xf32, #tpu.memory_space<vmem>>, vector<1x64xf32>,
    } else {
    }
    return
  }
  func.func @transform_0(%arg0: i32) -> (i32, i32, i32) {
    %c0_i32 = arith.constant 0 : i32
    %c0_i32_0 = arith.constant 0 : i32
    %c0_i32_1 = arith.constant 0 : i32
    return %c0_i32, %arg0, %c0_i32_0 : i32, i32, i32
  }
  func.func @transform_1(%arg0: i32) -> (i32, i32) {
    %c0_i32 = arith.constant 0 : i32
    %c0_i32_0 = arith.constant 0 : i32
    return %arg0, %c0_i32 : i32, i32
  }
  func.func @transform_2(%arg0: i32) -> (i32, i32) {
    %c0_i32 = arith.constant 0 : i32
    %c0_i32_0 = arith.constant 0 : i32
    return %arg0, %c0_i32 : i32, i32
  }
  func.func @transform_3(%arg0: i32) -> (i32, i32) {
    %c0_i32 = arith.constant 0 : i32
    %c0_i32_0 = arith.constant 0 : i32
    %c0_i32_1 = arith.constant 0 : i32
    return %c0_i32, %c0_i32_0 : i32, i32
  }
  func.func @transform_4(%arg0: i32) -> (i32, i32) {
    %c0_i32 = arith.constant 0 : i32
    %c0_i32_0 = arith.constant 0 : i32
    return %arg0, %c0_i32 : i32, i32
  }
  func.func @transform_5(%arg0: i32) -> (i32, i32) {
    %c0_i32 = arith.constant 0 : i32
    %c0_i32_0 = arith.constant 0 : i32
    return %arg0, %c0_i32 : i32, i32
  }
  func.func @transform_6(%arg0: i32) -> (i32, i32) {
    %c0_i32 = arith.constant 0 : i32
    %c0_i32_0 = arith.constant 0 : i32
    %c0_i32_1 = arith.constant 0 : i32
    return %c0_i32, %c0_i32_0 : i32, i32
  }
  func.func @transform_7(%arg0: i32) -> (i32, i32) {
    %c0_i32 = arith.constant 0 : i32
    %c0_i32_0 = arith.constant 0 : i32
    %c0_i32_1 = arith.constant 0 : i32
    return %c0_i32, %c0_i32_0 : i32, i32
  }
  func.func @transform_8(%arg0: i32) -> (i32, i32) {
    %c0_i32 = arith.constant 0 : i32
    %c0_i32_0 = arith.constant 0 : i32
    %c0_i32_1 = arith.constant 0 : i32
    return %c0_i32, %c0_i32_0 : i32, i32
  }
}

module attributes {stable_mosaic.version = 14 : i64} {
  func.func @body(%arg0: memref<2x128xf32, #tpu.memory_space<vmem>>, %arg1: memref<1x128xf32, #tpu.memory_space<vmem>>, %arg2: memref<1x128xf32, #tpu.memory_space<vmem>>, %arg3: memref<1x128xf32, #tpu.memory_space<vmem>>, %arg4: memref<1x128xf32, #tpu.memory_space<vmem>>) attributes {dimension_semantics = [], scalar_prefetch = 0 : i64, scratch_operands = 0 : i64, tpu.core_type = #tpu.core_type<tc>} {
    %get3A = arith.constant 0 : index
    %get3A_0 = arith.constant 0 : index
    %get3A_1 = vector.load %arg0[%get3A, %get3A_0] : memref<2x128xf32, #tpu.memory_space<vmem>>, vector<1x128xf32>
    %mul3A = arith.constant 9.99999974E-5 : f32
    %mul3A_2 = vector.broadcast %mul3A : f32 to vector<1x128xf32>
    %mul3A_3 = arith.mulf %get3A_1, %mul3A_2 : vector<1x128xf32>
    %get3A_4 = arith.constant 1 : index
    %get3A_5 = arith.constant 0 : index
    %get3A_6 = vector.load %arg0[%get3A_4, %get3A_5] : memref<2x128xf32, #tpu.memory_space<vmem>>, vector<1x128xf32>
    %mul3A_7 = arith.constant 9.99999974E-5 : f32
    %mul3A_8 = vector.broadcast %mul3A_7 : f32 to vector<1x128xf32>
    %mul3A_9 = arith.mulf %get3A_6, %mul3A_8 : vector<1x128xf32>
    %mul3A_10 = arith.mulf %mul3A_3, %mul3A_3 : vector<1x128xf32>
    %sub3A = arith.subf %mul3A_9, %mul3A_10 : vector<1x128xf32>
    %get3A_11 = arith.constant 0 : index
    %get3A_12 = arith.constant 0 : index
    %get3A_13 = vector.load %arg1[%get3A_11, %get3A_12] : memref<1x128xf32, #tpu.memory_space<vmem>>, vector<1x128xf32>
    %add3A = arith.constant 9.99999974E-5 : f32
    %add3A_14 = vector.broadcast %add3A : f32 to vector<1x128xf32>
    %add3A_15 = arith.addf %sub3A, %add3A_14 : vector<1x128xf32>
    %rsqrt3A = math.rsqrt %add3A_15 : vector<1x128xf32>
    %mul3A_16 = arith.mulf %get3A_13, %rsqrt3A : vector<1x128xf32>
    %swap3A = arith.constant 0 : index
    %swap3A_17 = arith.constant 0 : index
    %swap3A_18 = vector.load %arg3[%swap3A, %swap3A_17] : memref<1x128xf32, #tpu.memory_space<vmem>>, vector<1x128xf32>
    tpu.vector_store %arg3[%swap3A, %swap3A_17], %mul3A_16 {strides = array<i32>} : memref<1x128xf32, #tpu.memory_space<vmem>>, vector<1x128xf32>,
    %get3A_19 = arith.constant 0 : index
    %get3A_20 = arith.constant 0 : index
    %get3A_21 = vector.load %arg2[%get3A_19, %get3A_20] : memref<1x128xf32, #tpu.memory_space<vmem>>, vector<1x128xf32>
    %mul3A_22 = arith.mulf %mul3A_3, %mul3A_16 : vector<1x128xf32>
    %sub3A_23 = arith.subf %get3A_21, %mul3A_22 : vector<1x128xf32>
    %swap3A_24 = arith.constant 0 : index
    %swap3A_25 = arith.constant 0 : index
    %swap3A_26 = vector.load %arg4[%swap3A_24, %swap3A_25] : memref<1x128xf32, #tpu.memory_space<vmem>>, vector<1x128xf32>
    tpu.vector_store %arg4[%swap3A_24, %swap3A_25], %sub3A_23 {strides = array<i32>} : memref<1x128xf32, #tpu.memory_space<vmem>>, vector<1x128xf32>,
    return
  }
}

module attributes {stable_mosaic.version = 14 : i64} {
  func.func @body(%arg0: i32, %arg1: memref<2x2000x128xf32, #tpu.memory_space<vmem>>, %arg2: memref<2000x128xf32, #tpu.memory_space<vmem>>, %arg3: memref<2000x1xf32, #tpu.memory_space<vmem>>, %arg4: memref<1x128xf32, #tpu.memory_space<vmem>>, %arg5: memref<2000x1xi32, #tpu.memory_space<vmem>>, %arg6: memref<2000x128xf32, #tpu.memory_space<vmem>>, %arg7: memref<2x128xf32, #tpu.memory_space<vmem>>, %arg8: memref<64x128xf32, #tpu.memory_space<vmem>>, %arg9: memref<1x64xf32, #tpu.memory_space<vmem>>) attributes {dimension_semantics = [#tpu.dimension_semantics<arbitrary>], iteration_bounds = array<i64: 5>, scalar_prefetch = 0 : i64, scratch_operands = 0 : i64, tpu.core_type = #tpu.core_type<tc>, window_params = [{transform_indices = @transform_0, window_bounds = array<i64: 2, 2000, 128>}, {transform_indices = @transform_1, window_bounds = array<i64: 2000, 128>}, {transform_indices = @transform_2, window_bounds = array<i64: 2000, 1>}, {pipeline_mode = #tpu.pipeline_mode<synchronous>, transform_indices = @transform_3, window_bounds = array<i64: 1, 128>}, {transform_indices = @transform_4, window_bounds = array<i64: 2000, 1>}, {transform_indices = @transform_5, window_bounds = array<i64: 2000, 128>}, {pipeline_mode = #tpu.pipeline_mode<synchronous>, transform_indices = @transform_6, window_bounds = array<i64: 2, 128>}, {pipeline_mode = #tpu.pipeline_mode<synchronous>, transform_indices = @transform_7, window_bounds = array<i64: 64, 128>}, {pipeline_mode = #tpu.pipeline_mode<synchronous>, transform_indices = @transform_8, window_bounds = array<i64: 1, 64>}]} {
    %get3A = arith.constant 0 : index
    %get3A_0 = arith.constant 0 : index
    %get3A_1 = arith.constant 0 : index
    %get3A_2 = vector.load %arg1[%get3A, %get3A_0, %get3A_1] : memref<2x2000x128xf32, #tpu.memory_space<vmem>>, vector<1x2000x128xf32>
    %get3A_3 = vector.shape_cast %get3A_2 : vector<1x2000x128xf32> to vector<2000x128xf32>
    %get3A_4 = arith.constant 1 : index
    %get3A_5 = arith.constant 0 : index
    %get3A_6 = arith.constant 0 : index
    %get3A_7 = vector.load %arg1[%get3A_4, %get3A_5, %get3A_6] : memref<2x2000x128xf32, #tpu.memory_space<vmem>>, vector<1x2000x128xf32>
    %get3A_8 = vector.shape_cast %get3A_7 : vector<1x2000x128xf32> to vector<2000x128xf32>
    %add3A = arith.addf %get3A_3, %get3A_8 : vector<2000x128xf32>
    %get3A_9 = arith.constant 0 : index
    %get3A_10 = arith.constant 0 : index
    %get3A_11 = vector.load %arg2[%get3A_9, %get3A_10] : memref<2000x128xf32, #tpu.memory_space<vmem>>, vector<2000x128xf32>
    %add3A_12 = arith.addf %add3A, %get3A_11 : vector<2000x128xf32>
    %get3A_13 = arith.constant 0 : index
    %get3A_14 = arith.constant 0 : index
    %get3A_15 = vector.load %arg3[%get3A_13, %get3A_14] : memref<2000x1xf32, #tpu.memory_space<vmem>>, vector<2000x1xf32>
    %mul3A = vector.broadcast %get3A_15 : vector<2000x1xf32> to vector<2000x128xf32>
    %mul3A_16 = arith.mulf %add3A_12, %mul3A : vector<2000x128xf32>
    %get3A_17 = arith.constant 0 : index
    %get3A_18 = arith.constant 0 : index
    %get3A_19 = vector.load %arg4[%get3A_17, %get3A_18] : memref<1x128xf32, #tpu.memory_space<vmem>>, vector<1x128xf32>
    %add3A_20 = vector.broadcast %get3A_19 : vector<1x128xf32> to vector<2000x128xf32>
    %add3A_21 = arith.addf %mul3A_16, %add3A_20 : vector<2000x128xf32>
    %ge3A = arith.constant 0.000000e+00 : f32
    %ge3A_22 = vector.broadcast %ge3A : f32 to vector<2000x128xf32>
    %ge3A_23 = arith.cmpf oge, %add3A_21, %ge3A_22 : vector<2000x128xf32>
    %mul3A_24 = arith.constant 0.00999999977 : f32
    %mul3A_25 = vector.broadcast %mul3A_24 : f32 to vector<2000x128xf32>
    %mul3A_26 = arith.mulf %mul3A_25, %add3A_21 : vector<2000x128xf32>
    %select_n3A = arith.select %ge3A_23, %add3A_21, %mul3A_26 : vector<2000x128xi1>, vector<2000x128xf32>
    %swap3A = arith.constant 0 : index
    %swap3A_27 = arith.constant 0 : index
    %swap3A_28 = vector.load %arg6[%swap3A, %swap3A_27] : memref<2000x128xf32, #tpu.memory_space<vmem>>, vector<2000x128xf32>
    tpu.vector_store %arg6[%swap3A, %swap3A_27], %select_n3A {strides = array<i32>} : memref<2000x128xf32, #tpu.memory_space<vmem>>, vector<2000x128xf32>,
    %reduce_sum3A = arith.constant dense<0.000000e+00> : vector<128xf32>
    %reduce_sum3A_29 = vector.multi_reduction <add>, %select_n3A, %reduce_sum3A [0] : vector<2000x128xf32> to vector<128xf32>
    %broadcast_in_dim3A = vector.shape_cast %reduce_sum3A_29 : vector<128xf32> to vector<1x128xf32>
    %mul3A_30 = arith.mulf %select_n3A, %select_n3A : vector<2000x128xf32>
    %reduce_sum3A_31 = arith.constant dense<0.000000e+00> : vector<128xf32>
    %reduce_sum3A_32 = vector.multi_reduction <add>, %mul3A_30, %reduce_sum3A_31 [0] : vector<2000x128xf32> to vector<128xf32>
    %broadcast_in_dim3A_33 = vector.shape_cast %reduce_sum3A_32 : vector<128xf32> to vector<1x128xf32>
    %concatenate3A = tpu.concatenate %broadcast_in_dim3A, %broadcast_in_dim3A_33 in 0 : vector<1x128xf32>, vector<1x128xf32> -> vector<2x128xf32>
    %get3A_34 = arith.constant 0 : index
    %get3A_35 = arith.constant 0 : index
    %get3A_36 = vector.load %arg5[%get3A_34, %get3A_35] : memref<2000x1xi32, #tpu.memory_space<vmem>>, vector<2000x1xi32>
    %iota3A = tpu.iota {dimensions = array<i32: 1>} : vector<2000x64xi32>
    %eq3A = vector.broadcast %get3A_36 : vector<2000x1xi32> to vector<2000x64xi32>
    %eq3A_37 = arith.cmpi eq, %eq3A, %iota3A : vector<2000x64xi32>
    %convert_element_type3A = arith.extui %eq3A_37 : vector<2000x64xi1> to vector<2000x64xi32>
    %convert_element_type3A_38 = arith.sitofp %convert_element_type3A : vector<2000x64xi32> to vector<2000x64xf32>
    %dot_general3A = arith.constant dense<0.000000e+00> : vector<64x128xf32>
    %dot_general3A_39 = tpu.matmul %convert_element_type3A_38, %select_n3A, %dot_general3A {dimension_numbers = #tpu.dot_dimension_numbers<[0], [0], [1], [1], [0, 1, 1, 1], [], []>, transpose_lhs_hint = false} : vector<2000x64xf32>, vector<2000x128xf32>, vector<64x128xf32> -> vector<64x128xf32>
    %reduce_sum3A_40 = arith.constant dense<0.000000e+00> : vector<64xf32>
    %reduce_sum3A_41 = vector.multi_reduction <add>, %convert_element_type3A_38, %reduce_sum3A_40 [0] : vector<2000x64xf32> to vector<64xf32>
    %broadcast_in_dim3A_42 = vector.shape_cast %reduce_sum3A_41 : vector<64xf32> to vector<1x64xf32>
    %eq3A_43 = arith.constant 0 : i32
    %eq3A_44 = arith.cmpi eq, %arg0, %eq3A_43 : i32
    %convert_element_type3A_45 = arith.extui %eq3A_44 : i1 to i32
    %cond3A = arith.constant 0 : i32
    %cond3A_46 = arith.cmpi ne, %convert_element_type3A_45, %cond3A : i32
    scf.if %cond3A_46 {
      %swap3A_51 = arith.constant 0 : index
      %swap3A_52 = arith.constant 0 : index
      %swap3A_53 = vector.load %arg7[%swap3A_51, %swap3A_52] : memref<2x128xf32, #tpu.memory_space<vmem>>, vector<2x128xf32>
      tpu.vector_store %arg7[%swap3A_51, %swap3A_52], %concatenate3A {strides = array<i32>} : memref<2x128xf32, #tpu.memory_space<vmem>>, vector<2x128xf32>,
      %swap3A_54 = arith.constant 0 : index
      %swap3A_55 = arith.constant 0 : index
      %swap3A_56 = vector.load %arg8[%swap3A_54, %swap3A_55] : memref<64x128xf32, #tpu.memory_space<vmem>>, vector<64x128xf32>
      tpu.vector_store %arg8[%swap3A_54, %swap3A_55], %dot_general3A_39 {strides = array<i32>} : memref<64x128xf32, #tpu.memory_space<vmem>>, vector<64x128xf32>,
      %swap3A_57 = arith.constant 0 : index
      %swap3A_58 = arith.constant 0 : index
      %swap3A_59 = vector.load %arg9[%swap3A_57, %swap3A_58] : memref<1x64xf32, #tpu.memory_space<vmem>>, vector<1x64xf32>
      tpu.vector_store %arg9[%swap3A_57, %swap3A_58], %broadcast_in_dim3A_42 {strides = array<i32>} : memref<1x64xf32, #tpu.memory_space<vmem>>, vector<1x64xf32>,
    } else {
    }
    %ne3A = arith.constant 0 : i32
    %ne3A_47 = arith.cmpi ne, %arg0, %ne3A : i32
    %convert_element_type3A_48 = arith.extui %ne3A_47 : i1 to i32
    %cond3A_49 = arith.constant 0 : i32
    %cond3A_50 = arith.cmpi ne, %convert_element_type3A_48, %cond3A_49 : i32
    scf.if %cond3A_50 {
      %get3A_51 = arith.constant 0 : index
      %get3A_52 = arith.constant 0 : index
      %get3A_53 = vector.load %arg7[%get3A_51, %get3A_52] : memref<2x128xf32, #tpu.memory_space<vmem>>, vector<2x128xf32>
      %add3A_54 = arith.addf %get3A_53, %concatenate3A : vector<2x128xf32>
      %swap3A_55 = arith.constant 0 : index
      %swap3A_56 = arith.constant 0 : index
      %swap3A_57 = vector.load %arg7[%swap3A_55, %swap3A_56] : memref<2x128xf32, #tpu.memory_space<vmem>>, vector<2x128xf32>
      tpu.vector_store %arg7[%swap3A_55, %swap3A_56], %add3A_54 {strides = array<i32>} : memref<2x128xf32, #tpu.memory_space<vmem>>, vector<2x128xf32>,
      %get3A_58 = arith.constant 0 : index
      %get3A_59 = arith.constant 0 : index
      %get3A_60 = vector.load %arg8[%get3A_58, %get3A_59] : memref<64x128xf32, #tpu.memory_space<vmem>>, vector<64x128xf32>
      %add3A_61 = arith.addf %get3A_60, %dot_general3A_39 : vector<64x128xf32>
      %swap3A_62 = arith.constant 0 : index
      %swap3A_63 = arith.constant 0 : index
      %swap3A_64 = vector.load %arg8[%swap3A_62, %swap3A_63] : memref<64x128xf32, #tpu.memory_space<vmem>>, vector<64x128xf32>
      tpu.vector_store %arg8[%swap3A_62, %swap3A_63], %add3A_61 {strides = array<i32>} : memref<64x128xf32, #tpu.memory_space<vmem>>, vector<64x128xf32>,
      %get3A_65 = arith.constant 0 : index
      %get3A_66 = arith.constant 0 : index
      %get3A_67 = vector.load %arg9[%get3A_65, %get3A_66] : memref<1x64xf32, #tpu.memory_space<vmem>>, vector<1x64xf32>
      %add3A_68 = arith.addf %get3A_67, %broadcast_in_dim3A_42 : vector<1x64xf32>
      %swap3A_69 = arith.constant 0 : index
      %swap3A_70 = arith.constant 0 : index
      %swap3A_71 = vector.load %arg9[%swap3A_69, %swap3A_70] : memref<1x64xf32, #tpu.memory_space<vmem>>, vector<1x64xf32>
      tpu.vector_store %arg9[%swap3A_69, %swap3A_70], %add3A_68 {strides = array<i32>} : memref<1x64xf32, #tpu.memory_space<vmem>>, vector<1x64xf32>,
    } else {
    }
    return
  }
  func.func @transform_0(%arg0: i32) -> (i32, i32, i32) {
    %c0_i32 = arith.constant 0 : i32
    %c0_i32_0 = arith.constant 0 : i32
    %c0_i32_1 = arith.constant 0 : i32
    return %c0_i32, %arg0, %c0_i32_0 : i32, i32, i32
  }
  func.func @transform_1(%arg0: i32) -> (i32, i32) {
    %c0_i32 = arith.constant 0 : i32
    %c0_i32_0 = arith.constant 0 : i32
    return %arg0, %c0_i32 : i32, i32
  }
  func.func @transform_2(%arg0: i32) -> (i32, i32) {
    %c0_i32 = arith.constant 0 : i32
    %c0_i32_0 = arith.constant 0 : i32
    return %arg0, %c0_i32 : i32, i32
  }
  func.func @transform_3(%arg0: i32) -> (i32, i32) {
    %c0_i32 = arith.constant 0 : i32
    %c0_i32_0 = arith.constant 0 : i32
    %c0_i32_1 = arith.constant 0 : i32
    return %c0_i32, %c0_i32_0 : i32, i32
  }
  func.func @transform_4(%arg0: i32) -> (i32, i32) {
    %c0_i32 = arith.constant 0 : i32
    %c0_i32_0 = arith.constant 0 : i32
    return %arg0, %c0_i32 : i32, i32
  }
  func.func @transform_5(%arg0: i32) -> (i32, i32) {
    %c0_i32 = arith.constant 0 : i32
    %c0_i32_0 = arith.constant 0 : i32
    return %arg0, %c0_i32 : i32, i32
  }
  func.func @transform_6(%arg0: i32) -> (i32, i32) {
    %c0_i32 = arith.constant 0 : i32
    %c0_i32_0 = arith.constant 0 : i32
    %c0_i32_1 = arith.constant 0 : i32
    return %c0_i32, %c0_i32_0 : i32, i32
  }
  func.func @transform_7(%arg0: i32) -> (i32, i32) {
    %c0_i32 = arith.constant 0 : i32
    %c0_i32_0 = arith.constant 0 : i32
    %c0_i32_1 = arith.constant 0 : i32
    return %c0_i32, %c0_i32_0 : i32, i32
  }
  func.func @transform_8(%arg0: i32) -> (i32, i32) {
    %c0_i32 = arith.constant 0 : i32
    %c0_i32_0 = arith.constant 0 : i32
    %c0_i32_1 = arith.constant 0 : i32
    return %c0_i32, %c0_i32_0 : i32, i32
  }
}

module attributes {stable_mosaic.version = 14 : i64} {
  func.func @body(%arg0: i32, %arg1: memref<2000x128xf32, #tpu.memory_space<vmem>>, %arg2: memref<1x128xf32, #tpu.memory_space<vmem>>, %arg3: memref<1x128xf32, #tpu.memory_space<vmem>>, %arg4: memref<2000x128xf32, #tpu.memory_space<vmem>>) attributes {dimension_semantics = [#tpu.dimension_semantics<arbitrary>], iteration_bounds = array<i64: 5>, scalar_prefetch = 0 : i64, scratch_operands = 0 : i64, tpu.core_type = #tpu.core_type<tc>, window_params = [{transform_indices = @transform_0, window_bounds = array<i64: 2000, 128>}, {pipeline_mode = #tpu.pipeline_mode<synchronous>, transform_indices = @transform_1, window_bounds = array<i64: 1, 128>}, {pipeline_mode = #tpu.pipeline_mode<synchronous>, transform_indices = @transform_2, window_bounds = array<i64: 1, 128>}, {transform_indices = @transform_3, window_bounds = array<i64: 2000, 128>}]} {
    %get3A = arith.constant 0 : index
    %get3A_0 = arith.constant 0 : index
    %get3A_1 = vector.load %arg1[%get3A, %get3A_0] : memref<2000x128xf32, #tpu.memory_space<vmem>>, vector<2000x128xf32>
    %get3A_2 = arith.constant 0 : index
    %get3A_3 = arith.constant 0 : index
    %get3A_4 = vector.load %arg2[%get3A_2, %get3A_3] : memref<1x128xf32, #tpu.memory_space<vmem>>, vector<1x128xf32>
    %mul3A = vector.broadcast %get3A_4 : vector<1x128xf32> to vector<2000x128xf32>
    %mul3A_5 = arith.mulf %get3A_1, %mul3A : vector<2000x128xf32>
    %get3A_6 = arith.constant 0 : index
    %get3A_7 = arith.constant 0 : index
    %get3A_8 = vector.load %arg3[%get3A_6, %get3A_7] : memref<1x128xf32, #tpu.memory_space<vmem>>, vector<1x128xf32>
    %add3A = vector.broadcast %get3A_8 : vector<1x128xf32> to vector<2000x128xf32>
    %add3A_9 = arith.addf %mul3A_5, %add3A : vector<2000x128xf32>
    %swap3A = arith.constant 0 : index
    %swap3A_10 = arith.constant 0 : index
    %swap3A_11 = vector.load %arg4[%swap3A, %swap3A_10] : memref<2000x128xf32, #tpu.memory_space<vmem>>, vector<2000x128xf32>
    tpu.vector_store %arg4[%swap3A, %swap3A_10], %add3A_9 {strides = array<i32>} : memref<2000x128xf32, #tpu.memory_space<vmem>>, vector<2000x128xf32>,
    return
  }
  func.func @transform_0(%arg0: i32) -> (i32, i32) {
    %c0_i32 = arith.constant 0 : i32
    %c0_i32_0 = arith.constant 0 : i32
    return %arg0, %c0_i32 : i32, i32
  }
  func.func @transform_1(%arg0: i32) -> (i32, i32) {
    %c0_i32 = arith.constant 0 : i32
    %c0_i32_0 = arith.constant 0 : i32
    %c0_i32_1 = arith.constant 0 : i32
    return %c0_i32, %c0_i32_0 : i32, i32
  }
  func.func @transform_2(%arg0: i32) -> (i32, i32) {
    %c0_i32 = arith.constant 0 : i32
    %c0_i32_0 = arith.constant 0 : i32
    %c0_i32_1 = arith.constant 0 : i32
    return %c0_i32, %c0_i32_0 : i32, i32
  }
  func.func @transform_3(%arg0: i32) -> (i32, i32) {
    %c0_i32 = arith.constant 0 : i32
    %c0_i32_0 = arith.constant 0 : i32
    return %arg0, %c0_i32 : i32, i32
  }
}

module attributes {stable_mosaic.version = 14 : i64} {
  func.func @body(%arg0: memref<64x128xf32, #tpu.memory_space<vmem>>, %arg1: memref<64x128xf32, #tpu.memory_space<vmem>>, %arg2: memref<64x128xf32, #tpu.memory_space<vmem>>, %arg3: memref<1x128xf32, #tpu.memory_space<vmem>>, %arg4: memref<1x128xf32, #tpu.memory_space<vmem>>, %arg5: memref<1x128xf32, #tpu.memory_space<vmem>>, %arg6: memref<1x128xf32, #tpu.memory_space<vmem>>, %arg7: memref<1x128xf32, #tpu.memory_space<vmem>>, %arg8: memref<1x128xf32, #tpu.memory_space<vmem>>, %arg9: memref<64x1xf32, #tpu.memory_space<vmem>>, %arg10: memref<64x384xf32, #tpu.memory_space<vmem>>) attributes {dimension_semantics = [], scalar_prefetch = 0 : i64, scratch_operands = 0 : i64, tpu.core_type = #tpu.core_type<tc>} {
    %get3A = arith.constant 0 : index
    %get3A_0 = arith.constant 0 : index
    %get3A_1 = vector.load %arg9[%get3A, %get3A_0] : memref<64x1xf32, #tpu.memory_space<vmem>>, vector<64x1xf32>
    %max3A = arith.constant 1.000000e+00 : f32
    %max3A_2 = vector.broadcast %max3A : f32 to vector<64x1xf32>
    %max3A_3 = arith.maximumf %get3A_1, %max3A_2 : vector<64x1xf32>
    %get3A_4 = arith.constant 0 : index
    %get3A_5 = arith.constant 0 : index
    %get3A_6 = vector.load %arg0[%get3A_4, %get3A_5] : memref<64x128xf32, #tpu.memory_space<vmem>>, vector<64x128xf32>
    %div3A = vector.broadcast %max3A_3 : vector<64x1xf32> to vector<64x128xf32>
    %div3A_7 = arith.divf %get3A_6, %div3A : vector<64x128xf32>
    %gt3A = arith.constant 0.000000e+00 : f32
    %gt3A_8 = vector.broadcast %gt3A : f32 to vector<64x1xf32>
    %gt3A_9 = arith.cmpf ogt, %get3A_1, %gt3A_8 : vector<64x1xf32>
    %get3A_10 = arith.constant 0 : index
    %get3A_11 = arith.constant 0 : index
    %get3A_12 = vector.load %arg3[%get3A_10, %get3A_11] : memref<1x128xf32, #tpu.memory_space<vmem>>, vector<1x128xf32>
    %mul3A = vector.broadcast %get3A_12 : vector<1x128xf32> to vector<64x128xf32>
    %mul3A_13 = arith.mulf %div3A_7, %mul3A : vector<64x128xf32>
    %get3A_14 = arith.constant 0 : index
    %get3A_15 = arith.constant 0 : index
    %get3A_16 = vector.load %arg4[%get3A_14, %get3A_15] : memref<1x128xf32, #tpu.memory_space<vmem>>, vector<1x128xf32>
    %add3A = vector.broadcast %get3A_16 : vector<1x128xf32> to vector<64x128xf32>
    %add3A_17 = arith.addf %mul3A_13, %add3A : vector<64x128xf32>
    %jit3A = arith.constant 0.000000e+00 : f32
    %broadcast_in_dim3A = vector.shape_cast %gt3A_9 : vector<64x1xi1> to vector<64x1xi1>
    %broadcast_in_dim3A_18 = vector.broadcast %broadcast_in_dim3A : vector<64x1xi1> to vector<64x128xi1>
    %broadcast_in_dim3A_19 = vector.broadcast %jit3A : f32 to vector<64x128xf32>
    %select_n3A = arith.select %broadcast_in_dim3A_18, %add3A_17, %broadcast_in_dim3A_19 : vector<64x128xi1>, vector<64x128xf32>
    %swap3A = arith.constant 0 : index
    %swap3A_20 = arith.constant 0 : index
    %swap3A_21 = vector.load %arg10[%swap3A, %swap3A_20] : memref<64x384xf32, #tpu.memory_space<vmem>>, vector<64x128xf32>
    tpu.vector_store %arg10[%swap3A, %swap3A_20], %select_n3A {strides = array<i32>} : memref<64x384xf32, #tpu.memory_space<vmem>>, vector<64x128xf32>,
    %get3A_22 = arith.constant 0 : index
    %get3A_23 = arith.constant 0 : index
    %get3A_24 = vector.load %arg1[%get3A_22, %get3A_23] : memref<64x128xf32, #tpu.memory_space<vmem>>, vector<64x128xf32>
    %div3A_25 = vector.broadcast %max3A_3 : vector<64x1xf32> to vector<64x128xf32>
    %div3A_26 = arith.divf %get3A_24, %div3A_25 : vector<64x128xf32>
    %gt3A_27 = arith.constant 0.000000e+00 : f32
    %gt3A_28 = vector.broadcast %gt3A_27 : f32 to vector<64x1xf32>
    %gt3A_29 = arith.cmpf ogt, %get3A_1, %gt3A_28 : vector<64x1xf32>
    %get3A_30 = arith.constant 0 : index
    %get3A_31 = arith.constant 0 : index
    %get3A_32 = vector.load %arg5[%get3A_30, %get3A_31] : memref<1x128xf32, #tpu.memory_space<vmem>>, vector<1x128xf32>
    %mul3A_33 = vector.broadcast %get3A_32 : vector<1x128xf32> to vector<64x128xf32>
    %mul3A_34 = arith.mulf %div3A_26, %mul3A_33 : vector<64x128xf32>
    %get3A_35 = arith.constant 0 : index
    %get3A_36 = arith.constant 0 : index
    %get3A_37 = vector.load %arg6[%get3A_35, %get3A_36] : memref<1x128xf32, #tpu.memory_space<vmem>>, vector<1x128xf32>
    %add3A_38 = vector.broadcast %get3A_37 : vector<1x128xf32> to vector<64x128xf32>
    %add3A_39 = arith.addf %mul3A_34, %add3A_38 : vector<64x128xf32>
    %jit3A_40 = arith.constant 0.000000e+00 : f32
    %broadcast_in_dim3A_41 = vector.shape_cast %gt3A_29 : vector<64x1xi1> to vector<64x1xi1>
    %broadcast_in_dim3A_42 = vector.broadcast %broadcast_in_dim3A_41 : vector<64x1xi1> to vector<64x128xi1>
    %broadcast_in_dim3A_43 = vector.broadcast %jit3A_40 : f32 to vector<64x128xf32>
    %select_n3A_44 = arith.select %broadcast_in_dim3A_42, %add3A_39, %broadcast_in_dim3A_43 : vector<64x128xi1>, vector<64x128xf32>
    %swap3A_45 = arith.constant 0 : index
    %swap3A_46 = arith.constant 128 : index
    %swap3A_47 = vector.load %arg10[%swap3A_45, %swap3A_46] : memref<64x384xf32, #tpu.memory_space<vmem>>, vector<64x128xf32>
    tpu.vector_store %arg10[%swap3A_45, %swap3A_46], %select_n3A_44 {strides = array<i32>} : memref<64x384xf32, #tpu.memory_space<vmem>>, vector<64x128xf32>,
    %get3A_48 = arith.constant 0 : index
    %get3A_49 = arith.constant 0 : index
    %get3A_50 = vector.load %arg2[%get3A_48, %get3A_49] : memref<64x128xf32, #tpu.memory_space<vmem>>, vector<64x128xf32>
    %div3A_51 = vector.broadcast %max3A_3 : vector<64x1xf32> to vector<64x128xf32>
    %div3A_52 = arith.divf %get3A_50, %div3A_51 : vector<64x128xf32>
    %gt3A_53 = arith.constant 0.000000e+00 : f32
    %gt3A_54 = vector.broadcast %gt3A_53 : f32 to vector<64x1xf32>
    %gt3A_55 = arith.cmpf ogt, %get3A_1, %gt3A_54 : vector<64x1xf32>
    %get3A_56 = arith.constant 0 : index
    %get3A_57 = arith.constant 0 : index
    %get3A_58 = vector.load %arg7[%get3A_56, %get3A_57] : memref<1x128xf32, #tpu.memory_space<vmem>>, vector<1x128xf32>
    %mul3A_59 = vector.broadcast %get3A_58 : vector<1x128xf32> to vector<64x128xf32>
    %mul3A_60 = arith.mulf %div3A_52, %mul3A_59 : vector<64x128xf32>
    %get3A_61 = arith.constant 0 : index
    %get3A_62 = arith.constant 0 : index
    %get3A_63 = vector.load %arg8[%get3A_61, %get3A_62] : memref<1x128xf32, #tpu.memory_space<vmem>>, vector<1x128xf32>
    %add3A_64 = vector.broadcast %get3A_63 : vector<1x128xf32> to vector<64x128xf32>
    %add3A_65 = arith.addf %mul3A_60, %add3A_64 : vector<64x128xf32>
    %jit3A_66 = arith.constant 0.000000e+00 : f32
    %broadcast_in_dim3A_67 = vector.shape_cast %gt3A_55 : vector<64x1xi1> to vector<64x1xi1>
    %broadcast_in_dim3A_68 = vector.broadcast %broadcast_in_dim3A_67 : vector<64x1xi1> to vector<64x128xi1>
    %broadcast_in_dim3A_69 = vector.broadcast %jit3A_66 : f32 to vector<64x128xf32>
    %select_n3A_70 = arith.select %broadcast_in_dim3A_68, %add3A_65, %broadcast_in_dim3A_69 : vector<64x128xi1>, vector<64x128xf32>
    %swap3A_71 = arith.constant 0 : index
    %swap3A_72 = arith.constant 256 : index
    %swap3A_73 = vector.load %arg10[%swap3A_71, %swap3A_72] : memref<64x384xf32, #tpu.memory_space<vmem>>, vector<64x128xf32>
    tpu.vector_store %arg10[%swap3A_71, %swap3A_72], %select_n3A_70 {strides = array<i32>} : memref<64x384xf32, #tpu.memory_space<vmem>>, vector<64x128xf32>,
    return
  }
}

</mosaic_0001>

<sc_bundles>
// kernel: kernel.18.cloned.1.call-start
scs
__scs_entry_jumppad:
0x0: {  	(pc) =	sbr.rel $0x88, $3  }
0x1: {  	(tag) =	ssettag $0x0;
	lr =	simm.s32 $0x1  }
0x2: {  	[smem:$0x3F92] =	sst lr;
	_ =	strace $0xD0000000  }
0x3: {  	_ = 	snop  }
0x4: {  	_ = 	snop  }
0x5: {  	_ = 	snop  }
0x6: {  	_ = 	snop  }
0x7: {  	_ = 	snop  }
__scs_overlays_trampoline_lowered:
0x8: {  	[smem:$0x3FA1] =	sst s0  }
0x9: {  	[smem:$0x3FA2] =	sst s1  }
0xa: {  	[smem:$0x3FA3] =	sst s2  }
0xb: {  	[smem:$0x3FA4] =	sst s3  }
0xc: {  	[smem:$0x3FA5] =	sst s4  }
0xd: {  	[smem:$0x3FA6] =	sst s5  }
0xe: {  	[smem:$0x3FA7] =	sst s6  }
0xf: {  	[smem:$0x3FA8] =	sst s7  }
0x10: {  	[smem:$0x3FA9] =	sst s8  }
0x11: {  	[smem:$0x3FAA] =	sst s9;
	s0 =	simm.s32 @!p0 $0x0  }
0x12: {  	s1 =	sld [smem:$0x3F90];
	s0 =	simm.s32 @p0 $0x1  }
0x13: {  	[smem:$0x3FAB] =	sst s0;
	s0 =	simm.s32 @!p1 $0x0  }
0x14: {  	s2 =	sld [smem:$0x3F8F];
	s0 =	simm.s32 @p1 $0x1  }
0x15: {  	[smem:$0x3FAC] =	sst s0;
	s0 =	simm.s32 @!p2 $0x0  }
0x16: {  	s3 =	sld [smem:$0x3FDB];
	s0 =	simm.s32 @p2 $0x1  }
0x17: {  	s4 =	simm.s32 $0x1BF5;
	[smem:$0x3FAE] =	sst s0  }
0x18: {  	s0 =	sld [smem:$0x3F91];
	_ =	swait.ge [sflag:s4], $0x0  }
0x19: {  	s7 =	sld [smem:$0x3F92]  }
0x1a: {  	s8 =	sadd.s32 $0xFFFFE003, lr  }
0x1b: {  	s9 =	sadd.s32 $0xFFFFFEF7, lr;
	s5 =	simm.s32 $0xFFFFFFFF;
	p2 =	slt.u32 s8, $0xFFFFF086  }
0x1c: {  	p1 =	slt.u32 s9, $0xF7A;
	s5 =	simm.s32 @!p2 $0x0  }
0x1d: {  	s5 =	simm.s32 @p1 $0x1;
	p0 =	seq.s32 s7, s2  }
0x1e: {  	s7 =	smul.u32 @!p0 $0xF7A, s2;
	p2 =	seq.s32 @!p0 s5, $0x0  }
0x1f: {  	s9 =	smul.u32 $0xF7A, s1;
	s8 =	simm.s32 @!p0 $0x1BF5;
	p2 =	por !p2, p0  }
0x20: {  	[sflag:s8] =	ssyncset.s32 @!p0 $0xFFFFF086;
	s6 =	sadd.s32 @!p0 s3, s7;
	s7 =	simm.s32 @!p0 $0x108  }
0x21: {  	s3 =	sadd.s32 s3, s9;
	s6 =	sadd.s32 @!p0 $0x88, s6;
	s7 =	simm.s32 @p2 $0x1082  }
0x22: {  	[simem:s7], [sflag:s8] =	dma.local @!p0 [hbm:s6], $0xF7A  }
0x23: {  	s9 =	sor.u32 $0xD0000000, s2;
	s6 =	simm.s32 $0x108;
	_ =	swait.ge @!p0 [sflag:s8], $0x0  }
0x24: {  	s3 =	sadd.s32 $0x88, s3;
	s6 =	simm.s32 @!p1 $0x1082;
	[sflag:s4] =	ssyncset.s32 $0xFFFFF086  }
0x25: {  	[simem:s6], [sflag:s4] =	dma.local [hbm:s3], $0xF7A  }
0x26: {  	[smem:$0x3F92] =	sst s1;
	(tag) =	ssettag s2;
	_ =	strace s9  }
0x27: {  	s1 =	sld [smem:$0x3FA2]  }
0x28: {  	s2 =	sld [smem:$0x3FA3]  }
0x29: {  	s4 =	sld [smem:$0x3FA5]  }
0x2a: {  	p0 =	seq.s32 s5, $0x0;
	s5 =	sld [smem:$0x3FA6]  }
0x2b: {  	s6 =	sld [smem:$0x3FA7]  }
0x2c: {  	s7 =	sld [smem:$0x3FA8]  }
0x2d: {  	s3 =	simm.s32 $0x108;
	s8 =	sld [smem:$0x3FA9]  }
0x2e: {  	s3 =	simm.s32 @!p0 $0x1082;
	s9 =	sld [smem:$0x3FAA]  }
0x2f: {  	lr =	sadd.s32 s0, s3;
	s0 =	sld [smem:$0x3FA1]  }
0x30: {  	s3 =	sld [smem:$0x3FA4]  }
0x31: {  	[smem:$0x3FAD] =	sst s10  }
0x32: {  	s10 =	sld [smem:$0x3FAB];
	_ =	sdelay $0x3  }
0x33: {  	p0 =	seq.s32 s10, $0x1;
	s10 =	sld [smem:$0x3FAD];
	_ =	sdelay $0x3  }
0x34: {  	[smem:$0x3FAD] =	sst s10  }
0x35: {  	s10 =	sld [smem:$0x3FAC];
	_ =	sdelay $0x3  }
0x36: {  	p1 =	seq.s32 s10, $0x1;
	s10 =	sld [smem:$0x3FAD];
	_ =	sdelay $0x3  }
0x37: {  	[smem:$0x3FAD] =	sst s10  }
0x38: {  	s10 =	sld [smem:$0x3FAE]  }
0x39: {  	_ = 	snop;
	(pc) =	sbr.ind lr, $3  }
0x3a: {  	_ = 	snop  }
0x3b: {  	_ = 	snop  }
0x3c: {  	p2 =	seq.s32 s10, $0x1;
	s10 =	sld [smem:$0x3FAD]  }
0x3d: {  	_ =	shalt  }
0x3e: {  	_ =	shalt  }
0x3f: {  	_ =	shalt  }
0x40: {  	_ =	shalt  }
0x41: {  	_ =	shalt  }
0x42: {  	_ =	shalt  }
0x43: {  	_ =	shalt  }
0x44: {  	_ =	shalt  }
0x45: {  	_ =	shalt  }
0x46: {  	_ =	shalt  }
0x47: {  	_ =	shalt  }
0x48: {  	_ =	shalt  }
0x49: {  	_ =	shalt  }
0x4a: {  	_ =	shalt  }
0x4b: {  	_ =	shalt  }
0x4c: {  	_ =	shalt  }
0x4d: {  	_ =	shalt  }
0x4e: {  	_ =	shalt  }
0x4f: {  	_ =	shalt  }
0x50: {  	_ =	shalt  }
0x51: {  	_ =	shalt  }
0x52: {  	_ =	shalt  }
0x53: {  	_ =	shalt  }
0x54: {  	_ =	shalt  }
0x55: {  	_ =	shalt  }
0x56: {  	_ =	shalt  }
0x57: {  	_ =	shalt  }
0x58: {  	_ =	shalt  }
0x59: {  	_ =	shalt  }
0x5a: {  	_ =	shalt  }
0x5b: {  	_ =	shalt  }
0x5c: {  	_ =	shalt  }
0x5d: {  	_ =	shalt  }
0x5e: {  	_ =	shalt  }
0x5f: {  	_ =	shalt  }
0x60: {  	_ =	shalt  }
0x61: {  	_ =	shalt  }
0x62: {  	_ =	shalt  }
0x63: {  	_ =	shalt  }
0x64: {  	_ =	shalt  }
0x65: {  	_ =	shalt  }
0x66: {  	_ =	shalt  }
0x67: {  	_ =	shalt  }
0x68: {  	_ =	shalt  }
0x69: {  	_ =	shalt  }
0x6a: {  	_ =	shalt  }
0x6b: {  	_ =	shalt  }
0x6c: {  	_ =	shalt  }
0x6d: {  	_ =	shalt  }
0x6e: {  	_ =	shalt  }
0x6f: {  	_ =	shalt  }
0x70: {  	_ =	shalt  }
0x71: {  	_ =	shalt  }
0x72: {  	_ =	shalt  }
0x73: {  	_ =	shalt  }
0x74: {  	_ =	shalt  }
0x75: {  	_ =	shalt  }
0x76: {  	_ =	shalt  }
0x77: {  	_ =	shalt  }
0x78: {  	_ =	shalt  }
0x79: {  	_ =	shalt  }
0x7a: {  	_ =	shalt  }
0x7b: {  	_ =	shalt  }
0x7c: {  	_ =	shalt  }
0x7d: {  	_ =	shalt  }
0x7e: {  	_ =	shalt  }
0x7f: {  	_ =	shalt  }
0x80: {  	_ =	shalt  }
0x81: {  	_ =	shalt  }
0x82: {  	_ =	shalt  }
0x83: {  	_ =	shalt  }
0x84: {  	_ =	shalt  }
0x85: {  	_ =	shalt  }
0x86: {  	_ =	shalt  }
0x87: {  	_ =	shalt  }
.Lfunc_end0:
.L_simem_size_0:
called_computation_lowered:
.L_overlay_start_0:
0x88: {  	s2 =	sld [smem:$0x3FD9]  }
0x89: {  	s3 =	sld [smem:$0x3FFE];
	_ =	sdelay $0x1  }
0x8a: {  	s1 =	srdreg.scid  }
0x8b: {  	s0 =	sand.u32 $0x1, s1  }
0x8c: {  	s14 =	sshll.u32 s0, $0xA;
	s2 =	sadd.s32 s3, s2  }
0x8d: {  	s2 =	sadd.s32 s2, s14  }
0x8e: {  	[smem:$0x3FB9] =	sst s2  }
0x8f: {  	_ = 	snop  }
0x90: {  	s2 =	sld [smem:$0x3FD0];
	_ =	sdelay $0x2  }
0x91: {  	s15 =	simm.s32 $0xA;
	s4 =	simm.s32 $0x10  }
0x92: {  	[smem:s4], [sflag:s15] =	dma.local [hbm:s2], $0x1  }
0x93: {  	_ =	swait.eq [sflag:s15], $0x1  }
0x94: {  	[sflag:s15] =	ssyncset.done $0x0  }
0x95: {  	[sflag:s15] =	ssyncadd.s32 $0xFFFFFFFF  }
0x96: {  	s16 =	sld [smem:$0x10];
	(tm) =	ssettm $0x1  }
0x97: {  	s17 =	sld [smem:$0x3FFB];
	_ =	sdelay $0x3  }
0x98: {  	_ =	strace s17  }
0x99: {  	s3 =	sld [smem:$0x3FFC];
	_ =	sdelay $0x3  }
0x9a: {  	_ =	strace s3  }
0x9b: {  	s3 =	sld [smem:$0x3FFD];
	_ =	sdelay $0x3  }
0x9c: {  	_ =	strace s3  }
0x9d: {  	_ =	strace $0x8FFFFFFF  }
0x9e: {  	s18 =	sld [smem:$0x3FDB];
	_ =	sdelay $0x1  }
0x9f: {  	s19 =	simm.s32 $_scs_section_size  }
0xa0: {  	s5 =	simm.s32 $_size__tile_overlayer_lowered;
	s6 =	simm.s32 $_tile_overlayer_lowered  }
0xa1: {  	s22 =	simm.s32 $0x1BFF;
	s21 =	sshll.u32 s6, $0x1;
	s3 =	sadd.s32 s19, s18  }
0xa2: {  	s7 =	simm.s32 $0x0;
	s20 =	sshll.u32 s5, $0x1;
	s5 =	sadd.s32 s21, s3  }
0xa3: {  	[timem:s7], [sflag:s22] =	dma.local [hbm:s5], s20  }
0xa4: {  	_ =	swait.ge [sflag:s22], s20  }
0xa5: {  	s4 =	ssub.s32 $0x0, s20;
	[sflag:s22] =	ssyncset.done $0x0  }
0xa6: {  	[sflag:s22] =	ssyncadd.s32 s4;
	_ =	sdelay $0x1  }
0xa7: {  	s23 =	simm.s32 $0x1B8B  }
0xa8: {  	_ =	swait.ge [sflag:s23], $0x1  }
0xa9: {  	[sflag:s23] =	ssyncset.done $0x0  }
0xaa: {  	s25 =	simm.s32 $0x1B8E;
	s24 =	sld [smem:$0x3FFE];
	[sflag:s23] =	ssyncadd.s32 $0xFFFFFFFF  }
0xab: {  	s26 =	simm.s32 $execute0_lowered;
	[smem:$0x3FD2] =	sst s25  }
0xac: {  	s5 =	sshll.u32 s26, $0x1;
	_ =	strace $0x80000046;
	[dreg:$0x1] =	wrdreg $0xFFFFFFFF  }
0xad: {  	s28 =	simm.s32 $_size_execute0_lowered;
	s3 =	sadd.s32 s3, s5;
	[dreg:$0x0] =	wrdreg $0x0  }
0xae: {  	s5 =	sshll.u32 s28, $0x1;
	[dreg:$0x2] =	wrdreg s3  }
0xaf: {  	[dreg:$0x3] =	wrdreg s5  }
0xb0: {  	[dreg:$0x4] =	wrdreg $0xC0  }
0xb1: {  	_ =	task [dreg:s7], $0x5FFFF  }
0xb2: {  	[dreg:$0x1] =	wrdreg $0xFFFFFFFF  }
0xb3: {  	[dreg:$0x0] =	wrdreg $0x60  }
0xb4: {  	[dreg:$0x2] =	wrdreg s24  }
0xb5: {  	[dreg:$0x3] =	wrdreg s16  }
0xb6: {  	[dreg:$0x4] =	wrdreg $0x68000  }
0xb7: {  	[dreg:$0x5] =	wrdreg $0x9  }
0xb8: {  	_ =	task.clear_ibuf [dreg:s7], $0x6FFFF;
	_ =	strace $0x90000046  }
0xb9: {  	s29 =	simm.s32 $0x9;
	_ =	strace $0x80000048  }
0xba: {  	_ =	swait.ge [sflag:s29], $0x1  }
0xbb: {  	[sflag:s29] =	ssyncadd.s32 $0xFFFFFFFF  }
0xbc: {  	_ =	strace $0x90000048  }
0xbd: {  	_ =	sfence  }
0xbe: {  	s30 =	sld [smem:$0x0];
	_ =	sdelay $0x2  }
0xbf: {  	s31 =	sshll.u32 s1, $0xD;
	s1 =	sshrl.u32 s1, $0x2  }
0xc0: {  	s3 =	sand.u32 $0x4000, s31;
	s1 =	sadd.s32 s1, s30  }
0xc1: {  	s0 =	sor.u32 s3, s0;
	s1 =	sshll.u32 s1, $0x11  }
0xc2: {  	s0 =	sor.u32 s1, s0  }
0xc3: {  	s0 =	sadd.s32 $0x8F2B, s0  }
0xc4: {  	[sflag:s0] =	ssyncadd.remote.s32 $0x1  }
0xc5: {  	_ =	sfence.sel $0xFFFF  }
0xc6: {  	[dreg:$0x0] =	wrdreg $0xFFFFFFFF;
	(pc) =	sbr.abs _section_cstart, $3  }
0xc7: {  	[dreg:$0x1] =	wrdreg $0xFFFFFFFF  }
0xc8: {  	_ =	task.clear_ibuf [dreg:s7], $0x2FFFF;
	_ =	strace $0x9FFFFFFF  }
0xc9: {  	(tm) =	ssettm $0x7FFFFFFF  }
tec
execute0_lowered:
.L_overlay_start_1:
0x0: {  	(tag) =	ssettag $0x1  }
0x1: {  	s6 =	rddreg [dreg:$0x0]  }
0x2: {  	s1 =	srdreg.scid;
	s2 =	rddreg [dreg:$0x1]  }
0x3: {  	s0 =	stileid.u32;
	s3 =	rddreg [dreg:$0x2]  }
0x4: {  	s4 =	simm.s32 $0x0;
	s22 =	simm.s32 $0x0;
	s7 =	sand.u32 $0x1, s1  }
0x5: {  	s28 =	sshll.u32 s0, $0x1;
	s1 =	rddreg [dreg:$0x3];
	s9 =	smul.u32 $0x50000, s0  }
0x6: {  	[smem:$0x7FF] =	sst s4;
	s16 =	sadd.s32 $0xEC00, s6;
	s10 =	smul.u32 $0x14000, s0  }
0x7: {  	s31 =	sshll.u32 s0, $0x6;
	s5 =	sor.u32 s7, s28;
	s19 =	smul.u32 $0x140000, s7  }
0x8: {  	_ =	strace $0x80000047;
	s8 =	ssub.s32 $0x2, s7;
	s5 =	smul.u32 $0x500, s5  }
0x9: {  	s29 =	sshrl.u32 s8, $0x1;
	s30 =	sshrl.u32 s9, $0x2;
	s12 =	sadd.s32 $0x4000, s10  }
0xa: {  	s14 =	sadd.s32 $0x8000, s10;
	s15 =	sadd.s32 $0xC000, s10;
	s20 =	sadd.s32 $0x10000, s10  }
0xb: {  	s17 =	ssub.s32 s8, s29;
	s18 =	sadd.s32 s30, s3;
	s7 =	sadd.s32 s12, s3  }
0xc: {  	s8 =	sadd.s32 s14, s3;
	s9 =	sadd.s32 s15, s3;
	s13 =	sadd.s32 s10, s19  }
0xd: {  	s12 =	sadd.s32 s19, s12;
	s10 =	sadd.s32 s20, s3;
	s14 =	sadd.s32 s19, s14  }
0xe: {  	s15 =	sadd.s32 s19, s15;
	s19 =	sadd.s32 s19, s20;
	s20 =	simm.s32 $0x2800  }
0xf: {  	s11 =	sadd.s32 s5, s6;
	s5 =	sadd.s32 $0xE400, s6;
	s6 =	sor.u32 $0x1C01, s31  }
0x10: {  	s13 =	sshrl.u32 s13, $0x3;
	s21 =	sshrl.u32 s12, $0x3;
	s14 =	sshrl.u32 s14, $0x3  }
0x11: {  	s15 =	sshrl.u32 s15, $0x3;
	s19 =	sshrl.u32 s19, $0x3;
	s17 =	smax.u32 s17, $0x1  }
0x12: {  	s18 =	sshrl.u32 s18, $0x3;
	s11 =	sadd.s32 $0x4400, s11;
	s12 =	sadd.s32 s16, s13  }
0x13: {  	s13 =	sadd.s32 s16, s21;
	s14 =	sadd.s32 s16, s14;
	s15 =	sadd.s32 s16, s15  }
0x14: {  	s16 =	sadd.s32 s16, s19;
	s19 =	simm.s32 $0x1;
	s21 =	simm.s32 $0x80  }
.LBB2_1:
0x15: {  	[spmem:s18], [sflag:s6] =	dma.local [hbm:s5], $0x800  }
0x16: {  	_ =	swait.ge [sflag:s19], $0x800  }
0x17: {  	[sflag:s19] =	ssyncset.done $0x0  }
0x18: {  	s23 =	sshrl.u32 s7, $0x3;
	[sflag:s19] =	ssyncadd.s32 $0xFFFFF800  }
0x19: {  	[spmem:s23], [sflag:s6] =	dma.local [hbm:s5], $0x800  }
0x1a: {  	_ =	swait.ge [sflag:s19], $0x800  }
0x1b: {  	[sflag:s19] =	ssyncset.done $0x0  }
0x1c: {  	s24 =	sshrl.u32 s8, $0x3;
	[sflag:s19] =	ssyncadd.s32 $0xFFFFF800  }
0x1d: {  	[spmem:s24], [sflag:s6] =	dma.local [hbm:s5], $0x800  }
0x1e: {  	_ =	swait.ge [sflag:s19], $0x800  }
0x1f: {  	[sflag:s19] =	ssyncset.done $0x0  }
0x20: {  	s25 =	sshrl.u32 s9, $0x3;
	[sflag:s19] =	ssyncadd.s32 $0xFFFFF800  }
0x21: {  	[spmem:s25], [sflag:s6] =	dma.local [hbm:s5], $0x800  }
0x22: {  	_ =	swait.ge [sflag:s19], $0x800  }
0x23: {  	[sflag:s19] =	ssyncset.done $0x0  }
0x24: {  	s26 =	sshrl.u32 s10, $0x3;
	[sflag:s19] =	ssyncadd.s32 $0xFFFFF800  }
0x25: {  	[spmem:s26], [sflag:s6] =	dma.local [hbm:s5], $0x800  }
0x26: {  	_ =	swait.ge [sflag:s19], $0x800  }
0x27: {  	[sflag:s19] =	ssyncset.done $0x0  }
0x28: {  	[sflag:s19] =	ssyncadd.s32 $0xFFFFF800  }
0x29: {  	[tilespmem:s20], [sflag:$0x1] =	stream.linear.gather [hbm4b:s2+s4], $0x4000, $0x38;
	[tilespmem:$0x1A800] =	vst v63  }
0x2a: {  	_ =	swait.ge [sflag:s19], $0x4000  }
0x2b: {  	[sflag:s19] =	ssyncset.done $0x0  }
0x2c: {  	[sflag:s19] =	ssyncadd.s32 $0xFFFFC000  }
0x2d: {  	[tilespmem:s4], [sflag:$0x1] =	stream.linear.gather [hbm4b:s11+s4], $0x2780, $0x38;
	[tilespmem:$0x1A800] =	vst v63  }
0x2e: {  	_ =	swait.ge [sflag:s19], $0x2780  }
0x2f: {  	[sflag:s19] =	ssyncset.done $0x0  }
0x30: {  	[sflag:s19] =	ssyncadd.s32 $0xFFFFD880  }
0x31: {  	s28 =	simm.s32 $0x0;
	[bflag:$0x0] =	sbarrier.arrive $0xFFFF  }
0x32: {  	[spmem:s3] =	stream.indirect.scatter.add.f32 [tilespmem:s20], [sflag:$0x1], $0x80, s28, s21, $0xb8;
	[tilespmem:$0x1A800] =	vst v63  }
0x33: {  	_ =	swait.ge [sflag:s19], $0x4000  }
0x34: {  	s28 =	simm.s32 $0x200;
	[sflag:s19] =	ssyncset.done $0x0  }
.LBB2_2:
0x35: {  	s29 =	sshra.s32 s28, $0x2;
	[sflag:s19] =	ssyncadd.s32 $0xFFFFC000;
	p0 =	sne.s32 s28, $0x9C00  }
0x36: {  	[spmem:s3] =	stream.indirect.scatter.add.f32 [tilespmem:s20], [sflag:$0x1], $0x80, s29, s21, $0xb8;
	[tilespmem:$0x1A800] =	vst v63  }
.Ltmp0:
0x37: {  	_ = 	snop;
	(pc) =	sbr.rel @p0 .LBB2_2-.Ltmp0, $4  }
0x38: {  	_ = 	snop  }
0x39: {  	s28 =	sadd.s32 $0x200, s28  }
0x3a: {  	_ =	swait.ge [sflag:s19], $0x4000  }
0x3b: {  	[sflag:s19] =	ssyncset.done $0x0  }
0x3c: {  	[sflag:s19] =	ssyncadd.s32 $0xFFFFC000  }
0x3d: {  	[bflag:$0x0] =	sbarrier.arrive $0xFFFF  }
0x3e: {  	[hbm:s12], [sflag:s6] =	dma.local [spmem:s18], $0x800  }
0x3f: {  	_ =	swait.ge [sflag:s19], $0x800  }
0x40: {  	[sflag:s19] =	ssyncset.done $0x0  }
0x41: {  	[sflag:s19] =	ssyncadd.s32 $0xFFFFF800  }
0x42: {  	[hbm:s13], [sflag:s6] =	dma.local [spmem:s23], $0x800  }
0x43: {  	_ =	swait.ge [sflag:s19], $0x800  }
0x44: {  	[sflag:s19] =	ssyncset.done $0x0  }
0x45: {  	[sflag:s19] =	ssyncadd.s32 $0xFFFFF800  }
0x46: {  	[hbm:s14], [sflag:s6] =	dma.local [spmem:s24], $0x800  }
0x47: {  	_ =	swait.ge [sflag:s19], $0x800  }
0x48: {  	[sflag:s19] =	ssyncset.done $0x0  }
0x49: {  	[sflag:s19] =	ssyncadd.s32 $0xFFFFF800  }
0x4a: {  	[hbm:s15], [sflag:s6] =	dma.local [spmem:s25], $0x800  }
0x4b: {  	s22 =	sadd.s32 $0x1, s22;
	_ =	swait.ge [sflag:s19], $0x800  }
0x4c: {  	p0 =	sne.s32 s22, s17;
	[sflag:s19] =	ssyncset.done $0x0  }
.Ltmp1:
0x4d: {  	[sflag:s19] =	ssyncadd.s32 $0xFFFFF800;
	(pc) =	sbr.rel @p0 .LBB2_1-.Ltmp1, $4  }
0x4e: {  	[hbm:s16], [sflag:s6] =	dma.local [spmem:s26], $0x800  }
0x4f: {  	_ =	swait.ge [sflag:s19], $0x800  }
0x50: {  	[sflag:s19] =	ssyncset.done $0x0  }
0x51: {  	[sflag:s19] =	ssyncadd.s32 $0xFFFFF800  }
0x52: {  	_ =	sfence.sel $0x180000  }
0x53: {  	[bflag:$0x0] =	sbarrier.arrive $0xFFFF  }
0x54: {  	p0 =	sne.s32 s0, $0x0;
	_ =	strace $0x90000047  }
0x55: {  	s0 =	sadd.s32 @!p0 $0x100000, s1;
	[bflag:$0x2] =	sbarrier.arrive $0xFFFF  }
0x56: {  	[sflag:s0] =	ssyncadd.tile.s32 @!p0 $0x1;
	_ =	shalt  }
.Lfunc_end2:
_tile_overlayer_lowered:
.L_overlay_start_2:
0x57: {  	(tag) =	ssettag $0x2  }
0x58: {  	s0 =	rddreg [dreg:$0x0];
	s2 =	stileid.u32  }
0x59: {  	s1 =	rddreg [dreg:$0x1];
	p0 =	sne.s32 s2, $0x0  }
0x5a: {  	s3 =	rddreg [dreg:$0x2];
	[bflag:$0x3] =	sbarrier.arrive $0xFFFF;
	s2 =	simm.s32 @!p0 $0x1C01  }
0x5b: {  	[timem:s3], [sflag:s2] =	dma.local @!p0 [hbm:s0], s1  }
0x5c: {  	s0 =	simm.s32 @!p0 $0x1  }
0x5d: {  	_ =	swait.ge @!p0 [sflag:s0], s1  }
0x5e: {  	s1 =	ssub.s32 @!p0 $0x0, s1;
	[sflag:s0] =	ssyncset.done @!p0 $0x0  }
0x5f: {  	[sflag:s0] =	ssyncadd.s32 @!p0 s1  }
0x60: {  	[bflag:$0x3] =	sbarrier.arrive $0xFFFF  }
0x61: {  	_ =	shalt  }

// kernel: kernel.21.cloned.1.call-start
scs
__scs_entry_jumppad:
0x0: {  	(pc) =	sbr.rel $0x88, $3  }
0x1: {  	(tag) =	ssettag $0x0;
	lr =	simm.s32 $0x1  }
0x2: {  	[smem:$0x3F92] =	sst lr;
	_ =	strace $0xD0000000  }
0x3: {  	_ = 	snop  }
0x4: {  	_ = 	snop  }
0x5: {  	_ = 	snop  }
0x6: {  	_ = 	snop  }
0x7: {  	_ = 	snop  }
__scs_overlays_trampoline_lowered:
0x8: {  	[smem:$0x3FA1] =	sst s0  }
0x9: {  	[smem:$0x3FA2] =	sst s1  }
0xa: {  	[smem:$0x3FA3] =	sst s2  }
0xb: {  	[smem:$0x3FA4] =	sst s3  }
0xc: {  	[smem:$0x3FA5] =	sst s4  }
0xd: {  	[smem:$0x3FA6] =	sst s5  }
0xe: {  	[smem:$0x3FA7] =	sst s6  }
0xf: {  	[smem:$0x3FA8] =	sst s7  }
0x10: {  	[smem:$0x3FA9] =	sst s8  }
0x11: {  	[smem:$0x3FAA] =	sst s9;
	s0 =	simm.s32 @!p0 $0x0  }
0x12: {  	s1 =	sld [smem:$0x3F90];
	s0 =	simm.s32 @p0 $0x1  }
0x13: {  	[smem:$0x3FAB] =	sst s0;
	s0 =	simm.s32 @!p1 $0x0  }
0x14: {  	s2 =	sld [smem:$0x3F8F];
	s0 =	simm.s32 @p1 $0x1  }
0x15: {  	[smem:$0x3FAC] =	sst s0;
	s0 =	simm.s32 @!p2 $0x0  }
0x16: {  	s3 =	sld [smem:$0x3FDB];
	s0 =	simm.s32 @p2 $0x1  }
0x17: {  	s4 =	simm.s32 $0x1BF5;
	[smem:$0x3FAE] =	sst s0  }
0x18: {  	s0 =	sld [smem:$0x3F91];
	_ =	swait.ge [sflag:s4], $0x0  }
0x19: {  	s7 =	sld [smem:$0x3F92]  }
0x1a: {  	s8 =	sadd.s32 $0xFFFFE003, lr  }
0x1b: {  	s9 =	sadd.s32 $0xFFFFFEF7, lr;
	s5 =	simm.s32 $0xFFFFFFFF;
	p2 =	slt.u32 s8, $0xFFFFF086  }
0x1c: {  	p1 =	slt.u32 s9, $0xF7A;
	s5 =	simm.s32 @!p2 $0x0  }
0x1d: {  	s5 =	simm.s32 @p1 $0x1;
	p0 =	seq.s32 s7, s2  }
0x1e: {  	s7 =	smul.u32 @!p0 $0xF7A, s2;
	p2 =	seq.s32 @!p0 s5, $0x0  }
0x1f: {  	s9 =	smul.u32 $0xF7A, s1;
	s8 =	simm.s32 @!p0 $0x1BF5;
	p2 =	por !p2, p0  }
0x20: {  	[sflag:s8] =	ssyncset.s32 @!p0 $0xFFFFF086;
	s6 =	sadd.s32 @!p0 s3, s7;
	s7 =	simm.s32 @!p0 $0x108  }
0x21: {  	s3 =	sadd.s32 s3, s9;
	s6 =	sadd.s32 @!p0 $0x88, s6;
	s7 =	simm.s32 @p2 $0x1082  }
0x22: {  	[simem:s7], [sflag:s8] =	dma.local @!p0 [hbm:s6], $0xF7A  }
0x23: {  	s9 =	sor.u32 $0xD0000000, s2;
	s6 =	simm.s32 $0x108;
	_ =	swait.ge @!p0 [sflag:s8], $0x0  }
0x24: {  	s3 =	sadd.s32 $0x88, s3;
	s6 =	simm.s32 @!p1 $0x1082;
	[sflag:s4] =	ssyncset.s32 $0xFFFFF086  }
0x25: {  	[simem:s6], [sflag:s4] =	dma.local [hbm:s3], $0xF7A  }
0x26: {  	[smem:$0x3F92] =	sst s1;
	(tag) =	ssettag s2;
	_ =	strace s9  }
0x27: {  	s1 =	sld [smem:$0x3FA2]  }
0x28: {  	s2 =	sld [smem:$0x3FA3]  }
0x29: {  	s4 =	sld [smem:$0x3FA5]  }
0x2a: {  	p0 =	seq.s32 s5, $0x0;
	s5 =	sld [smem:$0x3FA6]  }
0x2b: {  	s6 =	sld [smem:$0x3FA7]  }
0x2c: {  	s7 =	sld [smem:$0x3FA8]  }
0x2d: {  	s3 =	simm.s32 $0x108;
	s8 =	sld [smem:$0x3FA9]  }
0x2e: {  	s3 =	simm.s32 @!p0 $0x1082;
	s9 =	sld [smem:$0x3FAA]  }
0x2f: {  	lr =	sadd.s32 s0, s3;
	s0 =	sld [smem:$0x3FA1]  }
0x30: {  	s3 =	sld [smem:$0x3FA4]  }
0x31: {  	[smem:$0x3FAD] =	sst s10  }
0x32: {  	s10 =	sld [smem:$0x3FAB];
	_ =	sdelay $0x3  }
0x33: {  	p0 =	seq.s32 s10, $0x1;
	s10 =	sld [smem:$0x3FAD];
	_ =	sdelay $0x3  }
0x34: {  	[smem:$0x3FAD] =	sst s10  }
0x35: {  	s10 =	sld [smem:$0x3FAC];
	_ =	sdelay $0x3  }
0x36: {  	p1 =	seq.s32 s10, $0x1;
	s10 =	sld [smem:$0x3FAD];
	_ =	sdelay $0x3  }
0x37: {  	[smem:$0x3FAD] =	sst s10  }
0x38: {  	s10 =	sld [smem:$0x3FAE]  }
0x39: {  	_ = 	snop;
	(pc) =	sbr.ind lr, $3  }
0x3a: {  	_ = 	snop  }
0x3b: {  	_ = 	snop  }
0x3c: {  	p2 =	seq.s32 s10, $0x1;
	s10 =	sld [smem:$0x3FAD]  }
0x3d: {  	_ =	shalt  }
0x3e: {  	_ =	shalt  }
0x3f: {  	_ =	shalt  }
0x40: {  	_ =	shalt  }
0x41: {  	_ =	shalt  }
0x42: {  	_ =	shalt  }
0x43: {  	_ =	shalt  }
0x44: {  	_ =	shalt  }
0x45: {  	_ =	shalt  }
0x46: {  	_ =	shalt  }
0x47: {  	_ =	shalt  }
0x48: {  	_ =	shalt  }
0x49: {  	_ =	shalt  }
0x4a: {  	_ =	shalt  }
0x4b: {  	_ =	shalt  }
0x4c: {  	_ =	shalt  }
0x4d: {  	_ =	shalt  }
0x4e: {  	_ =	shalt  }
0x4f: {  	_ =	shalt  }
0x50: {  	_ =	shalt  }
0x51: {  	_ =	shalt  }
0x52: {  	_ =	shalt  }
0x53: {  	_ =	shalt  }
0x54: {  	_ =	shalt  }
0x55: {  	_ =	shalt  }
0x56: {  	_ =	shalt  }
0x57: {  	_ =	shalt  }
0x58: {  	_ =	shalt  }
0x59: {  	_ =	shalt  }
0x5a: {  	_ =	shalt  }
0x5b: {  	_ =	shalt  }
0x5c: {  	_ =	shalt  }
0x5d: {  	_ =	shalt  }
0x5e: {  	_ =	shalt  }
0x5f: {  	_ =	shalt  }
0x60: {  	_ =	shalt  }
0x61: {  	_ =	shalt  }
0x62: {  	_ =	shalt  }
0x63: {  	_ =	shalt  }
0x64: {  	_ =	shalt  }
0x65: {  	_ =	shalt  }
0x66: {  	_ =	shalt  }
0x67: {  	_ =	shalt  }
0x68: {  	_ =	shalt  }
0x69: {  	_ =	shalt  }
0x6a: {  	_ =	shalt  }
0x6b: {  	_ =	shalt  }
0x6c: {  	_ =	shalt  }
0x6d: {  	_ =	shalt  }
0x6e: {  	_ =	shalt  }
0x6f: {  	_ =	shalt  }
0x70: {  	_ =	shalt  }
0x71: {  	_ =	shalt  }
0x72: {  	_ =	shalt  }
0x73: {  	_ =	shalt  }
0x74: {  	_ =	shalt  }
0x75: {  	_ =	shalt  }
0x76: {  	_ =	shalt  }
0x77: {  	_ =	shalt  }
0x78: {  	_ =	shalt  }
0x79: {  	_ =	shalt  }
0x7a: {  	_ =	shalt  }
0x7b: {  	_ =	shalt  }
0x7c: {  	_ =	shalt  }
0x7d: {  	_ =	shalt  }
0x7e: {  	_ =	shalt  }
0x7f: {  	_ =	shalt  }
0x80: {  	_ =	shalt  }
0x81: {  	_ =	shalt  }
0x82: {  	_ =	shalt  }
0x83: {  	_ =	shalt  }
0x84: {  	_ =	shalt  }
0x85: {  	_ =	shalt  }
0x86: {  	_ =	shalt  }
0x87: {  	_ =	shalt  }
.Lfunc_end0:
.L_simem_size_0:
called_computation.1_lowered:
.L_overlay_start_0:
0x88: {  	s2 =	sld [smem:$0x3FD9]  }
0x89: {  	s3 =	sld [smem:$0x3FFE];
	_ =	sdelay $0x1  }
0x8a: {  	s1 =	srdreg.scid  }
0x8b: {  	s0 =	sand.u32 $0x1, s1  }
0x8c: {  	s14 =	sshll.u32 s0, $0xA;
	s2 =	sadd.s32 s3, s2  }
0x8d: {  	s2 =	sadd.s32 s2, s14  }
0x8e: {  	[smem:$0x3FB9] =	sst s2  }
0x8f: {  	_ = 	snop  }
0x90: {  	s2 =	sld [smem:$0x3FD0];
	_ =	sdelay $0x2  }
0x91: {  	s15 =	simm.s32 $0xA;
	s4 =	simm.s32 $0x10  }
0x92: {  	[smem:s4], [sflag:s15] =	dma.local [hbm:s2], $0x1  }
0x93: {  	_ =	swait.eq [sflag:s15], $0x1  }
0x94: {  	[sflag:s15] =	ssyncset.done $0x0  }
0x95: {  	[sflag:s15] =	ssyncadd.s32 $0xFFFFFFFF  }
0x96: {  	s16 =	sld [smem:$0x11];
	(tm) =	ssettm $0x1  }
0x97: {  	s17 =	sld [smem:$0x3FFB];
	_ =	sdelay $0x3  }
0x98: {  	_ =	strace s17  }
0x99: {  	s3 =	sld [smem:$0x3FFC];
	_ =	sdelay $0x3  }
0x9a: {  	_ =	strace s3  }
0x9b: {  	s3 =	sld [smem:$0x3FFD];
	_ =	sdelay $0x3  }
0x9c: {  	_ =	strace s3  }
0x9d: {  	_ =	strace $0x8FFFFFFF  }
0x9e: {  	s18 =	sld [smem:$0x3FDB];
	_ =	sdelay $0x1  }
0x9f: {  	s19 =	simm.s32 $_scs_section_size  }
0xa0: {  	s5 =	simm.s32 $_size__tile_overlayer_lowered;
	s6 =	simm.s32 $_tile_overlayer_lowered  }
0xa1: {  	s22 =	simm.s32 $0x1BFF;
	s21 =	sshll.u32 s6, $0x1;
	s3 =	sadd.s32 s19, s18  }
0xa2: {  	s7 =	simm.s32 $0x0;
	s20 =	sshll.u32 s5, $0x1;
	s5 =	sadd.s32 s21, s3  }
0xa3: {  	[timem:s7], [sflag:s22] =	dma.local [hbm:s5], s20  }
0xa4: {  	_ =	swait.ge [sflag:s22], s20  }
0xa5: {  	s4 =	ssub.s32 $0x0, s20;
	[sflag:s22] =	ssyncset.done $0x0  }
0xa6: {  	[sflag:s22] =	ssyncadd.s32 s4;
	_ =	sdelay $0x1  }
0xa7: {  	s23 =	simm.s32 $0x1B8B  }
0xa8: {  	_ =	swait.ge [sflag:s23], $0x1  }
0xa9: {  	[sflag:s23] =	ssyncset.done $0x0  }
0xaa: {  	s25 =	simm.s32 $0x1B8E;
	s24 =	sld [smem:$0x3FFE];
	[sflag:s23] =	ssyncadd.s32 $0xFFFFFFFF  }
0xab: {  	s26 =	simm.s32 $execute0_lowered;
	[smem:$0x3FD2] =	sst s25  }
0xac: {  	s5 =	sshll.u32 s26, $0x1;
	_ =	strace $0x80000049;
	[dreg:$0x1] =	wrdreg $0xFFFFFFFF  }
0xad: {  	s28 =	simm.s32 $_size_execute0_lowered;
	s3 =	sadd.s32 s3, s5;
	[dreg:$0x0] =	wrdreg $0x0  }
0xae: {  	s5 =	sshll.u32 s28, $0x1;
	[dreg:$0x2] =	wrdreg s3  }
0xaf: {  	[dreg:$0x3] =	wrdreg s5  }
0xb0: {  	[dreg:$0x4] =	wrdreg $0xC0  }
0xb1: {  	_ =	task [dreg:s7], $0x5FFFF  }
0xb2: {  	[dreg:$0x1] =	wrdreg $0xFFFFFFFF  }
0xb3: {  	[dreg:$0x0] =	wrdreg $0x60  }
0xb4: {  	[dreg:$0x2] =	wrdreg s24  }
0xb5: {  	[dreg:$0x3] =	wrdreg s16  }
0xb6: {  	[dreg:$0x4] =	wrdreg $0x90000  }
0xb7: {  	[dreg:$0x5] =	wrdreg $0x9  }
0xb8: {  	_ =	task.clear_ibuf [dreg:s7], $0x6FFFF;
	_ =	strace $0x90000049  }
0xb9: {  	s29 =	simm.s32 $0x9;
	_ =	strace $0x8000004B  }
0xba: {  	_ =	swait.ge [sflag:s29], $0x1  }
0xbb: {  	[sflag:s29] =	ssyncadd.s32 $0xFFFFFFFF  }
0xbc: {  	_ =	strace $0x9000004B  }
0xbd: {  	_ =	sfence  }
0xbe: {  	s30 =	sld [smem:$0x0];
	_ =	sdelay $0x2  }
0xbf: {  	s31 =	sshll.u32 s1, $0xD;
	s1 =	sshrl.u32 s1, $0x2  }
0xc0: {  	s3 =	sand.u32 $0x4000, s31;
	s1 =	sadd.s32 s1, s30  }
0xc1: {  	s0 =	sor.u32 s3, s0;
	s1 =	sshll.u32 s1, $0x11  }
0xc2: {  	s0 =	sor.u32 s1, s0  }
0xc3: {  	s0 =	sadd.s32 $0x8F2B, s0  }
0xc4: {  	[sflag:s0] =	ssyncadd.remote.s32 $0x1  }
0xc5: {  	_ =	sfence.sel $0xFFFF  }
0xc6: {  	[dreg:$0x0] =	wrdreg $0xFFFFFFFF;
	(pc) =	sbr.abs _section_cstart, $3  }
0xc7: {  	[dreg:$0x1] =	wrdreg $0xFFFFFFFF  }
0xc8: {  	_ =	task.clear_ibuf [dreg:s7], $0x2FFFF;
	_ =	strace $0x9FFFFFFF  }
0xc9: {  	(tm) =	ssettm $0x7FFFFFFF  }
tec
execute0_lowered:
.L_overlay_start_1:
0x0: {  	(tag) =	ssettag $0x1  }
0x1: {  	s0 =	rddreg [dreg:$0x0]  }
0x2: {  	s2 =	rddreg [dreg:$0x1];
	s1 =	srdreg.scid  }
0x3: {  	s4 =	stileid.u32;
	s3 =	rddreg [dreg:$0x2]  }
0x4: {  	s6 =	simm.s32 $0x0;
	s20 =	simm.s32 $0x2;
	s22 =	simm.s32 $0x80  }
0x5: {  	s23 =	simm.s32 $0x5000;
	s24 =	simm.s32 $0x1;
	s25 =	simm.s32 $0x0  }
0x6: {  	s1 =	sand.u32 $0x1, s1;
	s5 =	sshll.u32 s4, $0x1;
	s7 =	smul.u32 $0x50000, s4  }
0x7: {  	[smem:$0x7FF] =	sst s6;
	s14 =	smul.u32 $0x14000, s4;
	s31 =	sshll.u32 s4, $0x6  }
0x8: {  	s5 =	sor.u32 s1, s5;
	s29 =	ssub.s32 $0x2, s1;
	s1 =	smul.u32 $0x140000, s1  }
0x9: {  	_ =	strace $0x8000004A;
	s5 =	smul.u32 $0x500, s5;
	s8 =	sshrl.u32 s29, $0x1  }
0xa: {  	s30 =	sshrl.u32 s7, $0x2;
	s15 =	sadd.s32 $0x4000, s14;
	s7 =	sor.u32 $0x1C02, s31  }
0xb: {  	s16 =	sadd.s32 $0x8000, s14;
	s17 =	sadd.s32 $0xC000, s14;
	s18 =	sadd.s32 $0x10000, s14  }
0xc: {  	s19 =	ssub.s32 s29, s8;
	s6 =	sadd.s32 s30, s3;
	s8 =	sadd.s32 s15, s3  }
0xd: {  	s9 =	sadd.s32 s16, s3;
	s10 =	sadd.s32 s17, s3;
	s11 =	sadd.s32 s18, s3  }
0xe: {  	s14 =	sadd.s32 s14, s1;
	s15 =	sadd.s32 s1, s15;
	s16 =	sadd.s32 s1, s16  }
0xf: {  	s17 =	sadd.s32 s1, s17;
	s1 =	sadd.s32 s1, s18;
	s13 =	sadd.s32 s5, s0  }
0x10: {  	s5 =	sadd.s32 $0xE400, s0;
	s0 =	sadd.s32 $0xEC00, s0;
	s14 =	sshrl.u32 s14, $0x3  }
0x11: {  	s15 =	sshrl.u32 s15, $0x3;
	s16 =	sshrl.u32 s16, $0x3;
	s17 =	sshrl.u32 s17, $0x3  }
0x12: {  	s1 =	sshrl.u32 s1, $0x3;
	s19 =	smax.u32 s19, $0x1;
	s12 =	sadd.s32 $0x5EC00, s13  }
0x13: {  	s13 =	sadd.s32 $0x4400, s13;
	s14 =	sadd.s32 s0, s14;
	s15 =	sadd.s32 s0, s15  }
0x14: {  	s16 =	sadd.s32 s0, s16;
	s17 =	sadd.s32 s0, s17;
	s18 =	sadd.s32 s0, s1  }
.LBB2_1:
0x15: {  	s26 =	sshrl.u32 s6, $0x3  }
0x16: {  	[spmem:s26], [sflag:s7] =	dma.local [hbm:s5], $0x800  }
0x17: {  	_ =	swait.ge [sflag:s20], $0x800  }
0x18: {  	[sflag:s20] =	ssyncset.done $0x0  }
0x19: {  	s28 =	sshrl.u32 s8, $0x3;
	[sflag:s20] =	ssyncadd.s32 $0xFFFFF800  }
0x1a: {  	[spmem:s28], [sflag:s7] =	dma.local [hbm:s5], $0x800  }
0x1b: {  	_ =	swait.ge [sflag:s20], $0x800  }
0x1c: {  	[sflag:s20] =	ssyncset.done $0x0  }
0x1d: {  	s29 =	sshrl.u32 s9, $0x3;
	[sflag:s20] =	ssyncadd.s32 $0xFFFFF800  }
0x1e: {  	[spmem:s29], [sflag:s7] =	dma.local [hbm:s5], $0x800  }
0x1f: {  	_ =	swait.ge [sflag:s20], $0x800  }
0x20: {  	[sflag:s20] =	ssyncset.done $0x0  }
0x21: {  	s30 =	sshrl.u32 s10, $0x3;
	[sflag:s20] =	ssyncadd.s32 $0xFFFFF800  }
0x22: {  	[spmem:s30], [sflag:s7] =	dma.local [hbm:s5], $0x800  }
0x23: {  	_ =	swait.ge [sflag:s20], $0x800  }
0x24: {  	[sflag:s20] =	ssyncset.done $0x0  }
0x25: {  	s31 =	sshrl.u32 s11, $0x3;
	[sflag:s20] =	ssyncadd.s32 $0xFFFFF800  }
0x26: {  	[spmem:s31], [sflag:s7] =	dma.local [hbm:s5], $0x800  }
0x27: {  	_ =	swait.ge [sflag:s20], $0x800  }
0x28: {  	[sflag:s20] =	ssyncset.done $0x0  }
0x29: {  	s0 =	simm.s32 $0x0;
	[sflag:s20] =	ssyncadd.s32 $0xFFFFF800  }
0x2a: {  	[tilespmem:s0], [sflag:$0x2] =	stream.linear.gather [hbm4b:s12+s0], $0x2780, $0x38;
	[tilespmem:$0x1D000] =	vst v63  }
0x2b: {  	_ =	swait.ge [sflag:s20], $0x2780  }
0x2c: {  	[sflag:s20] =	ssyncset.done $0x0  }
0x2d: {  	s1 =	simm.s32 $0x2800;
	[sflag:s20] =	ssyncadd.s32 $0xFFFFD880  }
0x2e: {  	[tilespmem:s1], [sflag:$0x2] =	stream.linear.gather [hbm4b:s13+s0], $0x2780, $0x38;
	[tilespmem:$0x1D000] =	vst v63  }
0x2f: {  	_ =	swait.ge [sflag:s20], $0x2780  }
0x30: {  	[sflag:s20] =	ssyncset.done $0x0  }
0x31: {  	[sflag:s20] =	ssyncadd.s32 $0xFFFFD880  }
0x32: {  	s4 =	simm.s32 $0x0;
	[bflag:$0x0] =	sbarrier.arrive $0xFFFF  }
0x33: {  	[tilespmem:s23], [sflag:$0x1] =	stream.indirect.gather [hbm4b:s2+s22], $0x80, s4, s22, $0xb8;
	[tilespmem:$0x1D000] =	vst v63  }
0x34: {  	_ =	swait.ge [sflag:s24], $0x4000  }
0x35: {  	[sflag:s24] =	ssyncset.done $0x0  }
0x36: {  	s21 =	simm.s32 $0x2800;
	[sflag:s24] =	ssyncadd.s32 $0xFFFFC000  }
0x37: {  	[spmem:s3] =	stream.indirect.scatter.add.f32 [tilespmem:s23], [sflag:$0x2], $0x80, s21, s22, $0xb8;
	[tilespmem:$0x1D000] =	vst v63  }
0x38: {  	_ =	swait.ge [sflag:s20], $0x4000  }
0x39: {  	s1 =	simm.s32 $0x200;
	s0 =	simm.s32 $0x400;
	[sflag:s20] =	ssyncset.done $0x0  }
.LBB2_2:
0x3a: {  	s21 =	sshra.s32 s1, $0x2  }
0x3b: {  	[sflag:s20] =	ssyncadd.s32 $0xFFFFC000;
	s1 =	smov.u32 s0;
	s4 =	sadd.s32 $0x200, s0  }
0x3c: {  	[tilespmem:s23], [sflag:$0x1] =	stream.indirect.gather [hbm4b:s2+s22], $0x80, s21, s22, $0xb8;
	[tilespmem:$0x1D000] =	vst v63  }
0x3d: {  	p0 =	sne.s32 s0, $0x9C00;
	_ =	swait.ge [sflag:s24], $0x4000  }
.Ltmp0:
0x3e: {  	[sflag:s24] =	ssyncset.done $0x0;
	(pc) =	sbr.rel @p0 .LBB2_2-.Ltmp0, $4  }
0x3f: {  	s0 =	sadd.s32 $0x2800, s21;
	[sflag:s24] =	ssyncadd.s32 $0xFFFFC000  }
0x40: {  	[spmem:s3] =	stream.indirect.scatter.add.f32 [tilespmem:s23], [sflag:$0x2], $0x80, s0, s22, $0xb8;
	[tilespmem:$0x1D000] =	vst v63  }
0x41: {  	_ =	swait.ge [sflag:s20], $0x4000  }
0x42: {  	s0 =	smov.u32 s4;
	[sflag:s20] =	ssyncset.done $0x0  }
0x43: {  	s0 =	sshra.s32 s1, $0x2;
	[sflag:s20] =	ssyncadd.s32 $0xFFFFC000  }
0x44: {  	[tilespmem:s23], [sflag:$0x1] =	stream.indirect.gather [hbm4b:s2+s22], $0x80, s0, s22, $0xb8;
	[tilespmem:$0x1D000] =	vst v63  }
0x45: {  	_ =	swait.ge [sflag:s24], $0x4000  }
0x46: {  	[sflag:s24] =	ssyncset.done $0x0  }
0x47: {  	s0 =	sadd.s32 $0x2800, s0;
	[sflag:s24] =	ssyncadd.s32 $0xFFFFC000  }
0x48: {  	[spmem:s3] =	stream.indirect.scatter.add.f32 [tilespmem:s23], [sflag:$0x2], $0x80, s0, s22, $0xb8;
	[tilespmem:$0x1D000] =	vst v63  }
0x49: {  	_ =	swait.ge [sflag:s20], $0x4000  }
0x4a: {  	[sflag:s20] =	ssyncset.done $0x0  }
0x4b: {  	[sflag:s20] =	ssyncadd.s32 $0xFFFFC000  }
0x4c: {  	[bflag:$0x0] =	sbarrier.arrive $0xFFFF  }
0x4d: {  	[hbm:s14], [sflag:s7] =	dma.local [spmem:s26], $0x800  }
0x4e: {  	_ =	swait.ge [sflag:s20], $0x800  }
0x4f: {  	[sflag:s20] =	ssyncset.done $0x0  }
0x50: {  	[sflag:s20] =	ssyncadd.s32 $0xFFFFF800  }
0x51: {  	[hbm:s15], [sflag:s7] =	dma.local [spmem:s28], $0x800  }
0x52: {  	_ =	swait.ge [sflag:s20], $0x800  }
0x53: {  	[sflag:s20] =	ssyncset.done $0x0  }
0x54: {  	[sflag:s20] =	ssyncadd.s32 $0xFFFFF800  }
0x55: {  	[hbm:s16], [sflag:s7] =	dma.local [spmem:s29], $0x800  }
0x56: {  	_ =	swait.ge [sflag:s20], $0x800  }
0x57: {  	[sflag:s20] =	ssyncset.done $0x0  }
0x58: {  	[sflag:s20] =	ssyncadd.s32 $0xFFFFF800  }
0x59: {  	[hbm:s17], [sflag:s7] =	dma.local [spmem:s30], $0x800  }
0x5a: {  	s25 =	sadd.s32 $0x1, s25;
	_ =	swait.ge [sflag:s20], $0x800  }
0x5b: {  	p0 =	sne.s32 s25, s19;
	[sflag:s20] =	ssyncset.done $0x0  }
.Ltmp1:
0x5c: {  	[sflag:s20] =	ssyncadd.s32 $0xFFFFF800;
	(pc) =	sbr.rel @p0 .LBB2_1-.Ltmp1, $4  }
0x5d: {  	[hbm:s18], [sflag:s7] =	dma.local [spmem:s31], $0x800  }
0x5e: {  	_ =	swait.ge [sflag:s20], $0x800  }
0x5f: {  	[sflag:s20] =	ssyncset.done $0x0  }
0x60: {  	[sflag:s20] =	ssyncadd.s32 $0xFFFFF800  }
0x61: {  	_ =	sfence.sel $0x180000  }
0x62: {  	[bflag:$0x0] =	sbarrier.arrive $0xFFFF  }
0x63: {  	_ =	strace $0x9000004A  }
0x64: {  	s0 =	stileid.u32;
	[bflag:$0x2] =	sbarrier.arrive $0xFFFF  }
0x65: {  	p0 =	sne.s32 s0, $0x0;
	s0 =	rddreg [dreg:$0x3]  }
0x66: {  	s0 =	sadd.s32 @!p0 $0x100000, s0  }
0x67: {  	[sflag:s0] =	ssyncadd.tile.s32 @!p0 $0x1;
	_ =	shalt  }
.Lfunc_end2:
_tile_overlayer_lowered:
.L_overlay_start_2:
0x68: {  	(tag) =	ssettag $0x2  }
0x69: {  	s0 =	rddreg [dreg:$0x0];
	s2 =	stileid.u32  }
0x6a: {  	s1 =	rddreg [dreg:$0x1];
	p0 =	sne.s32 s2, $0x0  }
0x6b: {  	s3 =	rddreg [dreg:$0x2];
	[bflag:$0x3] =	sbarrier.arrive $0xFFFF;
	s2 =	simm.s32 @!p0 $0x1C02  }
0x6c: {  	[timem:s3], [sflag:s2] =	dma.local @!p0 [hbm:s0], s1  }
0x6d: {  	s0 =	simm.s32 @!p0 $0x2  }
0x6e: {  	_ =	swait.ge @!p0 [sflag:s0], s1  }
0x6f: {  	s1 =	ssub.s32 @!p0 $0x0, s1;
	[sflag:s0] =	ssyncset.done @!p0 $0x0  }
0x70: {  	[sflag:s0] =	ssyncadd.s32 @!p0 s1  }
0x71: {  	[bflag:$0x3] =	sbarrier.arrive $0xFFFF  }
0x72: {  	_ =	shalt  }

// kernel: kernel.24.cloned.1.call-start
scs
__scs_entry_jumppad:
0x0: {  	(pc) =	sbr.rel $0x88, $3  }
0x1: {  	(tag) =	ssettag $0x0;
	lr =	simm.s32 $0x1  }
0x2: {  	[smem:$0x3F92] =	sst lr;
	_ =	strace $0xD0000000  }
0x3: {  	_ = 	snop  }
0x4: {  	_ = 	snop  }
0x5: {  	_ = 	snop  }
0x6: {  	_ = 	snop  }
0x7: {  	_ = 	snop  }
__scs_overlays_trampoline_lowered:
0x8: {  	[smem:$0x3FA1] =	sst s0  }
0x9: {  	[smem:$0x3FA2] =	sst s1  }
0xa: {  	[smem:$0x3FA3] =	sst s2  }
0xb: {  	[smem:$0x3FA4] =	sst s3  }
0xc: {  	[smem:$0x3FA5] =	sst s4  }
0xd: {  	[smem:$0x3FA6] =	sst s5  }
0xe: {  	[smem:$0x3FA7] =	sst s6  }
0xf: {  	[smem:$0x3FA8] =	sst s7  }
0x10: {  	[smem:$0x3FA9] =	sst s8  }
0x11: {  	[smem:$0x3FAA] =	sst s9;
	s0 =	simm.s32 @!p0 $0x0  }
0x12: {  	s1 =	sld [smem:$0x3F90];
	s0 =	simm.s32 @p0 $0x1  }
0x13: {  	[smem:$0x3FAB] =	sst s0;
	s0 =	simm.s32 @!p1 $0x0  }
0x14: {  	s2 =	sld [smem:$0x3F8F];
	s0 =	simm.s32 @p1 $0x1  }
0x15: {  	[smem:$0x3FAC] =	sst s0;
	s0 =	simm.s32 @!p2 $0x0  }
0x16: {  	s3 =	sld [smem:$0x3FDB];
	s0 =	simm.s32 @p2 $0x1  }
0x17: {  	s4 =	simm.s32 $0x1BF5;
	[smem:$0x3FAE] =	sst s0  }
0x18: {  	s0 =	sld [smem:$0x3F91];
	_ =	swait.ge [sflag:s4], $0x0  }
0x19: {  	s7 =	sld [smem:$0x3F92]  }
0x1a: {  	s8 =	sadd.s32 $0xFFFFE003, lr  }
0x1b: {  	s9 =	sadd.s32 $0xFFFFFEF7, lr;
	s5 =	simm.s32 $0xFFFFFFFF;
	p2 =	slt.u32 s8, $0xFFFFF086  }
0x1c: {  	p1 =	slt.u32 s9, $0xF7A;
	s5 =	simm.s32 @!p2 $0x0  }
0x1d: {  	s5 =	simm.s32 @p1 $0x1;
	p0 =	seq.s32 s7, s2  }
0x1e: {  	s7 =	smul.u32 @!p0 $0xF7A, s2;
	p2 =	seq.s32 @!p0 s5, $0x0  }
0x1f: {  	s9 =	smul.u32 $0xF7A, s1;
	s8 =	simm.s32 @!p0 $0x1BF5;
	p2 =	por !p2, p0  }
0x20: {  	[sflag:s8] =	ssyncset.s32 @!p0 $0xFFFFF086;
	s6 =	sadd.s32 @!p0 s3, s7;
	s7 =	simm.s32 @!p0 $0x108  }
0x21: {  	s3 =	sadd.s32 s3, s9;
	s6 =	sadd.s32 @!p0 $0x88, s6;
	s7 =	simm.s32 @p2 $0x1082  }
0x22: {  	[simem:s7], [sflag:s8] =	dma.local @!p0 [hbm:s6], $0xF7A  }
0x23: {  	s9 =	sor.u32 $0xD0000000, s2;
	s6 =	simm.s32 $0x108;
	_ =	swait.ge @!p0 [sflag:s8], $0x0  }
0x24: {  	s3 =	sadd.s32 $0x88, s3;
	s6 =	simm.s32 @!p1 $0x1082;
	[sflag:s4] =	ssyncset.s32 $0xFFFFF086  }
0x25: {  	[simem:s6], [sflag:s4] =	dma.local [hbm:s3], $0xF7A  }
0x26: {  	[smem:$0x3F92] =	sst s1;
	(tag) =	ssettag s2;
	_ =	strace s9  }
0x27: {  	s1 =	sld [smem:$0x3FA2]  }
0x28: {  	s2 =	sld [smem:$0x3FA3]  }
0x29: {  	s4 =	sld [smem:$0x3FA5]  }
0x2a: {  	p0 =	seq.s32 s5, $0x0;
	s5 =	sld [smem:$0x3FA6]  }
0x2b: {  	s6 =	sld [smem:$0x3FA7]  }
0x2c: {  	s7 =	sld [smem:$0x3FA8]  }
0x2d: {  	s3 =	simm.s32 $0x108;
	s8 =	sld [smem:$0x3FA9]  }
0x2e: {  	s3 =	simm.s32 @!p0 $0x1082;
	s9 =	sld [smem:$0x3FAA]  }
0x2f: {  	lr =	sadd.s32 s0, s3;
	s0 =	sld [smem:$0x3FA1]  }
0x30: {  	s3 =	sld [smem:$0x3FA4]  }
0x31: {  	[smem:$0x3FAD] =	sst s10  }
0x32: {  	s10 =	sld [smem:$0x3FAB];
	_ =	sdelay $0x3  }
0x33: {  	p0 =	seq.s32 s10, $0x1;
	s10 =	sld [smem:$0x3FAD];
	_ =	sdelay $0x3  }
0x34: {  	[smem:$0x3FAD] =	sst s10  }
0x35: {  	s10 =	sld [smem:$0x3FAC];
	_ =	sdelay $0x3  }
0x36: {  	p1 =	seq.s32 s10, $0x1;
	s10 =	sld [smem:$0x3FAD];
	_ =	sdelay $0x3  }
0x37: {  	[smem:$0x3FAD] =	sst s10  }
0x38: {  	s10 =	sld [smem:$0x3FAE]  }
0x39: {  	_ = 	snop;
	(pc) =	sbr.ind lr, $3  }
0x3a: {  	_ = 	snop  }
0x3b: {  	_ = 	snop  }
0x3c: {  	p2 =	seq.s32 s10, $0x1;
	s10 =	sld [smem:$0x3FAD]  }
0x3d: {  	_ =	shalt  }
0x3e: {  	_ =	shalt  }
0x3f: {  	_ =	shalt  }
0x40: {  	_ =	shalt  }
0x41: {  	_ =	shalt  }
0x42: {  	_ =	shalt  }
0x43: {  	_ =	shalt  }
0x44: {  	_ =	shalt  }
0x45: {  	_ =	shalt  }
0x46: {  	_ =	shalt  }
0x47: {  	_ =	shalt  }
0x48: {  	_ =	shalt  }
0x49: {  	_ =	shalt  }
0x4a: {  	_ =	shalt  }
0x4b: {  	_ =	shalt  }
0x4c: {  	_ =	shalt  }
0x4d: {  	_ =	shalt  }
0x4e: {  	_ =	shalt  }
0x4f: {  	_ =	shalt  }
0x50: {  	_ =	shalt  }
0x51: {  	_ =	shalt  }
0x52: {  	_ =	shalt  }
0x53: {  	_ =	shalt  }
0x54: {  	_ =	shalt  }
0x55: {  	_ =	shalt  }
0x56: {  	_ =	shalt  }
0x57: {  	_ =	shalt  }
0x58: {  	_ =	shalt  }
0x59: {  	_ =	shalt  }
0x5a: {  	_ =	shalt  }
0x5b: {  	_ =	shalt  }
0x5c: {  	_ =	shalt  }
0x5d: {  	_ =	shalt  }
0x5e: {  	_ =	shalt  }
0x5f: {  	_ =	shalt  }
0x60: {  	_ =	shalt  }
0x61: {  	_ =	shalt  }
0x62: {  	_ =	shalt  }
0x63: {  	_ =	shalt  }
0x64: {  	_ =	shalt  }
0x65: {  	_ =	shalt  }
0x66: {  	_ =	shalt  }
0x67: {  	_ =	shalt  }
0x68: {  	_ =	shalt  }
0x69: {  	_ =	shalt  }
0x6a: {  	_ =	shalt  }
0x6b: {  	_ =	shalt  }
0x6c: {  	_ =	shalt  }
0x6d: {  	_ =	shalt  }
0x6e: {  	_ =	shalt  }
0x6f: {  	_ =	shalt  }
0x70: {  	_ =	shalt  }
0x71: {  	_ =	shalt  }
0x72: {  	_ =	shalt  }
0x73: {  	_ =	shalt  }
0x74: {  	_ =	shalt  }
0x75: {  	_ =	shalt  }
0x76: {  	_ =	shalt  }
0x77: {  	_ =	shalt  }
0x78: {  	_ =	shalt  }
0x79: {  	_ =	shalt  }
0x7a: {  	_ =	shalt  }
0x7b: {  	_ =	shalt  }
0x7c: {  	_ =	shalt  }
0x7d: {  	_ =	shalt  }
0x7e: {  	_ =	shalt  }
0x7f: {  	_ =	shalt  }
0x80: {  	_ =	shalt  }
0x81: {  	_ =	shalt  }
0x82: {  	_ =	shalt  }
0x83: {  	_ =	shalt  }
0x84: {  	_ =	shalt  }
0x85: {  	_ =	shalt  }
0x86: {  	_ =	shalt  }
0x87: {  	_ =	shalt  }
.Lfunc_end0:
.L_simem_size_0:
called_computation.2_lowered:
.L_overlay_start_0:
0x88: {  	s2 =	sld [smem:$0x3FD9]  }
0x89: {  	s3 =	sld [smem:$0x3FFE];
	_ =	sdelay $0x1  }
0x8a: {  	s1 =	srdreg.scid  }
0x8b: {  	s0 =	sand.u32 $0x1, s1  }
0x8c: {  	s14 =	sshll.u32 s0, $0xA;
	s2 =	sadd.s32 s3, s2  }
0x8d: {  	s2 =	sadd.s32 s2, s14  }
0x8e: {  	[smem:$0x3FB9] =	sst s2  }
0x8f: {  	_ = 	snop  }
0x90: {  	s2 =	sld [smem:$0x3FD0];
	_ =	sdelay $0x2  }
0x91: {  	s15 =	simm.s32 $0xA;
	s4 =	simm.s32 $0x10  }
0x92: {  	[smem:s4], [sflag:s15] =	dma.local [hbm:s2], $0x1  }
0x93: {  	_ =	swait.eq [sflag:s15], $0x1  }
0x94: {  	[sflag:s15] =	ssyncset.done $0x0  }
0x95: {  	[sflag:s15] =	ssyncadd.s32 $0xFFFFFFFF  }
0x96: {  	s16 =	sld [smem:$0x11];
	(tm) =	ssettm $0x1  }
0x97: {  	s17 =	sld [smem:$0x3FFB];
	_ =	sdelay $0x3  }
0x98: {  	_ =	strace s17  }
0x99: {  	s3 =	sld [smem:$0x3FFC];
	_ =	sdelay $0x3  }
0x9a: {  	_ =	strace s3  }
0x9b: {  	s3 =	sld [smem:$0x3FFD];
	_ =	sdelay $0x3  }
0x9c: {  	_ =	strace s3  }
0x9d: {  	_ =	strace $0x8FFFFFFF  }
0x9e: {  	s18 =	sld [smem:$0x3FDB];
	_ =	sdelay $0x1  }
0x9f: {  	s19 =	simm.s32 $_scs_section_size  }
0xa0: {  	s5 =	simm.s32 $_size__tile_overlayer_lowered;
	s6 =	simm.s32 $_tile_overlayer_lowered  }
0xa1: {  	s22 =	simm.s32 $0x1BFF;
	s21 =	sshll.u32 s6, $0x1;
	s3 =	sadd.s32 s19, s18  }
0xa2: {  	s7 =	simm.s32 $0x0;
	s20 =	sshll.u32 s5, $0x1;
	s5 =	sadd.s32 s21, s3  }
0xa3: {  	[timem:s7], [sflag:s22] =	dma.local [hbm:s5], s20  }
0xa4: {  	_ =	swait.ge [sflag:s22], s20  }
0xa5: {  	s4 =	ssub.s32 $0x0, s20;
	[sflag:s22] =	ssyncset.done $0x0  }
0xa6: {  	[sflag:s22] =	ssyncadd.s32 s4;
	_ =	sdelay $0x1  }
0xa7: {  	s23 =	simm.s32 $0x1B8B  }
0xa8: {  	_ =	swait.ge [sflag:s23], $0x1  }
0xa9: {  	[sflag:s23] =	ssyncset.done $0x0  }
0xaa: {  	s25 =	simm.s32 $0x1B8E;
	s24 =	sld [smem:$0x3FFE];
	[sflag:s23] =	ssyncadd.s32 $0xFFFFFFFF  }
0xab: {  	s26 =	simm.s32 $execute0_lowered;
	[smem:$0x3FD2] =	sst s25  }
0xac: {  	s5 =	sshll.u32 s26, $0x1;
	_ =	strace $0x8000004C;
	[dreg:$0x1] =	wrdreg $0xFFFFFFFF  }
0xad: {  	s28 =	simm.s32 $_size_execute0_lowered;
	s3 =	sadd.s32 s3, s5;
	[dreg:$0x0] =	wrdreg $0x0  }
0xae: {  	s5 =	sshll.u32 s28, $0x1;
	[dreg:$0x2] =	wrdreg s3  }
0xaf: {  	[dreg:$0x3] =	wrdreg s5  }
0xb0: {  	[dreg:$0x4] =	wrdreg $0xC0  }
0xb1: {  	_ =	task [dreg:s7], $0x5FFFF  }
0xb2: {  	[dreg:$0x1] =	wrdreg $0xFFFFFFFF  }
0xb3: {  	[dreg:$0x0] =	wrdreg $0x60  }
0xb4: {  	[dreg:$0x2] =	wrdreg s24  }
0xb5: {  	[dreg:$0x3] =	wrdreg s16  }
0xb6: {  	[dreg:$0x4] =	wrdreg $0x90000  }
0xb7: {  	[dreg:$0x5] =	wrdreg $0x9  }
0xb8: {  	_ =	task.clear_ibuf [dreg:s7], $0x6FFFF;
	_ =	strace $0x9000004C  }
0xb9: {  	s29 =	simm.s32 $0x9;
	_ =	strace $0x8000004E  }
0xba: {  	_ =	swait.ge [sflag:s29], $0x1  }
0xbb: {  	[sflag:s29] =	ssyncadd.s32 $0xFFFFFFFF  }
0xbc: {  	_ =	strace $0x9000004E  }
0xbd: {  	_ =	sfence  }
0xbe: {  	s30 =	sld [smem:$0x0];
	_ =	sdelay $0x2  }
0xbf: {  	s31 =	sshll.u32 s1, $0xD;
	s1 =	sshrl.u32 s1, $0x2  }
0xc0: {  	s3 =	sand.u32 $0x4000, s31;
	s1 =	sadd.s32 s1, s30  }
0xc1: {  	s0 =	sor.u32 s3, s0;
	s1 =	sshll.u32 s1, $0x11  }
0xc2: {  	s0 =	sor.u32 s1, s0  }
0xc3: {  	s0 =	sadd.s32 $0x8F2B, s0  }
0xc4: {  	[sflag:s0] =	ssyncadd.remote.s32 $0x1  }
0xc5: {  	_ =	sfence.sel $0xFFFF  }
0xc6: {  	[dreg:$0x0] =	wrdreg $0xFFFFFFFF;
	(pc) =	sbr.abs _section_cstart, $3  }
0xc7: {  	[dreg:$0x1] =	wrdreg $0xFFFFFFFF  }
0xc8: {  	_ =	task.clear_ibuf [dreg:s7], $0x2FFFF;
	_ =	strace $0x9FFFFFFF  }
0xc9: {  	(tm) =	ssettm $0x7FFFFFFF  }
tec
execute0_lowered:
.L_overlay_start_1:
0x0: {  	(tag) =	ssettag $0x1  }
0x1: {  	s0 =	rddreg [dreg:$0x0]  }
0x2: {  	s2 =	rddreg [dreg:$0x1];
	s1 =	srdreg.scid  }
0x3: {  	s4 =	stileid.u32;
	s3 =	rddreg [dreg:$0x2]  }
0x4: {  	s6 =	simm.s32 $0x0;
	s20 =	simm.s32 $0x2;
	s22 =	simm.s32 $0x80  }
0x5: {  	s23 =	simm.s32 $0x5000;
	s24 =	simm.s32 $0x1;
	s25 =	simm.s32 $0x0  }
0x6: {  	s1 =	sand.u32 $0x1, s1;
	s5 =	sshll.u32 s4, $0x1;
	s7 =	smul.u32 $0x50000, s4  }
0x7: {  	[smem:$0x7FF] =	sst s6;
	s14 =	smul.u32 $0x14000, s4;
	s31 =	sshll.u32 s4, $0x6  }
0x8: {  	s5 =	sor.u32 s1, s5;
	s29 =	ssub.s32 $0x2, s1;
	s1 =	smul.u32 $0x140000, s1  }
0x9: {  	_ =	strace $0x8000004D;
	s5 =	smul.u32 $0x500, s5;
	s8 =	sshrl.u32 s29, $0x1  }
0xa: {  	s30 =	sshrl.u32 s7, $0x2;
	s15 =	sadd.s32 $0x4000, s14;
	s7 =	sor.u32 $0x1C02, s31  }
0xb: {  	s16 =	sadd.s32 $0x8000, s14;
	s17 =	sadd.s32 $0xC000, s14;
	s18 =	sadd.s32 $0x10000, s14  }
0xc: {  	s19 =	ssub.s32 s29, s8;
	s6 =	sadd.s32 s30, s3;
	s8 =	sadd.s32 s15, s3  }
0xd: {  	s9 =	sadd.s32 s16, s3;
	s10 =	sadd.s32 s17, s3;
	s11 =	sadd.s32 s18, s3  }
0xe: {  	s14 =	sadd.s32 s14, s1;
	s15 =	sadd.s32 s1, s15;
	s16 =	sadd.s32 s1, s16  }
0xf: {  	s17 =	sadd.s32 s1, s17;
	s1 =	sadd.s32 s1, s18;
	s13 =	sadd.s32 s5, s0  }
0x10: {  	s5 =	sadd.s32 $0xE400, s0;
	s0 =	sadd.s32 $0xEC00, s0;
	s14 =	sshrl.u32 s14, $0x3  }
0x11: {  	s15 =	sshrl.u32 s15, $0x3;
	s16 =	sshrl.u32 s16, $0x3;
	s17 =	sshrl.u32 s17, $0x3  }
0x12: {  	s1 =	sshrl.u32 s1, $0x3;
	s19 =	smax.u32 s19, $0x1;
	s12 =	sadd.s32 $0x5EC00, s13  }
0x13: {  	s13 =	sadd.s32 $0x4400, s13;
	s14 =	sadd.s32 s0, s14;
	s15 =	sadd.s32 s0, s15  }
0x14: {  	s16 =	sadd.s32 s0, s16;
	s17 =	sadd.s32 s0, s17;
	s18 =	sadd.s32 s0, s1  }
.LBB2_1:
0x15: {  	s26 =	sshrl.u32 s6, $0x3  }
0x16: {  	[spmem:s26], [sflag:s7] =	dma.local [hbm:s5], $0x800  }
0x17: {  	_ =	swait.ge [sflag:s20], $0x800  }
0x18: {  	[sflag:s20] =	ssyncset.done $0x0  }
0x19: {  	s28 =	sshrl.u32 s8, $0x3;
	[sflag:s20] =	ssyncadd.s32 $0xFFFFF800  }
0x1a: {  	[spmem:s28], [sflag:s7] =	dma.local [hbm:s5], $0x800  }
0x1b: {  	_ =	swait.ge [sflag:s20], $0x800  }
0x1c: {  	[sflag:s20] =	ssyncset.done $0x0  }
0x1d: {  	s29 =	sshrl.u32 s9, $0x3;
	[sflag:s20] =	ssyncadd.s32 $0xFFFFF800  }
0x1e: {  	[spmem:s29], [sflag:s7] =	dma.local [hbm:s5], $0x800  }
0x1f: {  	_ =	swait.ge [sflag:s20], $0x800  }
0x20: {  	[sflag:s20] =	ssyncset.done $0x0  }
0x21: {  	s30 =	sshrl.u32 s10, $0x3;
	[sflag:s20] =	ssyncadd.s32 $0xFFFFF800  }
0x22: {  	[spmem:s30], [sflag:s7] =	dma.local [hbm:s5], $0x800  }
0x23: {  	_ =	swait.ge [sflag:s20], $0x800  }
0x24: {  	[sflag:s20] =	ssyncset.done $0x0  }
0x25: {  	s31 =	sshrl.u32 s11, $0x3;
	[sflag:s20] =	ssyncadd.s32 $0xFFFFF800  }
0x26: {  	[spmem:s31], [sflag:s7] =	dma.local [hbm:s5], $0x800  }
0x27: {  	_ =	swait.ge [sflag:s20], $0x800  }
0x28: {  	[sflag:s20] =	ssyncset.done $0x0  }
0x29: {  	s0 =	simm.s32 $0x0;
	[sflag:s20] =	ssyncadd.s32 $0xFFFFF800  }
0x2a: {  	[tilespmem:s0], [sflag:$0x2] =	stream.linear.gather [hbm4b:s12+s0], $0x2780, $0x38;
	[tilespmem:$0x1D000] =	vst v63  }
0x2b: {  	_ =	swait.ge [sflag:s20], $0x2780  }
0x2c: {  	[sflag:s20] =	ssyncset.done $0x0  }
0x2d: {  	s1 =	simm.s32 $0x2800;
	[sflag:s20] =	ssyncadd.s32 $0xFFFFD880  }
0x2e: {  	[tilespmem:s1], [sflag:$0x2] =	stream.linear.gather [hbm4b:s13+s0], $0x2780, $0x38;
	[tilespmem:$0x1D000] =	vst v63  }
0x2f: {  	_ =	swait.ge [sflag:s20], $0x2780  }
0x30: {  	[sflag:s20] =	ssyncset.done $0x0  }
0x31: {  	[sflag:s20] =	ssyncadd.s32 $0xFFFFD880  }
0x32: {  	s4 =	simm.s32 $0x0;
	[bflag:$0x0] =	sbarrier.arrive $0xFFFF  }
0x33: {  	[tilespmem:s23], [sflag:$0x1] =	stream.indirect.gather [hbm4b:s2+s22], $0x80, s4, s22, $0xb8;
	[tilespmem:$0x1D000] =	vst v63  }
0x34: {  	_ =	swait.ge [sflag:s24], $0x4000  }
0x35: {  	[sflag:s24] =	ssyncset.done $0x0  }
0x36: {  	s21 =	simm.s32 $0x2800;
	[sflag:s24] =	ssyncadd.s32 $0xFFFFC000  }
0x37: {  	[spmem:s3] =	stream.indirect.scatter.add.f32 [tilespmem:s23], [sflag:$0x2], $0x80, s21, s22, $0xb8;
	[tilespmem:$0x1D000] =	vst v63  }
0x38: {  	_ =	swait.ge [sflag:s20], $0x4000  }
0x39: {  	s1 =	simm.s32 $0x200;
	s0 =	simm.s32 $0x400;
	[sflag:s20] =	ssyncset.done $0x0  }
.LBB2_2:
0x3a: {  	s21 =	sshra.s32 s1, $0x2  }
0x3b: {  	[sflag:s20] =	ssyncadd.s32 $0xFFFFC000;
	s1 =	smov.u32 s0;
	s4 =	sadd.s32 $0x200, s0  }
0x3c: {  	[tilespmem:s23], [sflag:$0x1] =	stream.indirect.gather [hbm4b:s2+s22], $0x80, s21, s22, $0xb8;
	[tilespmem:$0x1D000] =	vst v63  }
0x3d: {  	p0 =	sne.s32 s0, $0x9C00;
	_ =	swait.ge [sflag:s24], $0x4000  }
.Ltmp0:
0x3e: {  	[sflag:s24] =	ssyncset.done $0x0;
	(pc) =	sbr.rel @p0 .LBB2_2-.Ltmp0, $4  }
0x3f: {  	s0 =	sadd.s32 $0x2800, s21;
	[sflag:s24] =	ssyncadd.s32 $0xFFFFC000  }
0x40: {  	[spmem:s3] =	stream.indirect.scatter.add.f32 [tilespmem:s23], [sflag:$0x2], $0x80, s0, s22, $0xb8;
	[tilespmem:$0x1D000] =	vst v63  }
0x41: {  	_ =	swait.ge [sflag:s20], $0x4000  }
0x42: {  	s0 =	smov.u32 s4;
	[sflag:s20] =	ssyncset.done $0x0  }
0x43: {  	s0 =	sshra.s32 s1, $0x2;
	[sflag:s20] =	ssyncadd.s32 $0xFFFFC000  }
0x44: {  	[tilespmem:s23], [sflag:$0x1] =	stream.indirect.gather [hbm4b:s2+s22], $0x80, s0, s22, $0xb8;
	[tilespmem:$0x1D000] =	vst v63  }
0x45: {  	_ =	swait.ge [sflag:s24], $0x4000  }
0x46: {  	[sflag:s24] =	ssyncset.done $0x0  }
0x47: {  	s0 =	sadd.s32 $0x2800, s0;
	[sflag:s24] =	ssyncadd.s32 $0xFFFFC000  }
0x48: {  	[spmem:s3] =	stream.indirect.scatter.add.f32 [tilespmem:s23], [sflag:$0x2], $0x80, s0, s22, $0xb8;
	[tilespmem:$0x1D000] =	vst v63  }
0x49: {  	_ =	swait.ge [sflag:s20], $0x4000  }
0x4a: {  	[sflag:s20] =	ssyncset.done $0x0  }
0x4b: {  	[sflag:s20] =	ssyncadd.s32 $0xFFFFC000  }
0x4c: {  	[bflag:$0x0] =	sbarrier.arrive $0xFFFF  }
0x4d: {  	[hbm:s14], [sflag:s7] =	dma.local [spmem:s26], $0x800  }
0x4e: {  	_ =	swait.ge [sflag:s20], $0x800  }
0x4f: {  	[sflag:s20] =	ssyncset.done $0x0  }
0x50: {  	[sflag:s20] =	ssyncadd.s32 $0xFFFFF800  }
0x51: {  	[hbm:s15], [sflag:s7] =	dma.local [spmem:s28], $0x800  }
0x52: {  	_ =	swait.ge [sflag:s20], $0x800  }
0x53: {  	[sflag:s20] =	ssyncset.done $0x0  }
0x54: {  	[sflag:s20] =	ssyncadd.s32 $0xFFFFF800  }
0x55: {  	[hbm:s16], [sflag:s7] =	dma.local [spmem:s29], $0x800  }
0x56: {  	_ =	swait.ge [sflag:s20], $0x800  }
0x57: {  	[sflag:s20] =	ssyncset.done $0x0  }
0x58: {  	[sflag:s20] =	ssyncadd.s32 $0xFFFFF800  }
0x59: {  	[hbm:s17], [sflag:s7] =	dma.local [spmem:s30], $0x800  }
0x5a: {  	s25 =	sadd.s32 $0x1, s25;
	_ =	swait.ge [sflag:s20], $0x800  }
0x5b: {  	p0 =	sne.s32 s25, s19;
	[sflag:s20] =	ssyncset.done $0x0  }
.Ltmp1:
0x5c: {  	[sflag:s20] =	ssyncadd.s32 $0xFFFFF800;
	(pc) =	sbr.rel @p0 .LBB2_1-.Ltmp1, $4  }
0x5d: {  	[hbm:s18], [sflag:s7] =	dma.local [spmem:s31], $0x800  }
0x5e: {  	_ =	swait.ge [sflag:s20], $0x800  }
0x5f: {  	[sflag:s20] =	ssyncset.done $0x0  }
0x60: {  	[sflag:s20] =	ssyncadd.s32 $0xFFFFF800  }
0x61: {  	_ =	sfence.sel $0x180000  }
0x62: {  	[bflag:$0x0] =	sbarrier.arrive $0xFFFF  }
0x63: {  	_ =	strace $0x9000004D  }
0x64: {  	s0 =	stileid.u32;
	[bflag:$0x2] =	sbarrier.arrive $0xFFFF  }
0x65: {  	p0 =	sne.s32 s0, $0x0;
	s0 =	rddreg [dreg:$0x3]  }
0x66: {  	s0 =	sadd.s32 @!p0 $0x100000, s0  }
0x67: {  	[sflag:s0] =	ssyncadd.tile.s32 @!p0 $0x1;
	_ =	shalt  }
.Lfunc_end2:
_tile_overlayer_lowered:
.L_overlay_start_2:
0x68: {  	(tag) =	ssettag $0x2  }
0x69: {  	s0 =	rddreg [dreg:$0x0];
	s2 =	stileid.u32  }
0x6a: {  	s1 =	rddreg [dreg:$0x1];
	p0 =	sne.s32 s2, $0x0  }
0x6b: {  	s3 =	rddreg [dreg:$0x2];
	[bflag:$0x3] =	sbarrier.arrive $0xFFFF;
	s2 =	simm.s32 @!p0 $0x1C02  }
0x6c: {  	[timem:s3], [sflag:s2] =	dma.local @!p0 [hbm:s0], s1  }
0x6d: {  	s0 =	simm.s32 @!p0 $0x2  }
0x6e: {  	_ =	swait.ge @!p0 [sflag:s0], s1  }
0x6f: {  	s1 =	ssub.s32 @!p0 $0x0, s1;
	[sflag:s0] =	ssyncset.done @!p0 $0x0  }
0x70: {  	[sflag:s0] =	ssyncadd.s32 @!p0 s1  }
0x71: {  	[bflag:$0x3] =	sbarrier.arrive $0xFFFF  }
0x72: {  	_ =	shalt  }

// kernel: kernel.27.cloned.1.call-start
scs
__scs_entry_jumppad:
0x0: {  	(pc) =	sbr.rel $0x88, $3  }
0x1: {  	(tag) =	ssettag $0x0;
	lr =	simm.s32 $0x1  }
0x2: {  	[smem:$0x3F92] =	sst lr;
	_ =	strace $0xD0000000  }
0x3: {  	_ = 	snop  }
0x4: {  	_ = 	snop  }
0x5: {  	_ = 	snop  }
0x6: {  	_ = 	snop  }
0x7: {  	_ = 	snop  }
__scs_overlays_trampoline_lowered:
0x8: {  	[smem:$0x3FA1] =	sst s0  }
0x9: {  	[smem:$0x3FA2] =	sst s1  }
0xa: {  	[smem:$0x3FA3] =	sst s2  }
0xb: {  	[smem:$0x3FA4] =	sst s3  }
0xc: {  	[smem:$0x3FA5] =	sst s4  }
0xd: {  	[smem:$0x3FA6] =	sst s5  }
0xe: {  	[smem:$0x3FA7] =	sst s6  }
0xf: {  	[smem:$0x3FA8] =	sst s7  }
0x10: {  	[smem:$0x3FA9] =	sst s8  }
0x11: {  	[smem:$0x3FAA] =	sst s9;
	s0 =	simm.s32 @!p0 $0x0  }
0x12: {  	s1 =	sld [smem:$0x3F90];
	s0 =	simm.s32 @p0 $0x1  }
0x13: {  	[smem:$0x3FAB] =	sst s0;
	s0 =	simm.s32 @!p1 $0x0  }
0x14: {  	s2 =	sld [smem:$0x3F8F];
	s0 =	simm.s32 @p1 $0x1  }
0x15: {  	[smem:$0x3FAC] =	sst s0;
	s0 =	simm.s32 @!p2 $0x0  }
0x16: {  	s3 =	sld [smem:$0x3FDB];
	s0 =	simm.s32 @p2 $0x1  }
0x17: {  	s4 =	simm.s32 $0x1BF5;
	[smem:$0x3FAE] =	sst s0  }
0x18: {  	s0 =	sld [smem:$0x3F91];
	_ =	swait.ge [sflag:s4], $0x0  }
0x19: {  	s7 =	sld [smem:$0x3F92]  }
0x1a: {  	s8 =	sadd.s32 $0xFFFFE003, lr  }
0x1b: {  	s9 =	sadd.s32 $0xFFFFFEF7, lr;
	s5 =	simm.s32 $0xFFFFFFFF;
	p2 =	slt.u32 s8, $0xFFFFF086  }
0x1c: {  	p1 =	slt.u32 s9, $0xF7A;
	s5 =	simm.s32 @!p2 $0x0  }
0x1d: {  	s5 =	simm.s32 @p1 $0x1;
	p0 =	seq.s32 s7, s2  }
0x1e: {  	s7 =	smul.u32 @!p0 $0xF7A, s2;
	p2 =	seq.s32 @!p0 s5, $0x0  }
0x1f: {  	s9 =	smul.u32 $0xF7A, s1;
	s8 =	simm.s32 @!p0 $0x1BF5;
	p2 =	por !p2, p0  }
0x20: {  	[sflag:s8] =	ssyncset.s32 @!p0 $0xFFFFF086;
	s6 =	sadd.s32 @!p0 s3, s7;
	s7 =	simm.s32 @!p0 $0x108  }
0x21: {  	s3 =	sadd.s32 s3, s9;
	s6 =	sadd.s32 @!p0 $0x88, s6;
	s7 =	simm.s32 @p2 $0x1082  }
0x22: {  	[simem:s7], [sflag:s8] =	dma.local @!p0 [hbm:s6], $0xF7A  }
0x23: {  	s9 =	sor.u32 $0xD0000000, s2;
	s6 =	simm.s32 $0x108;
	_ =	swait.ge @!p0 [sflag:s8], $0x0  }
0x24: {  	s3 =	sadd.s32 $0x88, s3;
	s6 =	simm.s32 @!p1 $0x1082;
	[sflag:s4] =	ssyncset.s32 $0xFFFFF086  }
0x25: {  	[simem:s6], [sflag:s4] =	dma.local [hbm:s3], $0xF7A  }
0x26: {  	[smem:$0x3F92] =	sst s1;
	(tag) =	ssettag s2;
	_ =	strace s9  }
0x27: {  	s1 =	sld [smem:$0x3FA2]  }
0x28: {  	s2 =	sld [smem:$0x3FA3]  }
0x29: {  	s4 =	sld [smem:$0x3FA5]  }
0x2a: {  	p0 =	seq.s32 s5, $0x0;
	s5 =	sld [smem:$0x3FA6]  }
0x2b: {  	s6 =	sld [smem:$0x3FA7]  }
0x2c: {  	s7 =	sld [smem:$0x3FA8]  }
0x2d: {  	s3 =	simm.s32 $0x108;
	s8 =	sld [smem:$0x3FA9]  }
0x2e: {  	s3 =	simm.s32 @!p0 $0x1082;
	s9 =	sld [smem:$0x3FAA]  }
0x2f: {  	lr =	sadd.s32 s0, s3;
	s0 =	sld [smem:$0x3FA1]  }
0x30: {  	s3 =	sld [smem:$0x3FA4]  }
0x31: {  	[smem:$0x3FAD] =	sst s10  }
0x32: {  	s10 =	sld [smem:$0x3FAB];
	_ =	sdelay $0x3  }
0x33: {  	p0 =	seq.s32 s10, $0x1;
	s10 =	sld [smem:$0x3FAD];
	_ =	sdelay $0x3  }
0x34: {  	[smem:$0x3FAD] =	sst s10  }
0x35: {  	s10 =	sld [smem:$0x3FAC];
	_ =	sdelay $0x3  }
0x36: {  	p1 =	seq.s32 s10, $0x1;
	s10 =	sld [smem:$0x3FAD];
	_ =	sdelay $0x3  }
0x37: {  	[smem:$0x3FAD] =	sst s10  }
0x38: {  	s10 =	sld [smem:$0x3FAE]  }
0x39: {  	_ = 	snop;
	(pc) =	sbr.ind lr, $3  }
0x3a: {  	_ = 	snop  }
0x3b: {  	_ = 	snop  }
0x3c: {  	p2 =	seq.s32 s10, $0x1;
	s10 =	sld [smem:$0x3FAD]  }
0x3d: {  	_ =	shalt  }
0x3e: {  	_ =	shalt  }
0x3f: {  	_ =	shalt  }
0x40: {  	_ =	shalt  }
0x41: {  	_ =	shalt  }
0x42: {  	_ =	shalt  }
0x43: {  	_ =	shalt  }
0x44: {  	_ =	shalt  }
0x45: {  	_ =	shalt  }
0x46: {  	_ =	shalt  }
0x47: {  	_ =	shalt  }
0x48: {  	_ =	shalt  }
0x49: {  	_ =	shalt  }
0x4a: {  	_ =	shalt  }
0x4b: {  	_ =	shalt  }
0x4c: {  	_ =	shalt  }
0x4d: {  	_ =	shalt  }
0x4e: {  	_ =	shalt  }
0x4f: {  	_ =	shalt  }
0x50: {  	_ =	shalt  }
0x51: {  	_ =	shalt  }
0x52: {  	_ =	shalt  }
0x53: {  	_ =	shalt  }
0x54: {  	_ =	shalt  }
0x55: {  	_ =	shalt  }
0x56: {  	_ =	shalt  }
0x57: {  	_ =	shalt  }
0x58: {  	_ =	shalt  }
0x59: {  	_ =	shalt  }
0x5a: {  	_ =	shalt  }
0x5b: {  	_ =	shalt  }
0x5c: {  	_ =	shalt  }
0x5d: {  	_ =	shalt  }
0x5e: {  	_ =	shalt  }
0x5f: {  	_ =	shalt  }
0x60: {  	_ =	shalt  }
0x61: {  	_ =	shalt  }
0x62: {  	_ =	shalt  }
0x63: {  	_ =	shalt  }
0x64: {  	_ =	shalt  }
0x65: {  	_ =	shalt  }
0x66: {  	_ =	shalt  }
0x67: {  	_ =	shalt  }
0x68: {  	_ =	shalt  }
0x69: {  	_ =	shalt  }
0x6a: {  	_ =	shalt  }
0x6b: {  	_ =	shalt  }
0x6c: {  	_ =	shalt  }
0x6d: {  	_ =	shalt  }
0x6e: {  	_ =	shalt  }
0x6f: {  	_ =	shalt  }
0x70: {  	_ =	shalt  }
0x71: {  	_ =	shalt  }
0x72: {  	_ =	shalt  }
0x73: {  	_ =	shalt  }
0x74: {  	_ =	shalt  }
0x75: {  	_ =	shalt  }
0x76: {  	_ =	shalt  }
0x77: {  	_ =	shalt  }
0x78: {  	_ =	shalt  }
0x79: {  	_ =	shalt  }
0x7a: {  	_ =	shalt  }
0x7b: {  	_ =	shalt  }
0x7c: {  	_ =	shalt  }
0x7d: {  	_ =	shalt  }
0x7e: {  	_ =	shalt  }
0x7f: {  	_ =	shalt  }
0x80: {  	_ =	shalt  }
0x81: {  	_ =	shalt  }
0x82: {  	_ =	shalt  }
0x83: {  	_ =	shalt  }
0x84: {  	_ =	shalt  }
0x85: {  	_ =	shalt  }
0x86: {  	_ =	shalt  }
0x87: {  	_ =	shalt  }
.Lfunc_end0:
.L_simem_size_0:
called_computation.3_lowered:
.L_overlay_start_0:
0x88: {  	s2 =	sld [smem:$0x3FD9]  }
0x89: {  	s3 =	sld [smem:$0x3FFE];
	_ =	sdelay $0x1  }
0x8a: {  	s1 =	srdreg.scid  }
0x8b: {  	s0 =	sand.u32 $0x1, s1  }
0x8c: {  	s14 =	sshll.u32 s0, $0xA;
	s2 =	sadd.s32 s3, s2  }
0x8d: {  	s2 =	sadd.s32 s2, s14  }
0x8e: {  	[smem:$0x3FB9] =	sst s2  }
0x8f: {  	_ = 	snop  }
0x90: {  	s2 =	sld [smem:$0x3FD0];
	_ =	sdelay $0x2  }
0x91: {  	s15 =	simm.s32 $0xA;
	s4 =	simm.s32 $0x10  }
0x92: {  	[smem:s4], [sflag:s15] =	dma.local [hbm:s2], $0x1  }
0x93: {  	_ =	swait.eq [sflag:s15], $0x1  }
0x94: {  	[sflag:s15] =	ssyncset.done $0x0  }
0x95: {  	[sflag:s15] =	ssyncadd.s32 $0xFFFFFFFF  }
0x96: {  	s16 =	sld [smem:$0x11];
	(tm) =	ssettm $0x1  }
0x97: {  	s17 =	sld [smem:$0x3FFB];
	_ =	sdelay $0x3  }
0x98: {  	_ =	strace s17  }
0x99: {  	s3 =	sld [smem:$0x3FFC];
	_ =	sdelay $0x3  }
0x9a: {  	_ =	strace s3  }
0x9b: {  	s3 =	sld [smem:$0x3FFD];
	_ =	sdelay $0x3  }
0x9c: {  	_ =	strace s3  }
0x9d: {  	_ =	strace $0x8FFFFFFF  }
0x9e: {  	s18 =	sld [smem:$0x3FDB];
	_ =	sdelay $0x1  }
0x9f: {  	s19 =	simm.s32 $_scs_section_size  }
0xa0: {  	s5 =	simm.s32 $_size__tile_overlayer_lowered;
	s6 =	simm.s32 $_tile_overlayer_lowered  }
0xa1: {  	s22 =	simm.s32 $0x1BFF;
	s21 =	sshll.u32 s6, $0x1;
	s3 =	sadd.s32 s19, s18  }
0xa2: {  	s7 =	simm.s32 $0x0;
	s20 =	sshll.u32 s5, $0x1;
	s5 =	sadd.s32 s21, s3  }
0xa3: {  	[timem:s7], [sflag:s22] =	dma.local [hbm:s5], s20  }
0xa4: {  	_ =	swait.ge [sflag:s22], s20  }
0xa5: {  	s4 =	ssub.s32 $0x0, s20;
	[sflag:s22] =	ssyncset.done $0x0  }
0xa6: {  	[sflag:s22] =	ssyncadd.s32 s4;
	_ =	sdelay $0x1  }
0xa7: {  	s23 =	simm.s32 $0x1B8B  }
0xa8: {  	_ =	swait.ge [sflag:s23], $0x1  }
0xa9: {  	[sflag:s23] =	ssyncset.done $0x0  }
0xaa: {  	s25 =	simm.s32 $0x1B8E;
	s24 =	sld [smem:$0x3FFE];
	[sflag:s23] =	ssyncadd.s32 $0xFFFFFFFF  }
0xab: {  	s26 =	simm.s32 $execute0_lowered;
	[smem:$0x3FD2] =	sst s25  }
0xac: {  	s5 =	sshll.u32 s26, $0x1;
	_ =	strace $0x8000004F;
	[dreg:$0x1] =	wrdreg $0xFFFFFFFF  }
0xad: {  	s28 =	simm.s32 $_size_execute0_lowered;
	s3 =	sadd.s32 s3, s5;
	[dreg:$0x0] =	wrdreg $0x0  }
0xae: {  	s5 =	sshll.u32 s28, $0x1;
	[dreg:$0x2] =	wrdreg s3  }
0xaf: {  	[dreg:$0x3] =	wrdreg s5  }
0xb0: {  	[dreg:$0x4] =	wrdreg $0xC0  }
0xb1: {  	_ =	task [dreg:s7], $0x5FFFF  }
0xb2: {  	[dreg:$0x1] =	wrdreg $0xFFFFFFFF  }
0xb3: {  	[dreg:$0x0] =	wrdreg $0x60  }
0xb4: {  	[dreg:$0x2] =	wrdreg s24  }
0xb5: {  	[dreg:$0x3] =	wrdreg s16  }
0xb6: {  	[dreg:$0x4] =	wrdreg $0x90000  }
0xb7: {  	[dreg:$0x5] =	wrdreg $0x9  }
0xb8: {  	_ =	task.clear_ibuf [dreg:s7], $0x6FFFF;
	_ =	strace $0x9000004F  }
0xb9: {  	s29 =	simm.s32 $0x9;
	_ =	strace $0x80000051  }
0xba: {  	_ =	swait.ge [sflag:s29], $0x1  }
0xbb: {  	[sflag:s29] =	ssyncadd.s32 $0xFFFFFFFF  }
0xbc: {  	_ =	strace $0x90000051  }
0xbd: {  	_ =	sfence  }
0xbe: {  	s30 =	sld [smem:$0x0];
	_ =	sdelay $0x2  }
0xbf: {  	s31 =	sshll.u32 s1, $0xD;
	s1 =	sshrl.u32 s1, $0x2  }
0xc0: {  	s3 =	sand.u32 $0x4000, s31;
	s1 =	sadd.s32 s1, s30  }
0xc1: {  	s0 =	sor.u32 s3, s0;
	s1 =	sshll.u32 s1, $0x11  }
0xc2: {  	s0 =	sor.u32 s1, s0  }
0xc3: {  	s0 =	sadd.s32 $0x8F2B, s0  }
0xc4: {  	[sflag:s0] =	ssyncadd.remote.s32 $0x1  }
0xc5: {  	_ =	sfence.sel $0xFFFF  }
0xc6: {  	[dreg:$0x0] =	wrdreg $0xFFFFFFFF;
	(pc) =	sbr.abs _section_cstart, $3  }
0xc7: {  	[dreg:$0x1] =	wrdreg $0xFFFFFFFF  }
0xc8: {  	_ =	task.clear_ibuf [dreg:s7], $0x2FFFF;
	_ =	strace $0x9FFFFFFF  }
0xc9: {  	(tm) =	ssettm $0x7FFFFFFF  }
tec
execute0_lowered:
.L_overlay_start_1:
0x0: {  	(tag) =	ssettag $0x1  }
0x1: {  	s0 =	rddreg [dreg:$0x0]  }
0x2: {  	s2 =	rddreg [dreg:$0x1];
	s1 =	srdreg.scid  }
0x3: {  	s4 =	stileid.u32;
	s3 =	rddreg [dreg:$0x2]  }
0x4: {  	s6 =	simm.s32 $0x0;
	s20 =	simm.s32 $0x2;
	s22 =	simm.s32 $0x80  }
0x5: {  	s23 =	simm.s32 $0x5000;
	s24 =	simm.s32 $0x1;
	s25 =	simm.s32 $0x0  }
0x6: {  	s1 =	sand.u32 $0x1, s1;
	s5 =	sshll.u32 s4, $0x1;
	s7 =	smul.u32 $0x50000, s4  }
0x7: {  	[smem:$0x7FF] =	sst s6;
	s14 =	smul.u32 $0x14000, s4;
	s31 =	sshll.u32 s4, $0x6  }
0x8: {  	s5 =	sor.u32 s1, s5;
	s29 =	ssub.s32 $0x2, s1;
	s1 =	smul.u32 $0x140000, s1  }
0x9: {  	_ =	strace $0x80000050;
	s5 =	smul.u32 $0x500, s5;
	s8 =	sshrl.u32 s29, $0x1  }
0xa: {  	s30 =	sshrl.u32 s7, $0x2;
	s15 =	sadd.s32 $0x4000, s14;
	s7 =	sor.u32 $0x1C02, s31  }
0xb: {  	s16 =	sadd.s32 $0x8000, s14;
	s17 =	sadd.s32 $0xC000, s14;
	s18 =	sadd.s32 $0x10000, s14  }
0xc: {  	s19 =	ssub.s32 s29, s8;
	s6 =	sadd.s32 s30, s3;
	s8 =	sadd.s32 s15, s3  }
0xd: {  	s9 =	sadd.s32 s16, s3;
	s10 =	sadd.s32 s17, s3;
	s11 =	sadd.s32 s18, s3  }
0xe: {  	s14 =	sadd.s32 s14, s1;
	s15 =	sadd.s32 s1, s15;
	s16 =	sadd.s32 s1, s16  }
0xf: {  	s17 =	sadd.s32 s1, s17;
	s1 =	sadd.s32 s1, s18;
	s13 =	sadd.s32 s5, s0  }
0x10: {  	s5 =	sadd.s32 $0xE400, s0;
	s0 =	sadd.s32 $0xEC00, s0;
	s14 =	sshrl.u32 s14, $0x3  }
0x11: {  	s15 =	sshrl.u32 s15, $0x3;
	s16 =	sshrl.u32 s16, $0x3;
	s17 =	sshrl.u32 s17, $0x3  }
0x12: {  	s1 =	sshrl.u32 s1, $0x3;
	s19 =	smax.u32 s19, $0x1;
	s12 =	sadd.s32 $0x5EC00, s13  }
0x13: {  	s13 =	sadd.s32 $0x4400, s13;
	s14 =	sadd.s32 s0, s14;
	s15 =	sadd.s32 s0, s15  }
0x14: {  	s16 =	sadd.s32 s0, s16;
	s17 =	sadd.s32 s0, s17;
	s18 =	sadd.s32 s0, s1  }
.LBB2_1:
0x15: {  	s26 =	sshrl.u32 s6, $0x3  }
0x16: {  	[spmem:s26], [sflag:s7] =	dma.local [hbm:s5], $0x800  }
0x17: {  	_ =	swait.ge [sflag:s20], $0x800  }
0x18: {  	[sflag:s20] =	ssyncset.done $0x0  }
0x19: {  	s28 =	sshrl.u32 s8, $0x3;
	[sflag:s20] =	ssyncadd.s32 $0xFFFFF800  }
0x1a: {  	[spmem:s28], [sflag:s7] =	dma.local [hbm:s5], $0x800  }
0x1b: {  	_ =	swait.ge [sflag:s20], $0x800  }
0x1c: {  	[sflag:s20] =	ssyncset.done $0x0  }
0x1d: {  	s29 =	sshrl.u32 s9, $0x3;
	[sflag:s20] =	ssyncadd.s32 $0xFFFFF800  }
0x1e: {  	[spmem:s29], [sflag:s7] =	dma.local [hbm:s5], $0x800  }
0x1f: {  	_ =	swait.ge [sflag:s20], $0x800  }
0x20: {  	[sflag:s20] =	ssyncset.done $0x0  }
0x21: {  	s30 =	sshrl.u32 s10, $0x3;
	[sflag:s20] =	ssyncadd.s32 $0xFFFFF800  }
0x22: {  	[spmem:s30], [sflag:s7] =	dma.local [hbm:s5], $0x800  }
0x23: {  	_ =	swait.ge [sflag:s20], $0x800  }
0x24: {  	[sflag:s20] =	ssyncset.done $0x0  }
0x25: {  	s31 =	sshrl.u32 s11, $0x3;
	[sflag:s20] =	ssyncadd.s32 $0xFFFFF800  }
0x26: {  	[spmem:s31], [sflag:s7] =	dma.local [hbm:s5], $0x800  }
0x27: {  	_ =	swait.ge [sflag:s20], $0x800  }
0x28: {  	[sflag:s20] =	ssyncset.done $0x0  }
0x29: {  	s0 =	simm.s32 $0x0;
	[sflag:s20] =	ssyncadd.s32 $0xFFFFF800  }
0x2a: {  	[tilespmem:s0], [sflag:$0x2] =	stream.linear.gather [hbm4b:s12+s0], $0x2780, $0x38;
	[tilespmem:$0x1D000] =	vst v63  }
0x2b: {  	_ =	swait.ge [sflag:s20], $0x2780  }
0x2c: {  	[sflag:s20] =	ssyncset.done $0x0  }
0x2d: {  	s1 =	simm.s32 $0x2800;
	[sflag:s20] =	ssyncadd.s32 $0xFFFFD880  }
0x2e: {  	[tilespmem:s1], [sflag:$0x2] =	stream.linear.gather [hbm4b:s13+s0], $0x2780, $0x38;
	[tilespmem:$0x1D000] =	vst v63  }
0x2f: {  	_ =	swait.ge [sflag:s20], $0x2780  }
0x30: {  	[sflag:s20] =	ssyncset.done $0x0  }
0x31: {  	[sflag:s20] =	ssyncadd.s32 $0xFFFFD880  }
0x32: {  	s4 =	simm.s32 $0x0;
	[bflag:$0x0] =	sbarrier.arrive $0xFFFF  }
0x33: {  	[tilespmem:s23], [sflag:$0x1] =	stream.indirect.gather [hbm4b:s2+s22], $0x80, s4, s22, $0xb8;
	[tilespmem:$0x1D000] =	vst v63  }
0x34: {  	_ =	swait.ge [sflag:s24], $0x4000  }
0x35: {  	[sflag:s24] =	ssyncset.done $0x0  }
0x36: {  	s21 =	simm.s32 $0x2800;
	[sflag:s24] =	ssyncadd.s32 $0xFFFFC000  }
0x37: {  	[spmem:s3] =	stream.indirect.scatter.add.f32 [tilespmem:s23], [sflag:$0x2], $0x80, s21, s22, $0xb8;
	[tilespmem:$0x1D000] =	vst v63  }
0x38: {  	_ =	swait.ge [sflag:s20], $0x4000  }
0x39: {  	s1 =	simm.s32 $0x200;
	s0 =	simm.s32 $0x400;
	[sflag:s20] =	ssyncset.done $0x0  }
.LBB2_2:
0x3a: {  	s21 =	sshra.s32 s1, $0x2  }
0x3b: {  	[sflag:s20] =	ssyncadd.s32 $0xFFFFC000;
	s1 =	smov.u32 s0;
	s4 =	sadd.s32 $0x200, s0  }
0x3c: {  	[tilespmem:s23], [sflag:$0x1] =	stream.indirect.gather [hbm4b:s2+s22], $0x80, s21, s22, $0xb8;
	[tilespmem:$0x1D000] =	vst v63  }
0x3d: {  	p0 =	sne.s32 s0, $0x9C00;
	_ =	swait.ge [sflag:s24], $0x4000  }
.Ltmp0:
0x3e: {  	[sflag:s24] =	ssyncset.done $0x0;
	(pc) =	sbr.rel @p0 .LBB2_2-.Ltmp0, $4  }
0x3f: {  	s0 =	sadd.s32 $0x2800, s21;
	[sflag:s24] =	ssyncadd.s32 $0xFFFFC000  }
0x40: {  	[spmem:s3] =	stream.indirect.scatter.add.f32 [tilespmem:s23], [sflag:$0x2], $0x80, s0, s22, $0xb8;
	[tilespmem:$0x1D000] =	vst v63  }
0x41: {  	_ =	swait.ge [sflag:s20], $0x4000  }
0x42: {  	s0 =	smov.u32 s4;
	[sflag:s20] =	ssyncset.done $0x0  }
0x43: {  	s0 =	sshra.s32 s1, $0x2;
	[sflag:s20] =	ssyncadd.s32 $0xFFFFC000  }
0x44: {  	[tilespmem:s23], [sflag:$0x1] =	stream.indirect.gather [hbm4b:s2+s22], $0x80, s0, s22, $0xb8;
	[tilespmem:$0x1D000] =	vst v63  }
0x45: {  	_ =	swait.ge [sflag:s24], $0x4000  }
0x46: {  	[sflag:s24] =	ssyncset.done $0x0  }
0x47: {  	s0 =	sadd.s32 $0x2800, s0;
	[sflag:s24] =	ssyncadd.s32 $0xFFFFC000  }
0x48: {  	[spmem:s3] =	stream.indirect.scatter.add.f32 [tilespmem:s23], [sflag:$0x2], $0x80, s0, s22, $0xb8;
	[tilespmem:$0x1D000] =	vst v63  }
0x49: {  	_ =	swait.ge [sflag:s20], $0x4000  }
0x4a: {  	[sflag:s20] =	ssyncset.done $0x0  }
0x4b: {  	[sflag:s20] =	ssyncadd.s32 $0xFFFFC000  }
0x4c: {  	[bflag:$0x0] =	sbarrier.arrive $0xFFFF  }
0x4d: {  	[hbm:s14], [sflag:s7] =	dma.local [spmem:s26], $0x800  }
0x4e: {  	_ =	swait.ge [sflag:s20], $0x800  }
0x4f: {  	[sflag:s20] =	ssyncset.done $0x0  }
0x50: {  	[sflag:s20] =	ssyncadd.s32 $0xFFFFF800  }
0x51: {  	[hbm:s15], [sflag:s7] =	dma.local [spmem:s28], $0x800  }
0x52: {  	_ =	swait.ge [sflag:s20], $0x800  }
0x53: {  	[sflag:s20] =	ssyncset.done $0x0  }
0x54: {  	[sflag:s20] =	ssyncadd.s32 $0xFFFFF800  }
0x55: {  	[hbm:s16], [sflag:s7] =	dma.local [spmem:s29], $0x800  }
0x56: {  	_ =	swait.ge [sflag:s20], $0x800  }
0x57: {  	[sflag:s20] =	ssyncset.done $0x0  }
0x58: {  	[sflag:s20] =	ssyncadd.s32 $0xFFFFF800  }
0x59: {  	[hbm:s17], [sflag:s7] =	dma.local [spmem:s30], $0x800  }
0x5a: {  	s25 =	sadd.s32 $0x1, s25;
	_ =	swait.ge [sflag:s20], $0x800  }
0x5b: {  	p0 =	sne.s32 s25, s19;
	[sflag:s20] =	ssyncset.done $0x0  }
.Ltmp1:
0x5c: {  	[sflag:s20] =	ssyncadd.s32 $0xFFFFF800;
	(pc) =	sbr.rel @p0 .LBB2_1-.Ltmp1, $4  }
0x5d: {  	[hbm:s18], [sflag:s7] =	dma.local [spmem:s31], $0x800  }
0x5e: {  	_ =	swait.ge [sflag:s20], $0x800  }
0x5f: {  	[sflag:s20] =	ssyncset.done $0x0  }
0x60: {  	[sflag:s20] =	ssyncadd.s32 $0xFFFFF800  }
0x61: {  	_ =	sfence.sel $0x180000  }
0x62: {  	[bflag:$0x0] =	sbarrier.arrive $0xFFFF  }
0x63: {  	_ =	strace $0x90000050  }
0x64: {  	s0 =	stileid.u32;
	[bflag:$0x2] =	sbarrier.arrive $0xFFFF  }
0x65: {  	p0 =	sne.s32 s0, $0x0;
	s0 =	rddreg [dreg:$0x3]  }
0x66: {  	s0 =	sadd.s32 @!p0 $0x100000, s0  }
0x67: {  	[sflag:s0] =	ssyncadd.tile.s32 @!p0 $0x1;
	_ =	shalt  }
.Lfunc_end2:
_tile_overlayer_lowered:
.L_overlay_start_2:
0x68: {  	(tag) =	ssettag $0x2  }
0x69: {  	s0 =	rddreg [dreg:$0x0];
	s2 =	stileid.u32  }
0x6a: {  	s1 =	rddreg [dreg:$0x1];
	p0 =	sne.s32 s2, $0x0  }
0x6b: {  	s3 =	rddreg [dreg:$0x2];
	[bflag:$0x3] =	sbarrier.arrive $0xFFFF;
	s2 =	simm.s32 @!p0 $0x1C02  }
0x6c: {  	[timem:s3], [sflag:s2] =	dma.local @!p0 [hbm:s0], s1  }
0x6d: {  	s0 =	simm.s32 @!p0 $0x2  }
0x6e: {  	_ =	swait.ge @!p0 [sflag:s0], s1  }
0x6f: {  	s1 =	ssub.s32 @!p0 $0x0, s1;
	[sflag:s0] =	ssyncset.done @!p0 $0x0  }
0x70: {  	[sflag:s0] =	ssyncadd.s32 @!p0 s1  }
0x71: {  	[bflag:$0x3] =	sbarrier.arrive $0xFFFF  }
0x72: {  	_ =	shalt  }

</sc_bundles>
